<compile_context>
chip_gen: v7x
topology: tpu7x:2x2x1
jax: 0.10.2.dev20260603
libtpu: 0.0.44.dev20260713+nightly
codegen_flags: <defaults>
</compile_context>

<pallas_src>
import functools

import jax
import jax.numpy as jnp
from jax import lax
from jax.experimental import pallas as pl
from jax.experimental.pallas import tpu as pltpu
from jax.experimental.pallas import tpu_sc as plsc

NC = 2
NS = 16
NW = NC * NS
LANES = 16

VOCAB = 256
EMB = 64
IDS_PER = 128
GW = 128


def _sc_counts_and_gather(ids_flat, act2d, wtb):
    n = ids_flat.shape[0] // IDS_PER
    tpw = n // NW
    chunk = 32
    nch = tpw // chunk
    act_rows = tpw // 64
    mesh = plsc.VectorSubcoreMesh(core_axis_name="c", subcore_axis_name="s")

    @functools.partial(
        pl.kernel,
        out_type=(
            jax.ShapeDtypeStruct((n * VOCAB,), jnp.float32),
            jax.ShapeDtypeStruct((n, GW), jnp.float32),
        ),
        mesh=mesh,
        compiler_params=pltpu.CompilerParams(needs_layout_passes=False),
        scratch_types=[
            pltpu.VMEM((act_rows, 64), jnp.int32),
            pltpu.VMEM((2 * chunk * IDS_PER,), jnp.int32),
            pltpu.VMEM((2 * chunk * VOCAB,), jnp.float32),
            pltpu.VMEM((128, GW), jnp.float32),
            pltpu.SemaphoreType.DMA,
            pltpu.SemaphoreType.DMA,
            pltpu.SemaphoreType.DMA,
            pltpu.SemaphoreType.DMA,
        ],
    )
    def sc_kernel(ids_hbm, act_hbm, wtb_hbm, counts_hbm, wg_hbm,
                  aidx_v, ids_v, cnt_v, wrow_v,
                  gsem, isem, osem, wsem):
        wid = lax.axis_index("s") * NC + lax.axis_index("c")
        base = wid * tpw
        pltpu.sync_copy(act_hbm.at[pl.ds(wid * act_rows, act_rows)], aidx_v)
        gathers = {}
        wouts = {}

        def fire_gather(h):
            gathers[h] = pltpu.async_copy(
                wtb_hbm.at[aidx_v.at[h]],
                wrow_v.at[pl.ds((h % 2) * 64, 64)], gsem)

        def drain_gather_out(h):
            gathers[h].wait()
            wouts[h] = pltpu.async_copy(
                wrow_v.at[pl.ds((h % 2) * 64, 64)],
                wg_hbm.at[pl.ds(base + h * 64, 64)], wsem)

        fire_gather(0)
        fire_gather(1)

        zeros = jnp.zeros((LANES,), jnp.float32)
        ones = jnp.ones((LANES,), jnp.float32)
        clen_i = chunk * IDS_PER
        clen_c = chunk * VOCAB

        def fire_ids(c):
            return pltpu.async_copy(
                ids_hbm.at[pl.ds((base + c * chunk) * IDS_PER, clen_i)],
                ids_v.at[pl.ds((c % 2) * clen_i, clen_i)], isem)

        def make_tok(ibase, cbase2):
            def tok(t, carry):
                for j in range(VOCAB // LANES):
                    cnt_v[pl.ds(cbase2 + t * VOCAB + j * LANES, LANES)] = zeros
                off = jnp.full((LANES,), cbase2 + t * VOCAB, jnp.int32)
                for j in range(IDS_PER // LANES):
                    idx = ids_v[pl.ds(ibase + t * IDS_PER + j * LANES, LANES)]
                    plsc.addupdate_scatter(cnt_v, [off + idx], ones)
                return carry
            return tok

        in_flight = [fire_ids(0)]
        outs = []
        for c in range(nch):
            in_flight[c].wait()
            if c + 1 < nch:
                in_flight.append(fire_ids(c + 1))
            if c >= 2:
                outs[c - 2].wait()
            if c == 2:
                drain_gather_out(0)
            elif c == 3:
                wouts[0].wait()
                fire_gather(2)
            elif c == 4:
                drain_gather_out(1)
            elif c == 5:
                wouts[1].wait()
                fire_gather(3)
            elif c == 6:
                drain_gather_out(2)
            lax.fori_loop(0, chunk,
                          make_tok((c % 2) * clen_i, (c % 2) * clen_c), 0)
            outs.append(pltpu.async_copy(
                cnt_v.at[pl.ds((c % 2) * clen_c, clen_c)],
                counts_hbm.at[pl.ds((base + c * chunk) * VOCAB,
                                    clen_c)], osem))
        outs[nch - 2].wait()
        outs[nch - 1].wait()
        drain_gather_out(3)
        wouts[2].wait()
        wouts[3].wait()

    return sc_kernel(ids_flat, act2d, wtb)


def _tc_body(seg_tiles, counts_ref, wg_ref, table_ref, w_ref,
             b_ref, end_ref, rew_ref, out_ref, rtg_ref, end_scr):
    i = pl.program_id(0)
    f32 = jnp.float32

    @pl.when(i == 0)
    def _once():
        n_seg = rew_ref.shape[0]
        seg = rew_ref.shape[2]
        rewf = rew_ref[...].reshape(n_seg, seg)
        uu = lax.broadcasted_iota(jnp.int32, (seg, seg), 0)
        kk = lax.broadcasted_iota(jnp.int32, (seg, seg), 1)
        gfull = (uu >= kk).astype(f32)
        rtg_ref[...] = jnp.dot(rewf, gfull, preferred_element_type=f32,
                               precision=lax.Precision.HIGHEST)
        out_ref[...] = jnp.zeros((1, 1), f32)
        e = end_ref[...]
        iota_v = lax.broadcasted_iota(jnp.int32, (8, 16, VOCAB), 2)
        ec = (e[:, :, None] == iota_v).astype(f32)
        ec = ec.sum(axis=0).sum(axis=0).reshape(1, VOCAB)
        end_scr[...] = jnp.dot(ec, table_ref[...], preferred_element_type=f32)

    counts = counts_ref[...]
    table = table_ref[...]
    state_sum = jnp.dot(counts, table, preferred_element_type=f32)

    state = (state_sum - end_scr[...]) * (1.0 / IDS_PER)

    logits = jnp.dot(state, w_ref[...],
                     preferred_element_type=f32) + b_ref[...]
    m = jnp.max(logits, axis=1, keepdims=True)
    se = jnp.sum(jnp.exp(logits - m), axis=1, keepdims=True)
    lse = m + jnp.log(se)

    wg = wg_ref[...]
    col = lax.broadcasted_iota(jnp.int32, wg.shape, 1)
    bias_mask = (col == EMB).astype(f32)
    chosen = jnp.sum(state * wg + bias_mask * wg, axis=1, keepdims=True)
    lp = chosen - lse

    r_tile = counts.shape[0]
    seg_i = i // seg_tiles
    off = lax.rem(i, seg_tiles) * r_tile
    rtg_row = rtg_ref[pl.ds(seg_i, 1), pl.ds(off, r_tile)]
    contrib = jnp.dot(rtg_row, lp, preferred_element_type=f32)

    out_ref[...] = out_ref[...] - contrib


def _tc_loss(counts, wg, table128, w128, b2, end_ids, rew3, interpret=False):
    n = counts.shape[0]
    r_tile = 1024
    n_seg = rew3.shape[0]
    seg = rew3.shape[2]
    num_actions = w128.shape[1]
    seg_tiles = seg // r_tile
    grid = (n // r_tile,)
    return pl.pallas_call(
        functools.partial(_tc_body, seg_tiles),
        grid=grid,
        in_specs=[
            pl.BlockSpec((r_tile, VOCAB), lambda i: (i, 0)),
            pl.BlockSpec((r_tile, GW), lambda i: (i, 0)),
            pl.BlockSpec((VOCAB, GW), lambda i: (0, 0)),
            pl.BlockSpec((GW, num_actions), lambda i: (0, 0)),
            pl.BlockSpec((1, num_actions), lambda i: (0, 0)),
            pl.BlockSpec((8, 16), lambda i: (0, 0)),
            pl.BlockSpec((n_seg, 1, seg), lambda i: (0, 0, 0)),
        ],
        out_specs=pl.BlockSpec((1, 1), lambda i: (0, 0)),
        out_shape=jax.ShapeDtypeStruct((1, 1), jnp.float32),
        scratch_shapes=[pltpu.VMEM((n_seg, seg), jnp.float32),
                        pltpu.VMEM((1, GW), jnp.float32)],
        interpret=interpret,
    )(counts, wg, table128, w128, b2, end_ids, rew3)


def kernel(id_seqs, action_ids, rewards, tr_lengths, end_ids, emb_table, W, b):
    n = id_seqs.shape[0]
    n_seg = tr_lengths.shape[0]
    seg = n // n_seg
    num_actions = W.shape[1]

    ids_flat = id_seqs.reshape(n * IDS_PER).astype(jnp.int32)
    act2d = action_ids.reshape(n // 64, 64).astype(jnp.int32)
    wtb = jnp.concatenate(
        [W.T, b[:, None],
         jnp.zeros((num_actions, GW - EMB - 1), jnp.float32)], axis=1)

    counts_flat, wg = _sc_counts_and_gather(ids_flat, act2d, wtb)
    counts = counts_flat.reshape(n, VOCAB)

    table128 = jnp.concatenate(
        [emb_table, jnp.zeros((VOCAB, GW - EMB), jnp.float32)], axis=1)
    w128 = jnp.concatenate(
        [W, jnp.zeros((GW - EMB, num_actions), jnp.float32)], axis=0)
    rew3 = rewards.reshape(n_seg, 1, seg)

    loss = _tc_loss(counts, wg, table128, w128, b[None, :],
                    end_ids.astype(jnp.int32), rew3)
    return loss[0, 0]

# --- scband reference (transcript-rebuilt; emitter-appended) ---
"""Pipeline reference for scband-actor-critic-65944927863409 (READ-ONLY COPY).

The authoritative reference and input builder live on the scoring server;
editing this copy changes nothing except your own understanding.
"""

import jax, jax.numpy as jnp
import numpy as np

TOTAL_TOK = 8192
B_TRAJ = 8
POS = 8
WORDS = 16
VOCAB = 256
EMB = 64
NUM_ACTIONS = 2000


def setup_inputs(seed: int = 0) -> dict:
    key = jax.random.key(seed)
    k1, k2, k3, k4, k5, k6, k7 = jax.random.split(key, 7)
    id_seqs = jax.random.randint(k1, (TOTAL_TOK, POS, WORDS), 0, VOCAB, dtype=jnp.int64 if jax.config.read('jax_enable_x64') else jnp.int32)
    action_ids = jax.random.randint(k2, (TOTAL_TOK,), 0, NUM_ACTIONS)
    rewards = jax.random.normal(k3, (TOTAL_TOK,), dtype=jnp.float32)
    # equal-length trajectories: lengths sum to TOTAL_TOK (mirrors trajectories list)
    tr_lengths = jnp.full((B_TRAJ,), TOTAL_TOK // B_TRAJ, dtype=jnp.int32)
    end_ids = jax.random.randint(k4, (POS, WORDS), 0, VOCAB)
    emb_table = jax.random.normal(k5, (VOCAB, EMB), dtype=jnp.float32) * 0.02
    W = jax.random.normal(k6, (EMB, NUM_ACTIONS), dtype=jnp.float32) * 0.02
    b = jax.random.normal(k7, (NUM_ACTIONS,), dtype=jnp.float32) * 0.01
    return {
        'id_seqs': id_seqs,
        'action_ids': action_ids,
        'rewards': rewards,
        'tr_lengths': tr_lengths,
        'end_ids': end_ids,
        'emb_table': emb_table,
        'W': W,
        'b': b,
    }


def reference(id_seqs, action_ids, rewards, tr_lengths, end_ids, emb_table, W, b):
    # --- get_policy ---
    emb = jnp.take(emb_table, id_seqs, axis=0)          # (batch, pos, word, emb)
    word_repr = emb.mean(axis=1)                         # (batch, word, emb)  mean over pos
    end_emb = jnp.take(emb_table, end_ids, axis=0)       # (pos, word, emb)
    end_word_repr = end_emb.mean(axis=0)                 # (word, emb)
    state_repr = (word_repr - end_word_repr[None]).mean(axis=1)  # (batch, emb)  mean over word
    action_logits = state_repr @ W + b                   # (batch, num_actions)
    # Categorical.log_prob(action_ids)
    log_probs_all = jax.nn.log_softmax(action_logits, axis=-1)
    log_probs = jnp.take_along_axis(log_probs_all, action_ids[:, None], axis=1)[:, 0]
    # --- reward-to-go via ragged trajectory segments ---
    rews = rewards
    n = rews.shape[0]
    cum_lengths = jnp.cumsum(tr_lengths)                 # (B,)
    start_new = jnp.zeros((n,), dtype=jnp.int32).at[cum_lengths[:-1]].set(1)  # scatter_ overwrite
    which_tr = jnp.cumsum(start_new)                     # (n,) trajectory id per token
    up_to_ids = jnp.take(cum_lengths, which_tr) - 1      # (n,) last index of own trajectory
    cum_rews = jnp.cumsum(rews)
    up_to = jnp.take(cum_rews, up_to_ids)
    rtgs = up_to - cum_rews + rews
    losses = -log_probs * rtgs
    loss = losses.sum()
    return loss

if __name__ == "__main__":
    import jax
    _d = setup_inputs()
    print(jax.jit(kernel)(*tuple(_d.values())))

</pallas_src>

<mosaic_0001>
#map = affine_map<(d0, d1) -> (0)>
#map1 = affine_map<(d0, d1) -> (0, 0)>
module attributes {stable_mosaic.version = 14 : i64} {
  func.func @sc_kernel(%arg0: i32, %arg1: i32, %arg2: memref<1048576xi32, #tpu.memory_space<hbm>>, %arg3: memref<128x64xi32, #tpu.memory_space<hbm>>, %arg4: memref<2000x128xf32, #tpu.memory_space<hbm>>, %arg5: memref<2097152xf32, #tpu.memory_space<hbm>>, %arg6: memref<8192x128xf32, #tpu.memory_space<hbm>>, %arg7: memref<4x64xi32, #tpu.memory_space<vmem>>, %arg8: memref<8192xi32, #tpu.memory_space<vmem>>, %arg9: memref<16384xf32, #tpu.memory_space<vmem>>, %arg10: memref<128x128xf32, #tpu.memory_space<vmem>>, %arg11: memref<!tpu.dma_semaphore, #tpu.memory_space<semaphore_mem>>, %arg12: memref<!tpu.dma_semaphore, #tpu.memory_space<semaphore_mem>>, %arg13: memref<!tpu.dma_semaphore, #tpu.memory_space<semaphore_mem>>, %arg14: memref<!tpu.dma_semaphore, #tpu.memory_space<semaphore_mem>>) attributes {dimension_semantics = [#tpu.dimension_semantics<core_parallel>, #tpu.dimension_semantics<subcore_parallel>], iteration_bounds = array<i64: 2, 16>, scalar_prefetch = 0 : i64, scratch_operands = 8 : i64, tpu.core_type = #tpu.core_type<sc_vector_subcore>, window_params = [{transform_indices = #map}, {transform_indices = #map1}, {transform_indices = #map1}, {transform_indices = #map}, {transform_indices = #map1}]} {
    %mul3A = arith.constant 2 : i32
    %mul3A_0 = arith.muli %arg1, %mul3A : i32
    %add3A = arith.addi %mul3A_0, %arg0 : i32
    %mul3A_1 = arith.constant 256 : i32
    %mul3A_2 = arith.muli %add3A, %mul3A_1 : i32
    %mul3A_3 = arith.constant 4 : i32
    %mul3A_4 = arith.muli %add3A, %mul3A_3 : i32
    "tpu.region"() ({
      %run_scoped3A = tpu.sem_alloc : memref<!tpu.dma_semaphore, #tpu.memory_space<semaphore_mem>>
      %dma_start3A_477 = arith.constant 0 : i32
      %dma_start3A_478 = tpu.memref_slice %arg3[%mul3A_4, %dma_start3A_477] : memref<128x64xi32, #tpu.memory_space<hbm>> -> memref<4x64xi32, #tpu.memory_space<hbm>>
      %dma_start3A_479 = arith.constant 0 : i32
      %dma_start3A_480 = tpu.memref_slice %arg3[%mul3A_4, %dma_start3A_479] : memref<128x64xi32, #tpu.memory_space<hbm>> -> memref<4x64xi32, #tpu.memory_space<hbm>>
      tpu.enqueue_dma source(%dma_start3A_480 : memref<4x64xi32, #tpu.memory_space<hbm>>) target(%arg7 : memref<4x64xi32, #tpu.memory_space<vmem>>) target_semaphore(%run_scoped3A : memref<!tpu.dma_semaphore, #tpu.memory_space<semaphore_mem>>)
      %dma_wait3A_481 = arith.constant 0 : i32
      %dma_wait3A_482 = tpu.memref_slice %arg3[%mul3A_4, %dma_wait3A_481] : memref<128x64xi32, #tpu.memory_space<hbm>> -> memref<4x64xi32, #tpu.memory_space<hbm>>
      %dma_wait3A_483 = arith.constant 0 : i32
      %dma_wait3A_484 = tpu.memref_slice %arg3[%mul3A_4, %dma_wait3A_483] : memref<128x64xi32, #tpu.memory_space<hbm>> -> memref<4x64xi32, #tpu.memory_space<hbm>>
      tpu.wait_dma2 semaphore(%run_scoped3A : memref<!tpu.dma_semaphore, #tpu.memory_space<semaphore_mem>>) src(%dma_wait3A_484 : memref<4x64xi32, #tpu.memory_space<hbm>>) dst(%arg7 : memref<4x64xi32, #tpu.memory_space<vmem>>)
      tpu.yield
    }) : () -> ()
    %dma_start3A = arith.constant 0 : i32
    %dma_start3A_5 = arith.constant 0 : i32
    %dma_start3A_6 = arith.constant 0 : i32
    %dma_start3A_7 = tpu.memref_slice %arg10[%dma_start3A_5, %dma_start3A_6] : memref<128x128xf32, #tpu.memory_space<vmem>> -> memref<64x128xf32, #tpu.memory_space<vmem>>
    %dma_start3A_8 = arith.constant 0 : i32
    %dma_start3A_9 = tpu.memref_slice %arg7[%dma_start3A, %dma_start3A_8] : memref<4x64xi32, #tpu.memory_space<vmem>> -> memref<1x64xi32, #tpu.memory_space<vmem>>
    %dma_start3A_10 = tpu.memref_squeeze %dma_start3A_9 : memref<1x64xi32, #tpu.memory_space<vmem>> -> memref<64xi32, #tpu.memory_space<vmem>>
    %dma_start3A_11 = arith.constant 0 : i32
    %dma_start3A_12 = arith.constant 0 : i32
    %dma_start3A_13 = tpu.memref_slice %arg4[%dma_start3A_11, %dma_start3A_12] : memref<2000x128xf32, #tpu.memory_space<hbm>> -> memref<2000x128xf32, #tpu.memory_space<hbm>>
    tpu.enqueue_indirect_dma source(%dma_start3A_13 : memref<2000x128xf32, #tpu.memory_space<hbm>>) target(%dma_start3A_7 : memref<64x128xf32, #tpu.memory_space<vmem>>) offsets(%dma_start3A_10 : memref<64xi32, #tpu.memory_space<vmem>>) semaphore(%arg11 : memref<!tpu.dma_semaphore, #tpu.memory_space<semaphore_mem>>)
    %dma_start3A_14 = arith.constant 1 : i32
    %dma_start3A_15 = arith.constant 64 : i32
    %dma_start3A_16 = arith.constant 0 : i32
    %dma_start3A_17 = tpu.memref_slice %arg10[%dma_start3A_15, %dma_start3A_16] : memref<128x128xf32, #tpu.memory_space<vmem>> -> memref<64x128xf32, #tpu.memory_space<vmem>>
    %dma_start3A_18 = arith.constant 0 : i32
    %dma_start3A_19 = tpu.memref_slice %arg7[%dma_start3A_14, %dma_start3A_18] : memref<4x64xi32, #tpu.memory_space<vmem>> -> memref<1x64xi32, #tpu.memory_space<vmem>>
    %dma_start3A_20 = tpu.memref_squeeze %dma_start3A_19 : memref<1x64xi32, #tpu.memory_space<vmem>> -> memref<64xi32, #tpu.memory_space<vmem>>
    %dma_start3A_21 = arith.constant 0 : i32
    %dma_start3A_22 = arith.constant 0 : i32
    %dma_start3A_23 = tpu.memref_slice %arg4[%dma_start3A_21, %dma_start3A_22] : memref<2000x128xf32, #tpu.memory_space<hbm>> -> memref<2000x128xf32, #tpu.memory_space<hbm>>
    tpu.enqueue_indirect_dma source(%dma_start3A_23 : memref<2000x128xf32, #tpu.memory_space<hbm>>) target(%dma_start3A_17 : memref<64x128xf32, #tpu.memory_space<vmem>>) offsets(%dma_start3A_20 : memref<64xi32, #tpu.memory_space<vmem>>) semaphore(%arg11 : memref<!tpu.dma_semaphore, #tpu.memory_space<semaphore_mem>>)
    %broadcast_in_dim3A = arith.constant 0.000000e+00 : f32
    %broadcast_in_dim3A_24 = vector.broadcast %broadcast_in_dim3A : f32 to vector<16xf32>
    %broadcast_in_dim3A_25 = arith.constant 1.000000e+00 : f32
    %broadcast_in_dim3A_26 = vector.broadcast %broadcast_in_dim3A_25 : f32 to vector<16xf32>
    %add3A_27 = arith.constant 0 : i32
    %add3A_28 = arith.addi %mul3A_2, %add3A_27 : i32
    %mul3A_29 = arith.constant 128 : i32
    %mul3A_30 = arith.muli %add3A_28, %mul3A_29 : i32
    %dma_start3A_31 = arith.constant 0 : i32
    %dma_start3A_32 = tpu.memref_slice %arg8[%dma_start3A_31] : memref<8192xi32, #tpu.memory_space<vmem>> -> memref<4096xi32, #tpu.memory_space<vmem>>
    %dma_start3A_33 = tpu.memref_slice %arg2[%mul3A_30] : memref<1048576xi32, #tpu.memory_space<hbm>> -> memref<4096xi32, #tpu.memory_space<hbm>>
    %dma_start3A_34 = arith.constant 0 : i32
    %dma_start3A_35 = tpu.memref_slice %arg8[%dma_start3A_34] : memref<8192xi32, #tpu.memory_space<vmem>> -> memref<4096xi32, #tpu.memory_space<vmem>>
    %dma_start3A_36 = tpu.memref_slice %arg2[%mul3A_30] : memref<1048576xi32, #tpu.memory_space<hbm>> -> memref<4096xi32, #tpu.memory_space<hbm>>
    tpu.enqueue_dma source(%dma_start3A_36 : memref<4096xi32, #tpu.memory_space<hbm>>) target(%dma_start3A_35 : memref<4096xi32, #tpu.memory_space<vmem>>) target_semaphore(%arg12 : memref<!tpu.dma_semaphore, #tpu.memory_space<semaphore_mem>>)
    %dma_wait3A = arith.constant 0 : i32
    %dma_wait3A_37 = tpu.memref_slice %arg8[%dma_wait3A] : memref<8192xi32, #tpu.memory_space<vmem>> -> memref<4096xi32, #tpu.memory_space<vmem>>
    %dma_wait3A_38 = tpu.memref_slice %arg2[%mul3A_30] : memref<1048576xi32, #tpu.memory_space<hbm>> -> memref<4096xi32, #tpu.memory_space<hbm>>
    %dma_wait3A_39 = arith.constant 0 : i32
    %dma_wait3A_40 = tpu.memref_slice %arg8[%dma_wait3A_39] : memref<8192xi32, #tpu.memory_space<vmem>> -> memref<4096xi32, #tpu.memory_space<vmem>>
    %dma_wait3A_41 = tpu.memref_slice %arg2[%mul3A_30] : memref<1048576xi32, #tpu.memory_space<hbm>> -> memref<4096xi32, #tpu.memory_space<hbm>>
    tpu.wait_dma2 semaphore(%arg12 : memref<!tpu.dma_semaphore, #tpu.memory_space<semaphore_mem>>) src(%dma_wait3A_41 : memref<4096xi32, #tpu.memory_space<hbm>>) dst(%dma_wait3A_40 : memref<4096xi32, #tpu.memory_space<vmem>>)
    %add3A_42 = arith.constant 32 : i32
    %add3A_43 = arith.addi %mul3A_2, %add3A_42 : i32
    %mul3A_44 = arith.constant 128 : i32
    %mul3A_45 = arith.muli %add3A_43, %mul3A_44 : i32
    %dma_start3A_46 = arith.constant 4096 : i32
    %dma_start3A_47 = tpu.memref_slice %arg8[%dma_start3A_46] : memref<8192xi32, #tpu.memory_space<vmem>> -> memref<4096xi32, #tpu.memory_space<vmem>>
    %dma_start3A_48 = tpu.memref_slice %arg2[%mul3A_45] : memref<1048576xi32, #tpu.memory_space<hbm>> -> memref<4096xi32, #tpu.memory_space<hbm>>
    %dma_start3A_49 = arith.constant 4096 : i32
    %dma_start3A_50 = tpu.memref_slice %arg8[%dma_start3A_49] : memref<8192xi32, #tpu.memory_space<vmem>> -> memref<4096xi32, #tpu.memory_space<vmem>>
    %dma_start3A_51 = tpu.memref_slice %arg2[%mul3A_45] : memref<1048576xi32, #tpu.memory_space<hbm>> -> memref<4096xi32, #tpu.memory_space<hbm>>
    tpu.enqueue_dma source(%dma_start3A_51 : memref<4096xi32, #tpu.memory_space<hbm>>) target(%dma_start3A_50 : memref<4096xi32, #tpu.memory_space<vmem>>) target_semaphore(%arg12 : memref<!tpu.dma_semaphore, #tpu.memory_space<semaphore_mem>>)
    %scan3A = arith.constant 0 : i32
    %scan3A_52 = arith.constant 0 : i32
    %scan3A_53 = arith.constant 32 : i32
    %scan3A_54 = arith.addi %scan3A_52, %scan3A_53 : i32
    %scan3A_55 = arith.constant 1 : i32
    scf.for %scan3A_477 = %scan3A_52 to %scan3A_54 step %scan3A_55  : i32 {
      %mul3A_478 = arith.constant 256 : i32
      %mul3A_479 = arith.muli %scan3A_477, %mul3A_478 : i32
      %add3A_480 = arith.constant 0 : i32
      %add3A_481 = arith.addi %add3A_480, %mul3A_479 : i32
      %add3A_482 = arith.constant 0 : i32
      %add3A_483 = arith.addi %add3A_481, %add3A_482 : i32
      %swap3A = arith.index_cast %add3A_483 : i32 to index
      %swap3A_484 = tpu.vector_load %arg9[%swap3A] {strides = array<i32>} : memref<16384xf32, #tpu.memory_space<vmem>>, vector<16xf32>,
      tpu.vector_store %arg9[%swap3A], %broadcast_in_dim3A_24 {strides = array<i32>} : memref<16384xf32, #tpu.memory_space<vmem>>, vector<16xf32>,
      %mul3A_485 = arith.constant 256 : i32
      %mul3A_486 = arith.muli %scan3A_477, %mul3A_485 : i32
      %add3A_487 = arith.constant 0 : i32
      %add3A_488 = arith.addi %add3A_487, %mul3A_486 : i32
      %add3A_489 = arith.constant 16 : i32
      %add3A_490 = arith.addi %add3A_488, %add3A_489 : i32
      %swap3A_491 = arith.index_cast %add3A_490 : i32 to index
      %swap3A_492 = tpu.vector_load %arg9[%swap3A_491] {strides = array<i32>} : memref<16384xf32, #tpu.memory_space<vmem>>, vector<16xf32>,
      tpu.vector_store %arg9[%swap3A_491], %broadcast_in_dim3A_24 {strides = array<i32>} : memref<16384xf32, #tpu.memory_space<vmem>>, vector<16xf32>,
      %mul3A_493 = arith.constant 256 : i32
      %mul3A_494 = arith.muli %scan3A_477, %mul3A_493 : i32
      %add3A_495 = arith.constant 0 : i32
      %add3A_496 = arith.addi %add3A_495, %mul3A_494 : i32
      %add3A_497 = arith.constant 32 : i32
      %add3A_498 = arith.addi %add3A_496, %add3A_497 : i32
      %swap3A_499 = arith.index_cast %add3A_498 : i32 to index
      %swap3A_500 = tpu.vector_load %arg9[%swap3A_499] {strides = array<i32>} : memref<16384xf32, #tpu.memory_space<vmem>>, vector<16xf32>,
      tpu.vector_store %arg9[%swap3A_499], %broadcast_in_dim3A_24 {strides = array<i32>} : memref<16384xf32, #tpu.memory_space<vmem>>, vector<16xf32>,
      %mul3A_501 = arith.constant 256 : i32
      %mul3A_502 = arith.muli %scan3A_477, %mul3A_501 : i32
      %add3A_503 = arith.constant 0 : i32
      %add3A_504 = arith.addi %add3A_503, %mul3A_502 : i32
      %add3A_505 = arith.constant 48 : i32
      %add3A_506 = arith.addi %add3A_504, %add3A_505 : i32
      %swap3A_507 = arith.index_cast %add3A_506 : i32 to index
      %swap3A_508 = tpu.vector_load %arg9[%swap3A_507] {strides = array<i32>} : memref<16384xf32, #tpu.memory_space<vmem>>, vector<16xf32>,
      tpu.vector_store %arg9[%swap3A_507], %broadcast_in_dim3A_24 {strides = array<i32>} : memref<16384xf32, #tpu.memory_space<vmem>>, vector<16xf32>,
      %mul3A_509 = arith.constant 256 : i32
      %mul3A_510 = arith.muli %scan3A_477, %mul3A_509 : i32
      %add3A_511 = arith.constant 0 : i32
      %add3A_512 = arith.addi %add3A_511, %mul3A_510 : i32
      %add3A_513 = arith.constant 64 : i32
      %add3A_514 = arith.addi %add3A_512, %add3A_513 : i32
      %swap3A_515 = arith.index_cast %add3A_514 : i32 to index
      %swap3A_516 = tpu.vector_load %arg9[%swap3A_515] {strides = array<i32>} : memref<16384xf32, #tpu.memory_space<vmem>>, vector<16xf32>,
      tpu.vector_store %arg9[%swap3A_515], %broadcast_in_dim3A_24 {strides = array<i32>} : memref<16384xf32, #tpu.memory_space<vmem>>, vector<16xf32>,
      %mul3A_517 = arith.constant 256 : i32
      %mul3A_518 = arith.muli %scan3A_477, %mul3A_517 : i32
      %add3A_519 = arith.constant 0 : i32
      %add3A_520 = arith.addi %add3A_519, %mul3A_518 : i32
      %add3A_521 = arith.constant 80 : i32
      %add3A_522 = arith.addi %add3A_520, %add3A_521 : i32
      %swap3A_523 = arith.index_cast %add3A_522 : i32 to index
      %swap3A_524 = tpu.vector_load %arg9[%swap3A_523] {strides = array<i32>} : memref<16384xf32, #tpu.memory_space<vmem>>, vector<16xf32>,
      tpu.vector_store %arg9[%swap3A_523], %broadcast_in_dim3A_24 {strides = array<i32>} : memref<16384xf32, #tpu.memory_space<vmem>>, vector<16xf32>,
      %mul3A_525 = arith.constant 256 : i32
      %mul3A_526 = arith.muli %scan3A_477, %mul3A_525 : i32
      %add3A_527 = arith.constant 0 : i32
      %add3A_528 = arith.addi %add3A_527, %mul3A_526 : i32
      %add3A_529 = arith.constant 96 : i32
      %add3A_530 = arith.addi %add3A_528, %add3A_529 : i32
      %swap3A_531 = arith.index_cast %add3A_530 : i32 to index
      %swap3A_532 = tpu.vector_load %arg9[%swap3A_531] {strides = array<i32>} : memref<16384xf32, #tpu.memory_space<vmem>>, vector<16xf32>,
      tpu.vector_store %arg9[%swap3A_531], %broadcast_in_dim3A_24 {strides = array<i32>} : memref<16384xf32, #tpu.memory_space<vmem>>, vector<16xf32>,
      %mul3A_533 = arith.constant 256 : i32
      %mul3A_534 = arith.muli %scan3A_477, %mul3A_533 : i32
      %add3A_535 = arith.constant 0 : i32
      %add3A_536 = arith.addi %add3A_535, %mul3A_534 : i32
      %add3A_537 = arith.constant 112 : i32
      %add3A_538 = arith.addi %add3A_536, %add3A_537 : i32
      %swap3A_539 = arith.index_cast %add3A_538 : i32 to index
      %swap3A_540 = tpu.vector_load %arg9[%swap3A_539] {strides = array<i32>} : memref<16384xf32, #tpu.memory_space<vmem>>, vector<16xf32>,
      tpu.vector_store %arg9[%swap3A_539], %broadcast_in_dim3A_24 {strides = array<i32>} : memref<16384xf32, #tpu.memory_space<vmem>>, vector<16xf32>,
      %mul3A_541 = arith.constant 256 : i32
      %mul3A_542 = arith.muli %scan3A_477, %mul3A_541 : i32
      %add3A_543 = arith.constant 0 : i32
      %add3A_544 = arith.addi %add3A_543, %mul3A_542 : i32
      %add3A_545 = arith.constant 128 : i32
      %add3A_546 = arith.addi %add3A_544, %add3A_545 : i32
      %swap3A_547 = arith.index_cast %add3A_546 : i32 to index
      %swap3A_548 = tpu.vector_load %arg9[%swap3A_547] {strides = array<i32>} : memref<16384xf32, #tpu.memory_space<vmem>>, vector<16xf32>,
      tpu.vector_store %arg9[%swap3A_547], %broadcast_in_dim3A_24 {strides = array<i32>} : memref<16384xf32, #tpu.memory_space<vmem>>, vector<16xf32>,
      %mul3A_549 = arith.constant 256 : i32
      %mul3A_550 = arith.muli %scan3A_477, %mul3A_549 : i32
      %add3A_551 = arith.constant 0 : i32
      %add3A_552 = arith.addi %add3A_551, %mul3A_550 : i32
      %add3A_553 = arith.constant 144 : i32
      %add3A_554 = arith.addi %add3A_552, %add3A_553 : i32
      %swap3A_555 = arith.index_cast %add3A_554 : i32 to index
      %swap3A_556 = tpu.vector_load %arg9[%swap3A_555] {strides = array<i32>} : memref<16384xf32, #tpu.memory_space<vmem>>, vector<16xf32>,
      tpu.vector_store %arg9[%swap3A_555], %broadcast_in_dim3A_24 {strides = array<i32>} : memref<16384xf32, #tpu.memory_space<vmem>>, vector<16xf32>,
      %mul3A_557 = arith.constant 256 : i32
      %mul3A_558 = arith.muli %scan3A_477, %mul3A_557 : i32
      %add3A_559 = arith.constant 0 : i32
      %add3A_560 = arith.addi %add3A_559, %mul3A_558 : i32
      %add3A_561 = arith.constant 160 : i32
      %add3A_562 = arith.addi %add3A_560, %add3A_561 : i32
      %swap3A_563 = arith.index_cast %add3A_562 : i32 to index
      %swap3A_564 = tpu.vector_load %arg9[%swap3A_563] {strides = array<i32>} : memref<16384xf32, #tpu.memory_space<vmem>>, vector<16xf32>,
      tpu.vector_store %arg9[%swap3A_563], %broadcast_in_dim3A_24 {strides = array<i32>} : memref<16384xf32, #tpu.memory_space<vmem>>, vector<16xf32>,
      %mul3A_565 = arith.constant 256 : i32
      %mul3A_566 = arith.muli %scan3A_477, %mul3A_565 : i32
      %add3A_567 = arith.constant 0 : i32
      %add3A_568 = arith.addi %add3A_567, %mul3A_566 : i32
      %add3A_569 = arith.constant 176 : i32
      %add3A_570 = arith.addi %add3A_568, %add3A_569 : i32
      %swap3A_571 = arith.index_cast %add3A_570 : i32 to index
      %swap3A_572 = tpu.vector_load %arg9[%swap3A_571] {strides = array<i32>} : memref<16384xf32, #tpu.memory_space<vmem>>, vector<16xf32>,
      tpu.vector_store %arg9[%swap3A_571], %broadcast_in_dim3A_24 {strides = array<i32>} : memref<16384xf32, #tpu.memory_space<vmem>>, vector<16xf32>,
      %mul3A_573 = arith.constant 256 : i32
      %mul3A_574 = arith.muli %scan3A_477, %mul3A_573 : i32
      %add3A_575 = arith.constant 0 : i32
      %add3A_576 = arith.addi %add3A_575, %mul3A_574 : i32
      %add3A_577 = arith.constant 192 : i32
      %add3A_578 = arith.addi %add3A_576, %add3A_577 : i32
      %swap3A_579 = arith.index_cast %add3A_578 : i32 to index
      %swap3A_580 = tpu.vector_load %arg9[%swap3A_579] {strides = array<i32>} : memref<16384xf32, #tpu.memory_space<vmem>>, vector<16xf32>,
      tpu.vector_store %arg9[%swap3A_579], %broadcast_in_dim3A_24 {strides = array<i32>} : memref<16384xf32, #tpu.memory_space<vmem>>, vector<16xf32>,
      %mul3A_581 = arith.constant 256 : i32
      %mul3A_582 = arith.muli %scan3A_477, %mul3A_581 : i32
      %add3A_583 = arith.constant 0 : i32
      %add3A_584 = arith.addi %add3A_583, %mul3A_582 : i32
      %add3A_585 = arith.constant 208 : i32
      %add3A_586 = arith.addi %add3A_584, %add3A_585 : i32
      %swap3A_587 = arith.index_cast %add3A_586 : i32 to index
      %swap3A_588 = tpu.vector_load %arg9[%swap3A_587] {strides = array<i32>} : memref<16384xf32, #tpu.memory_space<vmem>>, vector<16xf32>,
      tpu.vector_store %arg9[%swap3A_587], %broadcast_in_dim3A_24 {strides = array<i32>} : memref<16384xf32, #tpu.memory_space<vmem>>, vector<16xf32>,
      %mul3A_589 = arith.constant 256 : i32
      %mul3A_590 = arith.muli %scan3A_477, %mul3A_589 : i32
      %add3A_591 = arith.constant 0 : i32
      %add3A_592 = arith.addi %add3A_591, %mul3A_590 : i32
      %add3A_593 = arith.constant 224 : i32
      %add3A_594 = arith.addi %add3A_592, %add3A_593 : i32
      %swap3A_595 = arith.index_cast %add3A_594 : i32 to index
      %swap3A_596 = tpu.vector_load %arg9[%swap3A_595] {strides = array<i32>} : memref<16384xf32, #tpu.memory_space<vmem>>, vector<16xf32>,
      tpu.vector_store %arg9[%swap3A_595], %broadcast_in_dim3A_24 {strides = array<i32>} : memref<16384xf32, #tpu.memory_space<vmem>>, vector<16xf32>,
      %mul3A_597 = arith.constant 256 : i32
      %mul3A_598 = arith.muli %scan3A_477, %mul3A_597 : i32
      %add3A_599 = arith.constant 0 : i32
      %add3A_600 = arith.addi %add3A_599, %mul3A_598 : i32
      %add3A_601 = arith.constant 240 : i32
      %add3A_602 = arith.addi %add3A_600, %add3A_601 : i32
      %swap3A_603 = arith.index_cast %add3A_602 : i32 to index
      %swap3A_604 = tpu.vector_load %arg9[%swap3A_603] {strides = array<i32>} : memref<16384xf32, #tpu.memory_space<vmem>>, vector<16xf32>,
      tpu.vector_store %arg9[%swap3A_603], %broadcast_in_dim3A_24 {strides = array<i32>} : memref<16384xf32, #tpu.memory_space<vmem>>, vector<16xf32>,
      %mul3A_605 = arith.constant 256 : i32
      %mul3A_606 = arith.muli %scan3A_477, %mul3A_605 : i32
      %add3A_607 = arith.constant 0 : i32
      %add3A_608 = arith.addi %add3A_607, %mul3A_606 : i32
      %broadcast_in_dim3A_609 = vector.broadcast %add3A_608 : i32 to vector<16xi32>
      %mul3A_610 = arith.constant 128 : i32
      %mul3A_611 = arith.muli %scan3A_477, %mul3A_610 : i32
      %add3A_612 = arith.constant 0 : i32
      %add3A_613 = arith.addi %add3A_612, %mul3A_611 : i32
      %add3A_614 = arith.constant 0 : i32
      %add3A_615 = arith.addi %add3A_613, %add3A_614 : i32
      %get3A = arith.index_cast %add3A_615 : i32 to index
      %get3A_616 = tpu.vector_load %arg8[%get3A] {strides = array<i32>} : memref<8192xi32, #tpu.memory_space<vmem>>, vector<16xi32>,
      %add3A_617 = arith.addi %broadcast_in_dim3A_609, %get3A_616 : vector<16xi32>
      tpu.vector_store_idx %arg9[%add3A_617], %broadcast_in_dim3A_26 {add = true} : memref<16384xf32, #tpu.memory_space<vmem>>[vector<16xi32>], vector<16xf32>,
      %mul3A_618 = arith.constant 128 : i32
      %mul3A_619 = arith.muli %scan3A_477, %mul3A_618 : i32
      %add3A_620 = arith.constant 0 : i32
      %add3A_621 = arith.addi %add3A_620, %mul3A_619 : i32
      %add3A_622 = arith.constant 16 : i32
      %add3A_623 = arith.addi %add3A_621, %add3A_622 : i32
      %get3A_624 = arith.index_cast %add3A_623 : i32 to index
      %get3A_625 = tpu.vector_load %arg8[%get3A_624] {strides = array<i32>} : memref<8192xi32, #tpu.memory_space<vmem>>, vector<16xi32>,
      %add3A_626 = arith.addi %broadcast_in_dim3A_609, %get3A_625 : vector<16xi32>
      tpu.vector_store_idx %arg9[%add3A_626], %broadcast_in_dim3A_26 {add = true} : memref<16384xf32, #tpu.memory_space<vmem>>[vector<16xi32>], vector<16xf32>,
      %mul3A_627 = arith.constant 128 : i32
      %mul3A_628 = arith.muli %scan3A_477, %mul3A_627 : i32
      %add3A_629 = arith.constant 0 : i32
      %add3A_630 = arith.addi %add3A_629, %mul3A_628 : i32
      %add3A_631 = arith.constant 32 : i32
      %add3A_632 = arith.addi %add3A_630, %add3A_631 : i32
      %get3A_633 = arith.index_cast %add3A_632 : i32 to index
      %get3A_634 = tpu.vector_load %arg8[%get3A_633] {strides = array<i32>} : memref<8192xi32, #tpu.memory_space<vmem>>, vector<16xi32>,
      %add3A_635 = arith.addi %broadcast_in_dim3A_609, %get3A_634 : vector<16xi32>
      tpu.vector_store_idx %arg9[%add3A_635], %broadcast_in_dim3A_26 {add = true} : memref<16384xf32, #tpu.memory_space<vmem>>[vector<16xi32>], vector<16xf32>,
      %mul3A_636 = arith.constant 128 : i32
      %mul3A_637 = arith.muli %scan3A_477, %mul3A_636 : i32
      %add3A_638 = arith.constant 0 : i32
      %add3A_639 = arith.addi %add3A_638, %mul3A_637 : i32
      %add3A_640 = arith.constant 48 : i32
      %add3A_641 = arith.addi %add3A_639, %add3A_640 : i32
      %get3A_642 = arith.index_cast %add3A_641 : i32 to index
      %get3A_643 = tpu.vector_load %arg8[%get3A_642] {strides = array<i32>} : memref<8192xi32, #tpu.memory_space<vmem>>, vector<16xi32>,
      %add3A_644 = arith.addi %broadcast_in_dim3A_609, %get3A_643 : vector<16xi32>
      tpu.vector_store_idx %arg9[%add3A_644], %broadcast_in_dim3A_26 {add = true} : memref<16384xf32, #tpu.memory_space<vmem>>[vector<16xi32>], vector<16xf32>,
      %mul3A_645 = arith.constant 128 : i32
      %mul3A_646 = arith.muli %scan3A_477, %mul3A_645 : i32
      %add3A_647 = arith.constant 0 : i32
      %add3A_648 = arith.addi %add3A_647, %mul3A_646 : i32
      %add3A_649 = arith.constant 64 : i32
      %add3A_650 = arith.addi %add3A_648, %add3A_649 : i32
      %get3A_651 = arith.index_cast %add3A_650 : i32 to index
      %get3A_652 = tpu.vector_load %arg8[%get3A_651] {strides = array<i32>} : memref<8192xi32, #tpu.memory_space<vmem>>, vector<16xi32>,
      %add3A_653 = arith.addi %broadcast_in_dim3A_609, %get3A_652 : vector<16xi32>
      tpu.vector_store_idx %arg9[%add3A_653], %broadcast_in_dim3A_26 {add = true} : memref<16384xf32, #tpu.memory_space<vmem>>[vector<16xi32>], vector<16xf32>,
      %mul3A_654 = arith.constant 128 : i32
      %mul3A_655 = arith.muli %scan3A_477, %mul3A_654 : i32
      %add3A_656 = arith.constant 0 : i32
      %add3A_657 = arith.addi %add3A_656, %mul3A_655 : i32
      %add3A_658 = arith.constant 80 : i32
      %add3A_659 = arith.addi %add3A_657, %add3A_658 : i32
      %get3A_660 = arith.index_cast %add3A_659 : i32 to index
      %get3A_661 = tpu.vector_load %arg8[%get3A_660] {strides = array<i32>} : memref<8192xi32, #tpu.memory_space<vmem>>, vector<16xi32>,
      %add3A_662 = arith.addi %broadcast_in_dim3A_609, %get3A_661 : vector<16xi32>
      tpu.vector_store_idx %arg9[%add3A_662], %broadcast_in_dim3A_26 {add = true} : memref<16384xf32, #tpu.memory_space<vmem>>[vector<16xi32>], vector<16xf32>,
      %mul3A_663 = arith.constant 128 : i32
      %mul3A_664 = arith.muli %scan3A_477, %mul3A_663 : i32
      %add3A_665 = arith.constant 0 : i32
      %add3A_666 = arith.addi %add3A_665, %mul3A_664 : i32
      %add3A_667 = arith.constant 96 : i32
      %add3A_668 = arith.addi %add3A_666, %add3A_667 : i32
      %get3A_669 = arith.index_cast %add3A_668 : i32 to index
      %get3A_670 = tpu.vector_load %arg8[%get3A_669] {strides = array<i32>} : memref<8192xi32, #tpu.memory_space<vmem>>, vector<16xi32>,
      %add3A_671 = arith.addi %broadcast_in_dim3A_609, %get3A_670 : vector<16xi32>
      tpu.vector_store_idx %arg9[%add3A_671], %broadcast_in_dim3A_26 {add = true} : memref<16384xf32, #tpu.memory_space<vmem>>[vector<16xi32>], vector<16xf32>,
      %mul3A_672 = arith.constant 128 : i32
      %mul3A_673 = arith.muli %scan3A_477, %mul3A_672 : i32
      %add3A_674 = arith.constant 0 : i32
      %add3A_675 = arith.addi %add3A_674, %mul3A_673 : i32
      %add3A_676 = arith.constant 112 : i32
      %add3A_677 = arith.addi %add3A_675, %add3A_676 : i32
      %get3A_678 = arith.index_cast %add3A_677 : i32 to index
      %get3A_679 = tpu.vector_load %arg8[%get3A_678] {strides = array<i32>} : memref<8192xi32, #tpu.memory_space<vmem>>, vector<16xi32>,
      %add3A_680 = arith.addi %broadcast_in_dim3A_609, %get3A_679 : vector<16xi32>
      tpu.vector_store_idx %arg9[%add3A_680], %broadcast_in_dim3A_26 {add = true} : memref<16384xf32, #tpu.memory_space<vmem>>[vector<16xi32>], vector<16xf32>,
    }
    %scan3A_56 = arith.constant 32 : i32
    %add3A_57 = arith.constant 0 : i32
    %add3A_58 = arith.addi %mul3A_2, %add3A_57 : i32
    %mul3A_59 = arith.constant 256 : i32
    %mul3A_60 = arith.muli %add3A_58, %mul3A_59 : i32
    %dma_start3A_61 = arith.constant 0 : i32
    %dma_start3A_62 = tpu.memref_slice %arg9[%dma_start3A_61] : memref<16384xf32, #tpu.memory_space<vmem>> -> memref<8192xf32, #tpu.memory_space<vmem>>
    %dma_start3A_63 = tpu.memref_slice %arg5[%mul3A_60] : memref<2097152xf32, #tpu.memory_space<hbm>> -> memref<8192xf32, #tpu.memory_space<hbm>>
    %dma_start3A_64 = tpu.memref_slice %arg5[%mul3A_60] : memref<2097152xf32, #tpu.memory_space<hbm>> -> memref<8192xf32, #tpu.memory_space<hbm>>
    %dma_start3A_65 = arith.constant 0 : i32
    %dma_start3A_66 = tpu.memref_slice %arg9[%dma_start3A_65] : memref<16384xf32, #tpu.memory_space<vmem>> -> memref<8192xf32, #tpu.memory_space<vmem>>
    tpu.enqueue_dma source(%dma_start3A_66 : memref<8192xf32, #tpu.memory_space<vmem>>) target(%dma_start3A_64 : memref<8192xf32, #tpu.memory_space<hbm>>) target_semaphore(%arg13 : memref<!tpu.dma_semaphore, #tpu.memory_space<semaphore_mem>>)
    %dma_wait3A_67 = arith.constant 4096 : i32
    %dma_wait3A_68 = tpu.memref_slice %arg8[%dma_wait3A_67] : memref<8192xi32, #tpu.memory_space<vmem>> -> memref<4096xi32, #tpu.memory_space<vmem>>
    %dma_wait3A_69 = tpu.memref_slice %arg2[%mul3A_45] : memref<1048576xi32, #tpu.memory_space<hbm>> -> memref<4096xi32, #tpu.memory_space<hbm>>
    %dma_wait3A_70 = arith.constant 4096 : i32
    %dma_wait3A_71 = tpu.memref_slice %arg8[%dma_wait3A_70] : memref<8192xi32, #tpu.memory_space<vmem>> -> memref<4096xi32, #tpu.memory_space<vmem>>
    %dma_wait3A_72 = tpu.memref_slice %arg2[%mul3A_45] : memref<1048576xi32, #tpu.memory_space<hbm>> -> memref<4096xi32, #tpu.memory_space<hbm>>
    tpu.wait_dma2 semaphore(%arg12 : memref<!tpu.dma_semaphore, #tpu.memory_space<semaphore_mem>>) src(%dma_wait3A_72 : memref<4096xi32, #tpu.memory_space<hbm>>) dst(%dma_wait3A_71 : memref<4096xi32, #tpu.memory_space<vmem>>)
    %add3A_73 = arith.constant 64 : i32
    %add3A_74 = arith.addi %mul3A_2, %add3A_73 : i32
    %mul3A_75 = arith.constant 128 : i32
    %mul3A_76 = arith.muli %add3A_74, %mul3A_75 : i32
    %dma_start3A_77 = arith.constant 0 : i32
    %dma_start3A_78 = tpu.memref_slice %arg8[%dma_start3A_77] : memref<8192xi32, #tpu.memory_space<vmem>> -> memref<4096xi32, #tpu.memory_space<vmem>>
    %dma_start3A_79 = tpu.memref_slice %arg2[%mul3A_76] : memref<1048576xi32, #tpu.memory_space<hbm>> -> memref<4096xi32, #tpu.memory_space<hbm>>
    %dma_start3A_80 = arith.constant 0 : i32
    %dma_start3A_81 = tpu.memref_slice %arg8[%dma_start3A_80] : memref<8192xi32, #tpu.memory_space<vmem>> -> memref<4096xi32, #tpu.memory_space<vmem>>
    %dma_start3A_82 = tpu.memref_slice %arg2[%mul3A_76] : memref<1048576xi32, #tpu.memory_space<hbm>> -> memref<4096xi32, #tpu.memory_space<hbm>>
    tpu.enqueue_dma source(%dma_start3A_82 : memref<4096xi32, #tpu.memory_space<hbm>>) target(%dma_start3A_81 : memref<4096xi32, #tpu.memory_space<vmem>>) target_semaphore(%arg12 : memref<!tpu.dma_semaphore, #tpu.memory_space<semaphore_mem>>)
    %scan3A_83 = arith.constant 0 : i32
    %scan3A_84 = arith.constant 0 : i32
    %scan3A_85 = arith.constant 32 : i32
    %scan3A_86 = arith.addi %scan3A_84, %scan3A_85 : i32
    %scan3A_87 = arith.constant 1 : i32
    scf.for %scan3A_477 = %scan3A_84 to %scan3A_86 step %scan3A_87  : i32 {
      %mul3A_478 = arith.constant 256 : i32
      %mul3A_479 = arith.muli %scan3A_477, %mul3A_478 : i32
      %add3A_480 = arith.constant 8192 : i32
      %add3A_481 = arith.addi %add3A_480, %mul3A_479 : i32
      %add3A_482 = arith.constant 0 : i32
      %add3A_483 = arith.addi %add3A_481, %add3A_482 : i32
      %swap3A = arith.index_cast %add3A_483 : i32 to index
      %swap3A_484 = tpu.vector_load %arg9[%swap3A] {strides = array<i32>} : memref<16384xf32, #tpu.memory_space<vmem>>, vector<16xf32>,
      tpu.vector_store %arg9[%swap3A], %broadcast_in_dim3A_24 {strides = array<i32>} : memref<16384xf32, #tpu.memory_space<vmem>>, vector<16xf32>,
      %mul3A_485 = arith.constant 256 : i32
      %mul3A_486 = arith.muli %scan3A_477, %mul3A_485 : i32
      %add3A_487 = arith.constant 8192 : i32
      %add3A_488 = arith.addi %add3A_487, %mul3A_486 : i32
      %add3A_489 = arith.constant 16 : i32
      %add3A_490 = arith.addi %add3A_488, %add3A_489 : i32
      %swap3A_491 = arith.index_cast %add3A_490 : i32 to index
      %swap3A_492 = tpu.vector_load %arg9[%swap3A_491] {strides = array<i32>} : memref<16384xf32, #tpu.memory_space<vmem>>, vector<16xf32>,
      tpu.vector_store %arg9[%swap3A_491], %broadcast_in_dim3A_24 {strides = array<i32>} : memref<16384xf32, #tpu.memory_space<vmem>>, vector<16xf32>,
      %mul3A_493 = arith.constant 256 : i32
      %mul3A_494 = arith.muli %scan3A_477, %mul3A_493 : i32
      %add3A_495 = arith.constant 8192 : i32
      %add3A_496 = arith.addi %add3A_495, %mul3A_494 : i32
      %add3A_497 = arith.constant 32 : i32
      %add3A_498 = arith.addi %add3A_496, %add3A_497 : i32
      %swap3A_499 = arith.index_cast %add3A_498 : i32 to index
      %swap3A_500 = tpu.vector_load %arg9[%swap3A_499] {strides = array<i32>} : memref<16384xf32, #tpu.memory_space<vmem>>, vector<16xf32>,
      tpu.vector_store %arg9[%swap3A_499], %broadcast_in_dim3A_24 {strides = array<i32>} : memref<16384xf32, #tpu.memory_space<vmem>>, vector<16xf32>,
      %mul3A_501 = arith.constant 256 : i32
      %mul3A_502 = arith.muli %scan3A_477, %mul3A_501 : i32
      %add3A_503 = arith.constant 8192 : i32
      %add3A_504 = arith.addi %add3A_503, %mul3A_502 : i32
      %add3A_505 = arith.constant 48 : i32
      %add3A_506 = arith.addi %add3A_504, %add3A_505 : i32
      %swap3A_507 = arith.index_cast %add3A_506 : i32 to index
      %swap3A_508 = tpu.vector_load %arg9[%swap3A_507] {strides = array<i32>} : memref<16384xf32, #tpu.memory_space<vmem>>, vector<16xf32>,
      tpu.vector_store %arg9[%swap3A_507], %broadcast_in_dim3A_24 {strides = array<i32>} : memref<16384xf32, #tpu.memory_space<vmem>>, vector<16xf32>,
      %mul3A_509 = arith.constant 256 : i32
      %mul3A_510 = arith.muli %scan3A_477, %mul3A_509 : i32
      %add3A_511 = arith.constant 8192 : i32
      %add3A_512 = arith.addi %add3A_511, %mul3A_510 : i32
      %add3A_513 = arith.constant 64 : i32
      %add3A_514 = arith.addi %add3A_512, %add3A_513 : i32
      %swap3A_515 = arith.index_cast %add3A_514 : i32 to index
      %swap3A_516 = tpu.vector_load %arg9[%swap3A_515] {strides = array<i32>} : memref<16384xf32, #tpu.memory_space<vmem>>, vector<16xf32>,
      tpu.vector_store %arg9[%swap3A_515], %broadcast_in_dim3A_24 {strides = array<i32>} : memref<16384xf32, #tpu.memory_space<vmem>>, vector<16xf32>,
      %mul3A_517 = arith.constant 256 : i32
      %mul3A_518 = arith.muli %scan3A_477, %mul3A_517 : i32
      %add3A_519 = arith.constant 8192 : i32
      %add3A_520 = arith.addi %add3A_519, %mul3A_518 : i32
      %add3A_521 = arith.constant 80 : i32
      %add3A_522 = arith.addi %add3A_520, %add3A_521 : i32
      %swap3A_523 = arith.index_cast %add3A_522 : i32 to index
      %swap3A_524 = tpu.vector_load %arg9[%swap3A_523] {strides = array<i32>} : memref<16384xf32, #tpu.memory_space<vmem>>, vector<16xf32>,
      tpu.vector_store %arg9[%swap3A_523], %broadcast_in_dim3A_24 {strides = array<i32>} : memref<16384xf32, #tpu.memory_space<vmem>>, vector<16xf32>,
      %mul3A_525 = arith.constant 256 : i32
      %mul3A_526 = arith.muli %scan3A_477, %mul3A_525 : i32
      %add3A_527 = arith.constant 8192 : i32
      %add3A_528 = arith.addi %add3A_527, %mul3A_526 : i32
      %add3A_529 = arith.constant 96 : i32
      %add3A_530 = arith.addi %add3A_528, %add3A_529 : i32
      %swap3A_531 = arith.index_cast %add3A_530 : i32 to index
      %swap3A_532 = tpu.vector_load %arg9[%swap3A_531] {strides = array<i32>} : memref<16384xf32, #tpu.memory_space<vmem>>, vector<16xf32>,
      tpu.vector_store %arg9[%swap3A_531], %broadcast_in_dim3A_24 {strides = array<i32>} : memref<16384xf32, #tpu.memory_space<vmem>>, vector<16xf32>,
      %mul3A_533 = arith.constant 256 : i32
      %mul3A_534 = arith.muli %scan3A_477, %mul3A_533 : i32
      %add3A_535 = arith.constant 8192 : i32
      %add3A_536 = arith.addi %add3A_535, %mul3A_534 : i32
      %add3A_537 = arith.constant 112 : i32
      %add3A_538 = arith.addi %add3A_536, %add3A_537 : i32
      %swap3A_539 = arith.index_cast %add3A_538 : i32 to index
      %swap3A_540 = tpu.vector_load %arg9[%swap3A_539] {strides = array<i32>} : memref<16384xf32, #tpu.memory_space<vmem>>, vector<16xf32>,
      tpu.vector_store %arg9[%swap3A_539], %broadcast_in_dim3A_24 {strides = array<i32>} : memref<16384xf32, #tpu.memory_space<vmem>>, vector<16xf32>,
      %mul3A_541 = arith.constant 256 : i32
      %mul3A_542 = arith.muli %scan3A_477, %mul3A_541 : i32
      %add3A_543 = arith.constant 8192 : i32
      %add3A_544 = arith.addi %add3A_543, %mul3A_542 : i32
      %add3A_545 = arith.constant 128 : i32
      %add3A_546 = arith.addi %add3A_544, %add3A_545 : i32
      %swap3A_547 = arith.index_cast %add3A_546 : i32 to index
      %swap3A_548 = tpu.vector_load %arg9[%swap3A_547] {strides = array<i32>} : memref<16384xf32, #tpu.memory_space<vmem>>, vector<16xf32>,
      tpu.vector_store %arg9[%swap3A_547], %broadcast_in_dim3A_24 {strides = array<i32>} : memref<16384xf32, #tpu.memory_space<vmem>>, vector<16xf32>,
      %mul3A_549 = arith.constant 256 : i32
      %mul3A_550 = arith.muli %scan3A_477, %mul3A_549 : i32
      %add3A_551 = arith.constant 8192 : i32
      %add3A_552 = arith.addi %add3A_551, %mul3A_550 : i32
      %add3A_553 = arith.constant 144 : i32
      %add3A_554 = arith.addi %add3A_552, %add3A_553 : i32
      %swap3A_555 = arith.index_cast %add3A_554 : i32 to index
      %swap3A_556 = tpu.vector_load %arg9[%swap3A_555] {strides = array<i32>} : memref<16384xf32, #tpu.memory_space<vmem>>, vector<16xf32>,
      tpu.vector_store %arg9[%swap3A_555], %broadcast_in_dim3A_24 {strides = array<i32>} : memref<16384xf32, #tpu.memory_space<vmem>>, vector<16xf32>,
      %mul3A_557 = arith.constant 256 : i32
      %mul3A_558 = arith.muli %scan3A_477, %mul3A_557 : i32
      %add3A_559 = arith.constant 8192 : i32
      %add3A_560 = arith.addi %add3A_559, %mul3A_558 : i32
      %add3A_561 = arith.constant 160 : i32
      %add3A_562 = arith.addi %add3A_560, %add3A_561 : i32
      %swap3A_563 = arith.index_cast %add3A_562 : i32 to index
      %swap3A_564 = tpu.vector_load %arg9[%swap3A_563] {strides = array<i32>} : memref<16384xf32, #tpu.memory_space<vmem>>, vector<16xf32>,
      tpu.vector_store %arg9[%swap3A_563], %broadcast_in_dim3A_24 {strides = array<i32>} : memref<16384xf32, #tpu.memory_space<vmem>>, vector<16xf32>,
      %mul3A_565 = arith.constant 256 : i32
      %mul3A_566 = arith.muli %scan3A_477, %mul3A_565 : i32
      %add3A_567 = arith.constant 8192 : i32
      %add3A_568 = arith.addi %add3A_567, %mul3A_566 : i32
      %add3A_569 = arith.constant 176 : i32
      %add3A_570 = arith.addi %add3A_568, %add3A_569 : i32
      %swap3A_571 = arith.index_cast %add3A_570 : i32 to index
      %swap3A_572 = tpu.vector_load %arg9[%swap3A_571] {strides = array<i32>} : memref<16384xf32, #tpu.memory_space<vmem>>, vector<16xf32>,
      tpu.vector_store %arg9[%swap3A_571], %broadcast_in_dim3A_24 {strides = array<i32>} : memref<16384xf32, #tpu.memory_space<vmem>>, vector<16xf32>,
      %mul3A_573 = arith.constant 256 : i32
      %mul3A_574 = arith.muli %scan3A_477, %mul3A_573 : i32
      %add3A_575 = arith.constant 8192 : i32
      %add3A_576 = arith.addi %add3A_575, %mul3A_574 : i32
      %add3A_577 = arith.constant 192 : i32
      %add3A_578 = arith.addi %add3A_576, %add3A_577 : i32
      %swap3A_579 = arith.index_cast %add3A_578 : i32 to index
      %swap3A_580 = tpu.vector_load %arg9[%swap3A_579] {strides = array<i32>} : memref<16384xf32, #tpu.memory_space<vmem>>, vector<16xf32>,
      tpu.vector_store %arg9[%swap3A_579], %broadcast_in_dim3A_24 {strides = array<i32>} : memref<16384xf32, #tpu.memory_space<vmem>>, vector<16xf32>,
      %mul3A_581 = arith.constant 256 : i32
      %mul3A_582 = arith.muli %scan3A_477, %mul3A_581 : i32
      %add3A_583 = arith.constant 8192 : i32
      %add3A_584 = arith.addi %add3A_583, %mul3A_582 : i32
      %add3A_585 = arith.constant 208 : i32
      %add3A_586 = arith.addi %add3A_584, %add3A_585 : i32
      %swap3A_587 = arith.index_cast %add3A_586 : i32 to index
      %swap3A_588 = tpu.vector_load %arg9[%swap3A_587] {strides = array<i32>} : memref<16384xf32, #tpu.memory_space<vmem>>, vector<16xf32>,
      tpu.vector_store %arg9[%swap3A_587], %broadcast_in_dim3A_24 {strides = array<i32>} : memref<16384xf32, #tpu.memory_space<vmem>>, vector<16xf32>,
      %mul3A_589 = arith.constant 256 : i32
      %mul3A_590 = arith.muli %scan3A_477, %mul3A_589 : i32
      %add3A_591 = arith.constant 8192 : i32
      %add3A_592 = arith.addi %add3A_591, %mul3A_590 : i32
      %add3A_593 = arith.constant 224 : i32
      %add3A_594 = arith.addi %add3A_592, %add3A_593 : i32
      %swap3A_595 = arith.index_cast %add3A_594 : i32 to index
      %swap3A_596 = tpu.vector_load %arg9[%swap3A_595] {strides = array<i32>} : memref<16384xf32, #tpu.memory_space<vmem>>, vector<16xf32>,
      tpu.vector_store %arg9[%swap3A_595], %broadcast_in_dim3A_24 {strides = array<i32>} : memref<16384xf32, #tpu.memory_space<vmem>>, vector<16xf32>,
      %mul3A_597 = arith.constant 256 : i32
      %mul3A_598 = arith.muli %scan3A_477, %mul3A_597 : i32
      %add3A_599 = arith.constant 8192 : i32
      %add3A_600 = arith.addi %add3A_599, %mul3A_598 : i32
      %add3A_601 = arith.constant 240 : i32
      %add3A_602 = arith.addi %add3A_600, %add3A_601 : i32
      %swap3A_603 = arith.index_cast %add3A_602 : i32 to index
      %swap3A_604 = tpu.vector_load %arg9[%swap3A_603] {strides = array<i32>} : memref<16384xf32, #tpu.memory_space<vmem>>, vector<16xf32>,
      tpu.vector_store %arg9[%swap3A_603], %broadcast_in_dim3A_24 {strides = array<i32>} : memref<16384xf32, #tpu.memory_space<vmem>>, vector<16xf32>,
      %mul3A_605 = arith.constant 256 : i32
      %mul3A_606 = arith.muli %scan3A_477, %mul3A_605 : i32
      %add3A_607 = arith.constant 8192 : i32
      %add3A_608 = arith.addi %add3A_607, %mul3A_606 : i32
      %broadcast_in_dim3A_609 = vector.broadcast %add3A_608 : i32 to vector<16xi32>
      %mul3A_610 = arith.constant 128 : i32
      %mul3A_611 = arith.muli %scan3A_477, %mul3A_610 : i32
      %add3A_612 = arith.constant 4096 : i32
      %add3A_613 = arith.addi %add3A_612, %mul3A_611 : i32
      %add3A_614 = arith.constant 0 : i32
      %add3A_615 = arith.addi %add3A_613, %add3A_614 : i32
      %get3A = arith.index_cast %add3A_615 : i32 to index
      %get3A_616 = tpu.vector_load %arg8[%get3A] {strides = array<i32>} : memref<8192xi32, #tpu.memory_space<vmem>>, vector<16xi32>,
      %add3A_617 = arith.addi %broadcast_in_dim3A_609, %get3A_616 : vector<16xi32>
      tpu.vector_store_idx %arg9[%add3A_617], %broadcast_in_dim3A_26 {add = true} : memref<16384xf32, #tpu.memory_space<vmem>>[vector<16xi32>], vector<16xf32>,
      %mul3A_618 = arith.constant 128 : i32
      %mul3A_619 = arith.muli %scan3A_477, %mul3A_618 : i32
      %add3A_620 = arith.constant 4096 : i32
      %add3A_621 = arith.addi %add3A_620, %mul3A_619 : i32
      %add3A_622 = arith.constant 16 : i32
      %add3A_623 = arith.addi %add3A_621, %add3A_622 : i32
      %get3A_624 = arith.index_cast %add3A_623 : i32 to index
      %get3A_625 = tpu.vector_load %arg8[%get3A_624] {strides = array<i32>} : memref<8192xi32, #tpu.memory_space<vmem>>, vector<16xi32>,
      %add3A_626 = arith.addi %broadcast_in_dim3A_609, %get3A_625 : vector<16xi32>
      tpu.vector_store_idx %arg9[%add3A_626], %broadcast_in_dim3A_26 {add = true} : memref<16384xf32, #tpu.memory_space<vmem>>[vector<16xi32>], vector<16xf32>,
      %mul3A_627 = arith.constant 128 : i32
      %mul3A_628 = arith.muli %scan3A_477, %mul3A_627 : i32
      %add3A_629 = arith.constant 4096 : i32
      %add3A_630 = arith.addi %add3A_629, %mul3A_628 : i32
      %add3A_631 = arith.constant 32 : i32
      %add3A_632 = arith.addi %add3A_630, %add3A_631 : i32
      %get3A_633 = arith.index_cast %add3A_632 : i32 to index
      %get3A_634 = tpu.vector_load %arg8[%get3A_633] {strides = array<i32>} : memref<8192xi32, #tpu.memory_space<vmem>>, vector<16xi32>,
      %add3A_635 = arith.addi %broadcast_in_dim3A_609, %get3A_634 : vector<16xi32>
      tpu.vector_store_idx %arg9[%add3A_635], %broadcast_in_dim3A_26 {add = true} : memref<16384xf32, #tpu.memory_space<vmem>>[vector<16xi32>], vector<16xf32>,
      %mul3A_636 = arith.constant 128 : i32
      %mul3A_637 = arith.muli %scan3A_477, %mul3A_636 : i32
      %add3A_638 = arith.constant 4096 : i32
      %add3A_639 = arith.addi %add3A_638, %mul3A_637 : i32
      %add3A_640 = arith.constant 48 : i32
      %add3A_641 = arith.addi %add3A_639, %add3A_640 : i32
      %get3A_642 = arith.index_cast %add3A_641 : i32 to index
      %get3A_643 = tpu.vector_load %arg8[%get3A_642] {strides = array<i32>} : memref<8192xi32, #tpu.memory_space<vmem>>, vector<16xi32>,
      %add3A_644 = arith.addi %broadcast_in_dim3A_609, %get3A_643 : vector<16xi32>
      tpu.vector_store_idx %arg9[%add3A_644], %broadcast_in_dim3A_26 {add = true} : memref<16384xf32, #tpu.memory_space<vmem>>[vector<16xi32>], vector<16xf32>,
      %mul3A_645 = arith.constant 128 : i32
      %mul3A_646 = arith.muli %scan3A_477, %mul3A_645 : i32
      %add3A_647 = arith.constant 4096 : i32
      %add3A_648 = arith.addi %add3A_647, %mul3A_646 : i32
      %add3A_649 = arith.constant 64 : i32
      %add3A_650 = arith.addi %add3A_648, %add3A_649 : i32
      %get3A_651 = arith.index_cast %add3A_650 : i32 to index
      %get3A_652 = tpu.vector_load %arg8[%get3A_651] {strides = array<i32>} : memref<8192xi32, #tpu.memory_space<vmem>>, vector<16xi32>,
      %add3A_653 = arith.addi %broadcast_in_dim3A_609, %get3A_652 : vector<16xi32>
      tpu.vector_store_idx %arg9[%add3A_653], %broadcast_in_dim3A_26 {add = true} : memref<16384xf32, #tpu.memory_space<vmem>>[vector<16xi32>], vector<16xf32>,
      %mul3A_654 = arith.constant 128 : i32
      %mul3A_655 = arith.muli %scan3A_477, %mul3A_654 : i32
      %add3A_656 = arith.constant 4096 : i32
      %add3A_657 = arith.addi %add3A_656, %mul3A_655 : i32
      %add3A_658 = arith.constant 80 : i32
      %add3A_659 = arith.addi %add3A_657, %add3A_658 : i32
      %get3A_660 = arith.index_cast %add3A_659 : i32 to index
      %get3A_661 = tpu.vector_load %arg8[%get3A_660] {strides = array<i32>} : memref<8192xi32, #tpu.memory_space<vmem>>, vector<16xi32>,
      %add3A_662 = arith.addi %broadcast_in_dim3A_609, %get3A_661 : vector<16xi32>
      tpu.vector_store_idx %arg9[%add3A_662], %broadcast_in_dim3A_26 {add = true} : memref<16384xf32, #tpu.memory_space<vmem>>[vector<16xi32>], vector<16xf32>,
      %mul3A_663 = arith.constant 128 : i32
      %mul3A_664 = arith.muli %scan3A_477, %mul3A_663 : i32
      %add3A_665 = arith.constant 4096 : i32
      %add3A_666 = arith.addi %add3A_665, %mul3A_664 : i32
      %add3A_667 = arith.constant 96 : i32
      %add3A_668 = arith.addi %add3A_666, %add3A_667 : i32
      %get3A_669 = arith.index_cast %add3A_668 : i32 to index
      %get3A_670 = tpu.vector_load %arg8[%get3A_669] {strides = array<i32>} : memref<8192xi32, #tpu.memory_space<vmem>>, vector<16xi32>,
      %add3A_671 = arith.addi %broadcast_in_dim3A_609, %get3A_670 : vector<16xi32>
      tpu.vector_store_idx %arg9[%add3A_671], %broadcast_in_dim3A_26 {add = true} : memref<16384xf32, #tpu.memory_space<vmem>>[vector<16xi32>], vector<16xf32>,
      %mul3A_672 = arith.constant 128 : i32
      %mul3A_673 = arith.muli %scan3A_477, %mul3A_672 : i32
      %add3A_674 = arith.constant 4096 : i32
      %add3A_675 = arith.addi %add3A_674, %mul3A_673 : i32
      %add3A_676 = arith.constant 112 : i32
      %add3A_677 = arith.addi %add3A_675, %add3A_676 : i32
      %get3A_678 = arith.index_cast %add3A_677 : i32 to index
      %get3A_679 = tpu.vector_load %arg8[%get3A_678] {strides = array<i32>} : memref<8192xi32, #tpu.memory_space<vmem>>, vector<16xi32>,
      %add3A_680 = arith.addi %broadcast_in_dim3A_609, %get3A_679 : vector<16xi32>
      tpu.vector_store_idx %arg9[%add3A_680], %broadcast_in_dim3A_26 {add = true} : memref<16384xf32, #tpu.memory_space<vmem>>[vector<16xi32>], vector<16xf32>,
    }
    %scan3A_88 = arith.constant 32 : i32
    %add3A_89 = arith.constant 32 : i32
    %add3A_90 = arith.addi %mul3A_2, %add3A_89 : i32
    %mul3A_91 = arith.constant 256 : i32
    %mul3A_92 = arith.muli %add3A_90, %mul3A_91 : i32
    %dma_start3A_93 = arith.constant 8192 : i32
    %dma_start3A_94 = tpu.memref_slice %arg9[%dma_start3A_93] : memref<16384xf32, #tpu.memory_space<vmem>> -> memref<8192xf32, #tpu.memory_space<vmem>>
    %dma_start3A_95 = tpu.memref_slice %arg5[%mul3A_92] : memref<2097152xf32, #tpu.memory_space<hbm>> -> memref<8192xf32, #tpu.memory_space<hbm>>
    %dma_start3A_96 = tpu.memref_slice %arg5[%mul3A_92] : memref<2097152xf32, #tpu.memory_space<hbm>> -> memref<8192xf32, #tpu.memory_space<hbm>>
    %dma_start3A_97 = arith.constant 8192 : i32
    %dma_start3A_98 = tpu.memref_slice %arg9[%dma_start3A_97] : memref<16384xf32, #tpu.memory_space<vmem>> -> memref<8192xf32, #tpu.memory_space<vmem>>
    tpu.enqueue_dma source(%dma_start3A_98 : memref<8192xf32, #tpu.memory_space<vmem>>) target(%dma_start3A_96 : memref<8192xf32, #tpu.memory_space<hbm>>) target_semaphore(%arg13 : memref<!tpu.dma_semaphore, #tpu.memory_space<semaphore_mem>>)
    %dma_wait3A_99 = arith.constant 0 : i32
    %dma_wait3A_100 = tpu.memref_slice %arg8[%dma_wait3A_99] : memref<8192xi32, #tpu.memory_space<vmem>> -> memref<4096xi32, #tpu.memory_space<vmem>>
    %dma_wait3A_101 = tpu.memref_slice %arg2[%mul3A_76] : memref<1048576xi32, #tpu.memory_space<hbm>> -> memref<4096xi32, #tpu.memory_space<hbm>>
    %dma_wait3A_102 = arith.constant 0 : i32
    %dma_wait3A_103 = tpu.memref_slice %arg8[%dma_wait3A_102] : memref<8192xi32, #tpu.memory_space<vmem>> -> memref<4096xi32, #tpu.memory_space<vmem>>
    %dma_wait3A_104 = tpu.memref_slice %arg2[%mul3A_76] : memref<1048576xi32, #tpu.memory_space<hbm>> -> memref<4096xi32, #tpu.memory_space<hbm>>
    tpu.wait_dma2 semaphore(%arg12 : memref<!tpu.dma_semaphore, #tpu.memory_space<semaphore_mem>>) src(%dma_wait3A_104 : memref<4096xi32, #tpu.memory_space<hbm>>) dst(%dma_wait3A_103 : memref<4096xi32, #tpu.memory_space<vmem>>)
    %add3A_105 = arith.constant 96 : i32
    %add3A_106 = arith.addi %mul3A_2, %add3A_105 : i32
    %mul3A_107 = arith.constant 128 : i32
    %mul3A_108 = arith.muli %add3A_106, %mul3A_107 : i32
    %dma_start3A_109 = arith.constant 4096 : i32
    %dma_start3A_110 = tpu.memref_slice %arg8[%dma_start3A_109] : memref<8192xi32, #tpu.memory_space<vmem>> -> memref<4096xi32, #tpu.memory_space<vmem>>
    %dma_start3A_111 = tpu.memref_slice %arg2[%mul3A_108] : memref<1048576xi32, #tpu.memory_space<hbm>> -> memref<4096xi32, #tpu.memory_space<hbm>>
    %dma_start3A_112 = arith.constant 4096 : i32
    %dma_start3A_113 = tpu.memref_slice %arg8[%dma_start3A_112] : memref<8192xi32, #tpu.memory_space<vmem>> -> memref<4096xi32, #tpu.memory_space<vmem>>
    %dma_start3A_114 = tpu.memref_slice %arg2[%mul3A_108] : memref<1048576xi32, #tpu.memory_space<hbm>> -> memref<4096xi32, #tpu.memory_space<hbm>>
    tpu.enqueue_dma source(%dma_start3A_114 : memref<4096xi32, #tpu.memory_space<hbm>>) target(%dma_start3A_113 : memref<4096xi32, #tpu.memory_space<vmem>>) target_semaphore(%arg12 : memref<!tpu.dma_semaphore, #tpu.memory_space<semaphore_mem>>)
    %dma_wait3A_115 = arith.constant 0 : i32
    %dma_wait3A_116 = tpu.memref_slice %arg9[%dma_wait3A_115] : memref<16384xf32, #tpu.memory_space<vmem>> -> memref<8192xf32, #tpu.memory_space<vmem>>
    %dma_wait3A_117 = tpu.memref_slice %arg5[%mul3A_60] : memref<2097152xf32, #tpu.memory_space<hbm>> -> memref<8192xf32, #tpu.memory_space<hbm>>
    %dma_wait3A_118 = tpu.memref_slice %arg5[%mul3A_60] : memref<2097152xf32, #tpu.memory_space<hbm>> -> memref<8192xf32, #tpu.memory_space<hbm>>
    %dma_wait3A_119 = arith.constant 0 : i32
    %dma_wait3A_120 = tpu.memref_slice %arg9[%dma_wait3A_119] : memref<16384xf32, #tpu.memory_space<vmem>> -> memref<8192xf32, #tpu.memory_space<vmem>>
    tpu.wait_dma2 semaphore(%arg13 : memref<!tpu.dma_semaphore, #tpu.memory_space<semaphore_mem>>) src(%dma_wait3A_120 : memref<8192xf32, #tpu.memory_space<vmem>>) dst(%dma_wait3A_118 : memref<8192xf32, #tpu.memory_space<hbm>>)
    %dma_wait3A_121 = arith.constant 0 : i32
    %dma_wait3A_122 = arith.constant 0 : i32
    %dma_wait3A_123 = arith.constant 0 : i32
    %dma_wait3A_124 = tpu.memref_slice %arg10[%dma_wait3A_122, %dma_wait3A_123] : memref<128x128xf32, #tpu.memory_space<vmem>> -> memref<64x128xf32, #tpu.memory_space<vmem>>
    %dma_wait3A_125 = arith.constant 0 : i32
    %dma_wait3A_126 = tpu.memref_slice %arg7[%dma_wait3A_121, %dma_wait3A_125] : memref<4x64xi32, #tpu.memory_space<vmem>> -> memref<1x64xi32, #tpu.memory_space<vmem>>
    %dma_wait3A_127 = tpu.memref_squeeze %dma_wait3A_126 : memref<1x64xi32, #tpu.memory_space<vmem>> -> memref<64xi32, #tpu.memory_space<vmem>>
    %dma_wait3A_128 = arith.constant 0 : i32
    %dma_wait3A_129 = arith.constant 0 : i32
    %dma_wait3A_130 = tpu.memref_slice %arg4[%dma_wait3A_128, %dma_wait3A_129] : memref<2000x128xf32, #tpu.memory_space<hbm>> -> memref<2000x128xf32, #tpu.memory_space<hbm>>
    tpu.wait_indirect_dma semaphore(%arg11 : memref<!tpu.dma_semaphore, #tpu.memory_space<semaphore_mem>>) src(%dma_wait3A_130 : memref<2000x128xf32, #tpu.memory_space<hbm>>) dst(%dma_wait3A_124 : memref<64x128xf32, #tpu.memory_space<vmem>>)
    %add3A_131 = arith.constant 0 : i32
    %add3A_132 = arith.addi %mul3A_2, %add3A_131 : i32
    %dma_start3A_133 = arith.constant 0 : i32
    %dma_start3A_134 = arith.constant 0 : i32
    %dma_start3A_135 = tpu.memref_slice %arg10[%dma_start3A_133, %dma_start3A_134] : memref<128x128xf32, #tpu.memory_space<vmem>> -> memref<64x128xf32, #tpu.memory_space<vmem>>
    %dma_start3A_136 = arith.constant 0 : i32
    %dma_start3A_137 = tpu.memref_slice %arg6[%add3A_132, %dma_start3A_136] : memref<8192x128xf32, #tpu.memory_space<hbm>> -> memref<64x128xf32, #tpu.memory_space<hbm>>
    %dma_start3A_138 = arith.constant 0 : i32
    %dma_start3A_139 = tpu.memref_slice %arg6[%add3A_132, %dma_start3A_138] : memref<8192x128xf32, #tpu.memory_space<hbm>> -> memref<64x128xf32, #tpu.memory_space<hbm>>
    %dma_start3A_140 = arith.constant 0 : i32
    %dma_start3A_141 = arith.constant 0 : i32
    %dma_start3A_142 = tpu.memref_slice %arg10[%dma_start3A_140, %dma_start3A_141] : memref<128x128xf32, #tpu.memory_space<vmem>> -> memref<64x128xf32, #tpu.memory_space<vmem>>
    tpu.enqueue_dma source(%dma_start3A_142 : memref<64x128xf32, #tpu.memory_space<vmem>>) target(%dma_start3A_139 : memref<64x128xf32, #tpu.memory_space<hbm>>) target_semaphore(%arg14 : memref<!tpu.dma_semaphore, #tpu.memory_space<semaphore_mem>>)
    %scan3A_143 = arith.constant 0 : i32
    %scan3A_144 = arith.constant 0 : i32
    %scan3A_145 = arith.constant 32 : i32
    %scan3A_146 = arith.addi %scan3A_144, %scan3A_145 : i32
    %scan3A_147 = arith.constant 1 : i32
    scf.for %scan3A_477 = %scan3A_144 to %scan3A_146 step %scan3A_147  : i32 {
      %mul3A_478 = arith.constant 256 : i32
      %mul3A_479 = arith.muli %scan3A_477, %mul3A_478 : i32
      %add3A_480 = arith.constant 0 : i32
      %add3A_481 = arith.addi %add3A_480, %mul3A_479 : i32
      %add3A_482 = arith.constant 0 : i32
      %add3A_483 = arith.addi %add3A_481, %add3A_482 : i32
      %swap3A = arith.index_cast %add3A_483 : i32 to index
      %swap3A_484 = tpu.vector_load %arg9[%swap3A] {strides = array<i32>} : memref<16384xf32, #tpu.memory_space<vmem>>, vector<16xf32>,
      tpu.vector_store %arg9[%swap3A], %broadcast_in_dim3A_24 {strides = array<i32>} : memref<16384xf32, #tpu.memory_space<vmem>>, vector<16xf32>,
      %mul3A_485 = arith.constant 256 : i32
      %mul3A_486 = arith.muli %scan3A_477, %mul3A_485 : i32
      %add3A_487 = arith.constant 0 : i32
      %add3A_488 = arith.addi %add3A_487, %mul3A_486 : i32
      %add3A_489 = arith.constant 16 : i32
      %add3A_490 = arith.addi %add3A_488, %add3A_489 : i32
      %swap3A_491 = arith.index_cast %add3A_490 : i32 to index
      %swap3A_492 = tpu.vector_load %arg9[%swap3A_491] {strides = array<i32>} : memref<16384xf32, #tpu.memory_space<vmem>>, vector<16xf32>,
      tpu.vector_store %arg9[%swap3A_491], %broadcast_in_dim3A_24 {strides = array<i32>} : memref<16384xf32, #tpu.memory_space<vmem>>, vector<16xf32>,
      %mul3A_493 = arith.constant 256 : i32
      %mul3A_494 = arith.muli %scan3A_477, %mul3A_493 : i32
      %add3A_495 = arith.constant 0 : i32
      %add3A_496 = arith.addi %add3A_495, %mul3A_494 : i32
      %add3A_497 = arith.constant 32 : i32
      %add3A_498 = arith.addi %add3A_496, %add3A_497 : i32
      %swap3A_499 = arith.index_cast %add3A_498 : i32 to index
      %swap3A_500 = tpu.vector_load %arg9[%swap3A_499] {strides = array<i32>} : memref<16384xf32, #tpu.memory_space<vmem>>, vector<16xf32>,
      tpu.vector_store %arg9[%swap3A_499], %broadcast_in_dim3A_24 {strides = array<i32>} : memref<16384xf32, #tpu.memory_space<vmem>>, vector<16xf32>,
      %mul3A_501 = arith.constant 256 : i32
      %mul3A_502 = arith.muli %scan3A_477, %mul3A_501 : i32
      %add3A_503 = arith.constant 0 : i32
      %add3A_504 = arith.addi %add3A_503, %mul3A_502 : i32
      %add3A_505 = arith.constant 48 : i32
      %add3A_506 = arith.addi %add3A_504, %add3A_505 : i32
      %swap3A_507 = arith.index_cast %add3A_506 : i32 to index
      %swap3A_508 = tpu.vector_load %arg9[%swap3A_507] {strides = array<i32>} : memref<16384xf32, #tpu.memory_space<vmem>>, vector<16xf32>,
      tpu.vector_store %arg9[%swap3A_507], %broadcast_in_dim3A_24 {strides = array<i32>} : memref<16384xf32, #tpu.memory_space<vmem>>, vector<16xf32>,
      %mul3A_509 = arith.constant 256 : i32
      %mul3A_510 = arith.muli %scan3A_477, %mul3A_509 : i32
      %add3A_511 = arith.constant 0 : i32
      %add3A_512 = arith.addi %add3A_511, %mul3A_510 : i32
      %add3A_513 = arith.constant 64 : i32
      %add3A_514 = arith.addi %add3A_512, %add3A_513 : i32
      %swap3A_515 = arith.index_cast %add3A_514 : i32 to index
      %swap3A_516 = tpu.vector_load %arg9[%swap3A_515] {strides = array<i32>} : memref<16384xf32, #tpu.memory_space<vmem>>, vector<16xf32>,
      tpu.vector_store %arg9[%swap3A_515], %broadcast_in_dim3A_24 {strides = array<i32>} : memref<16384xf32, #tpu.memory_space<vmem>>, vector<16xf32>,
      %mul3A_517 = arith.constant 256 : i32
      %mul3A_518 = arith.muli %scan3A_477, %mul3A_517 : i32
      %add3A_519 = arith.constant 0 : i32
      %add3A_520 = arith.addi %add3A_519, %mul3A_518 : i32
      %add3A_521 = arith.constant 80 : i32
      %add3A_522 = arith.addi %add3A_520, %add3A_521 : i32
      %swap3A_523 = arith.index_cast %add3A_522 : i32 to index
      %swap3A_524 = tpu.vector_load %arg9[%swap3A_523] {strides = array<i32>} : memref<16384xf32, #tpu.memory_space<vmem>>, vector<16xf32>,
      tpu.vector_store %arg9[%swap3A_523], %broadcast_in_dim3A_24 {strides = array<i32>} : memref<16384xf32, #tpu.memory_space<vmem>>, vector<16xf32>,
      %mul3A_525 = arith.constant 256 : i32
      %mul3A_526 = arith.muli %scan3A_477, %mul3A_525 : i32
      %add3A_527 = arith.constant 0 : i32
      %add3A_528 = arith.addi %add3A_527, %mul3A_526 : i32
      %add3A_529 = arith.constant 96 : i32
      %add3A_530 = arith.addi %add3A_528, %add3A_529 : i32
      %swap3A_531 = arith.index_cast %add3A_530 : i32 to index
      %swap3A_532 = tpu.vector_load %arg9[%swap3A_531] {strides = array<i32>} : memref<16384xf32, #tpu.memory_space<vmem>>, vector<16xf32>,
      tpu.vector_store %arg9[%swap3A_531], %broadcast_in_dim3A_24 {strides = array<i32>} : memref<16384xf32, #tpu.memory_space<vmem>>, vector<16xf32>,
      %mul3A_533 = arith.constant 256 : i32
      %mul3A_534 = arith.muli %scan3A_477, %mul3A_533 : i32
      %add3A_535 = arith.constant 0 : i32
      %add3A_536 = arith.addi %add3A_535, %mul3A_534 : i32
      %add3A_537 = arith.constant 112 : i32
      %add3A_538 = arith.addi %add3A_536, %add3A_537 : i32
      %swap3A_539 = arith.index_cast %add3A_538 : i32 to index
      %swap3A_540 = tpu.vector_load %arg9[%swap3A_539] {strides = array<i32>} : memref<16384xf32, #tpu.memory_space<vmem>>, vector<16xf32>,
      tpu.vector_store %arg9[%swap3A_539], %broadcast_in_dim3A_24 {strides = array<i32>} : memref<16384xf32, #tpu.memory_space<vmem>>, vector<16xf32>,
      %mul3A_541 = arith.constant 256 : i32
      %mul3A_542 = arith.muli %scan3A_477, %mul3A_541 : i32
      %add3A_543 = arith.constant 0 : i32
      %add3A_544 = arith.addi %add3A_543, %mul3A_542 : i32
      %add3A_545 = arith.constant 128 : i32
      %add3A_546 = arith.addi %add3A_544, %add3A_545 : i32
      %swap3A_547 = arith.index_cast %add3A_546 : i32 to index
      %swap3A_548 = tpu.vector_load %arg9[%swap3A_547] {strides = array<i32>} : memref<16384xf32, #tpu.memory_space<vmem>>, vector<16xf32>,
      tpu.vector_store %arg9[%swap3A_547], %broadcast_in_dim3A_24 {strides = array<i32>} : memref<16384xf32, #tpu.memory_space<vmem>>, vector<16xf32>,
      %mul3A_549 = arith.constant 256 : i32
      %mul3A_550 = arith.muli %scan3A_477, %mul3A_549 : i32
      %add3A_551 = arith.constant 0 : i32
      %add3A_552 = arith.addi %add3A_551, %mul3A_550 : i32
      %add3A_553 = arith.constant 144 : i32
      %add3A_554 = arith.addi %add3A_552, %add3A_553 : i32
      %swap3A_555 = arith.index_cast %add3A_554 : i32 to index
      %swap3A_556 = tpu.vector_load %arg9[%swap3A_555] {strides = array<i32>} : memref<16384xf32, #tpu.memory_space<vmem>>, vector<16xf32>,
      tpu.vector_store %arg9[%swap3A_555], %broadcast_in_dim3A_24 {strides = array<i32>} : memref<16384xf32, #tpu.memory_space<vmem>>, vector<16xf32>,
      %mul3A_557 = arith.constant 256 : i32
      %mul3A_558 = arith.muli %scan3A_477, %mul3A_557 : i32
      %add3A_559 = arith.constant 0 : i32
      %add3A_560 = arith.addi %add3A_559, %mul3A_558 : i32
      %add3A_561 = arith.constant 160 : i32
      %add3A_562 = arith.addi %add3A_560, %add3A_561 : i32
      %swap3A_563 = arith.index_cast %add3A_562 : i32 to index
      %swap3A_564 = tpu.vector_load %arg9[%swap3A_563] {strides = array<i32>} : memref<16384xf32, #tpu.memory_space<vmem>>, vector<16xf32>,
      tpu.vector_store %arg9[%swap3A_563], %broadcast_in_dim3A_24 {strides = array<i32>} : memref<16384xf32, #tpu.memory_space<vmem>>, vector<16xf32>,
      %mul3A_565 = arith.constant 256 : i32
      %mul3A_566 = arith.muli %scan3A_477, %mul3A_565 : i32
      %add3A_567 = arith.constant 0 : i32
      %add3A_568 = arith.addi %add3A_567, %mul3A_566 : i32
      %add3A_569 = arith.constant 176 : i32
      %add3A_570 = arith.addi %add3A_568, %add3A_569 : i32
      %swap3A_571 = arith.index_cast %add3A_570 : i32 to index
      %swap3A_572 = tpu.vector_load %arg9[%swap3A_571] {strides = array<i32>} : memref<16384xf32, #tpu.memory_space<vmem>>, vector<16xf32>,
      tpu.vector_store %arg9[%swap3A_571], %broadcast_in_dim3A_24 {strides = array<i32>} : memref<16384xf32, #tpu.memory_space<vmem>>, vector<16xf32>,
      %mul3A_573 = arith.constant 256 : i32
      %mul3A_574 = arith.muli %scan3A_477, %mul3A_573 : i32
      %add3A_575 = arith.constant 0 : i32
      %add3A_576 = arith.addi %add3A_575, %mul3A_574 : i32
      %add3A_577 = arith.constant 192 : i32
      %add3A_578 = arith.addi %add3A_576, %add3A_577 : i32
      %swap3A_579 = arith.index_cast %add3A_578 : i32 to index
      %swap3A_580 = tpu.vector_load %arg9[%swap3A_579] {strides = array<i32>} : memref<16384xf32, #tpu.memory_space<vmem>>, vector<16xf32>,
      tpu.vector_store %arg9[%swap3A_579], %broadcast_in_dim3A_24 {strides = array<i32>} : memref<16384xf32, #tpu.memory_space<vmem>>, vector<16xf32>,
      %mul3A_581 = arith.constant 256 : i32
      %mul3A_582 = arith.muli %scan3A_477, %mul3A_581 : i32
      %add3A_583 = arith.constant 0 : i32
      %add3A_584 = arith.addi %add3A_583, %mul3A_582 : i32
      %add3A_585 = arith.constant 208 : i32
      %add3A_586 = arith.addi %add3A_584, %add3A_585 : i32
      %swap3A_587 = arith.index_cast %add3A_586 : i32 to index
      %swap3A_588 = tpu.vector_load %arg9[%swap3A_587] {strides = array<i32>} : memref<16384xf32, #tpu.memory_space<vmem>>, vector<16xf32>,
      tpu.vector_store %arg9[%swap3A_587], %broadcast_in_dim3A_24 {strides = array<i32>} : memref<16384xf32, #tpu.memory_space<vmem>>, vector<16xf32>,
      %mul3A_589 = arith.constant 256 : i32
      %mul3A_590 = arith.muli %scan3A_477, %mul3A_589 : i32
      %add3A_591 = arith.constant 0 : i32
      %add3A_592 = arith.addi %add3A_591, %mul3A_590 : i32
      %add3A_593 = arith.constant 224 : i32
      %add3A_594 = arith.addi %add3A_592, %add3A_593 : i32
      %swap3A_595 = arith.index_cast %add3A_594 : i32 to index
      %swap3A_596 = tpu.vector_load %arg9[%swap3A_595] {strides = array<i32>} : memref<16384xf32, #tpu.memory_space<vmem>>, vector<16xf32>,
      tpu.vector_store %arg9[%swap3A_595], %broadcast_in_dim3A_24 {strides = array<i32>} : memref<16384xf32, #tpu.memory_space<vmem>>, vector<16xf32>,
      %mul3A_597 = arith.constant 256 : i32
      %mul3A_598 = arith.muli %scan3A_477, %mul3A_597 : i32
      %add3A_599 = arith.constant 0 : i32
      %add3A_600 = arith.addi %add3A_599, %mul3A_598 : i32
      %add3A_601 = arith.constant 240 : i32
      %add3A_602 = arith.addi %add3A_600, %add3A_601 : i32
      %swap3A_603 = arith.index_cast %add3A_602 : i32 to index
      %swap3A_604 = tpu.vector_load %arg9[%swap3A_603] {strides = array<i32>} : memref<16384xf32, #tpu.memory_space<vmem>>, vector<16xf32>,
      tpu.vector_store %arg9[%swap3A_603], %broadcast_in_dim3A_24 {strides = array<i32>} : memref<16384xf32, #tpu.memory_space<vmem>>, vector<16xf32>,
      %mul3A_605 = arith.constant 256 : i32
      %mul3A_606 = arith.muli %scan3A_477, %mul3A_605 : i32
      %add3A_607 = arith.constant 0 : i32
      %add3A_608 = arith.addi %add3A_607, %mul3A_606 : i32
      %broadcast_in_dim3A_609 = vector.broadcast %add3A_608 : i32 to vector<16xi32>
      %mul3A_610 = arith.constant 128 : i32
      %mul3A_611 = arith.muli %scan3A_477, %mul3A_610 : i32
      %add3A_612 = arith.constant 0 : i32
      %add3A_613 = arith.addi %add3A_612, %mul3A_611 : i32
      %add3A_614 = arith.constant 0 : i32
      %add3A_615 = arith.addi %add3A_613, %add3A_614 : i32
      %get3A = arith.index_cast %add3A_615 : i32 to index
      %get3A_616 = tpu.vector_load %arg8[%get3A] {strides = array<i32>} : memref<8192xi32, #tpu.memory_space<vmem>>, vector<16xi32>,
      %add3A_617 = arith.addi %broadcast_in_dim3A_609, %get3A_616 : vector<16xi32>
      tpu.vector_store_idx %arg9[%add3A_617], %broadcast_in_dim3A_26 {add = true} : memref<16384xf32, #tpu.memory_space<vmem>>[vector<16xi32>], vector<16xf32>,
      %mul3A_618 = arith.constant 128 : i32
      %mul3A_619 = arith.muli %scan3A_477, %mul3A_618 : i32
      %add3A_620 = arith.constant 0 : i32
      %add3A_621 = arith.addi %add3A_620, %mul3A_619 : i32
      %add3A_622 = arith.constant 16 : i32
      %add3A_623 = arith.addi %add3A_621, %add3A_622 : i32
      %get3A_624 = arith.index_cast %add3A_623 : i32 to index
      %get3A_625 = tpu.vector_load %arg8[%get3A_624] {strides = array<i32>} : memref<8192xi32, #tpu.memory_space<vmem>>, vector<16xi32>,
      %add3A_626 = arith.addi %broadcast_in_dim3A_609, %get3A_625 : vector<16xi32>
      tpu.vector_store_idx %arg9[%add3A_626], %broadcast_in_dim3A_26 {add = true} : memref<16384xf32, #tpu.memory_space<vmem>>[vector<16xi32>], vector<16xf32>,
      %mul3A_627 = arith.constant 128 : i32
      %mul3A_628 = arith.muli %scan3A_477, %mul3A_627 : i32
      %add3A_629 = arith.constant 0 : i32
      %add3A_630 = arith.addi %add3A_629, %mul3A_628 : i32
      %add3A_631 = arith.constant 32 : i32
      %add3A_632 = arith.addi %add3A_630, %add3A_631 : i32
      %get3A_633 = arith.index_cast %add3A_632 : i32 to index
      %get3A_634 = tpu.vector_load %arg8[%get3A_633] {strides = array<i32>} : memref<8192xi32, #tpu.memory_space<vmem>>, vector<16xi32>,
      %add3A_635 = arith.addi %broadcast_in_dim3A_609, %get3A_634 : vector<16xi32>
      tpu.vector_store_idx %arg9[%add3A_635], %broadcast_in_dim3A_26 {add = true} : memref<16384xf32, #tpu.memory_space<vmem>>[vector<16xi32>], vector<16xf32>,
      %mul3A_636 = arith.constant 128 : i32
      %mul3A_637 = arith.muli %scan3A_477, %mul3A_636 : i32
      %add3A_638 = arith.constant 0 : i32
      %add3A_639 = arith.addi %add3A_638, %mul3A_637 : i32
      %add3A_640 = arith.constant 48 : i32
      %add3A_641 = arith.addi %add3A_639, %add3A_640 : i32
      %get3A_642 = arith.index_cast %add3A_641 : i32 to index
      %get3A_643 = tpu.vector_load %arg8[%get3A_642] {strides = array<i32>} : memref<8192xi32, #tpu.memory_space<vmem>>, vector<16xi32>,
      %add3A_644 = arith.addi %broadcast_in_dim3A_609, %get3A_643 : vector<16xi32>
      tpu.vector_store_idx %arg9[%add3A_644], %broadcast_in_dim3A_26 {add = true} : memref<16384xf32, #tpu.memory_space<vmem>>[vector<16xi32>], vector<16xf32>,
      %mul3A_645 = arith.constant 128 : i32
      %mul3A_646 = arith.muli %scan3A_477, %mul3A_645 : i32
      %add3A_647 = arith.constant 0 : i32
      %add3A_648 = arith.addi %add3A_647, %mul3A_646 : i32
      %add3A_649 = arith.constant 64 : i32
      %add3A_650 = arith.addi %add3A_648, %add3A_649 : i32
      %get3A_651 = arith.index_cast %add3A_650 : i32 to index
      %get3A_652 = tpu.vector_load %arg8[%get3A_651] {strides = array<i32>} : memref<8192xi32, #tpu.memory_space<vmem>>, vector<16xi32>,
      %add3A_653 = arith.addi %broadcast_in_dim3A_609, %get3A_652 : vector<16xi32>
      tpu.vector_store_idx %arg9[%add3A_653], %broadcast_in_dim3A_26 {add = true} : memref<16384xf32, #tpu.memory_space<vmem>>[vector<16xi32>], vector<16xf32>,
      %mul3A_654 = arith.constant 128 : i32
      %mul3A_655 = arith.muli %scan3A_477, %mul3A_654 : i32
      %add3A_656 = arith.constant 0 : i32
      %add3A_657 = arith.addi %add3A_656, %mul3A_655 : i32
      %add3A_658 = arith.constant 80 : i32
      %add3A_659 = arith.addi %add3A_657, %add3A_658 : i32
      %get3A_660 = arith.index_cast %add3A_659 : i32 to index
      %get3A_661 = tpu.vector_load %arg8[%get3A_660] {strides = array<i32>} : memref<8192xi32, #tpu.memory_space<vmem>>, vector<16xi32>,
      %add3A_662 = arith.addi %broadcast_in_dim3A_609, %get3A_661 : vector<16xi32>
      tpu.vector_store_idx %arg9[%add3A_662], %broadcast_in_dim3A_26 {add = true} : memref<16384xf32, #tpu.memory_space<vmem>>[vector<16xi32>], vector<16xf32>,
      %mul3A_663 = arith.constant 128 : i32
      %mul3A_664 = arith.muli %scan3A_477, %mul3A_663 : i32
      %add3A_665 = arith.constant 0 : i32
      %add3A_666 = arith.addi %add3A_665, %mul3A_664 : i32
      %add3A_667 = arith.constant 96 : i32
      %add3A_668 = arith.addi %add3A_666, %add3A_667 : i32
      %get3A_669 = arith.index_cast %add3A_668 : i32 to index
      %get3A_670 = tpu.vector_load %arg8[%get3A_669] {strides = array<i32>} : memref<8192xi32, #tpu.memory_space<vmem>>, vector<16xi32>,
      %add3A_671 = arith.addi %broadcast_in_dim3A_609, %get3A_670 : vector<16xi32>
      tpu.vector_store_idx %arg9[%add3A_671], %broadcast_in_dim3A_26 {add = true} : memref<16384xf32, #tpu.memory_space<vmem>>[vector<16xi32>], vector<16xf32>,
      %mul3A_672 = arith.constant 128 : i32
      %mul3A_673 = arith.muli %scan3A_477, %mul3A_672 : i32
      %add3A_674 = arith.constant 0 : i32
      %add3A_675 = arith.addi %add3A_674, %mul3A_673 : i32
      %add3A_676 = arith.constant 112 : i32
      %add3A_677 = arith.addi %add3A_675, %add3A_676 : i32
      %get3A_678 = arith.index_cast %add3A_677 : i32 to index
      %get3A_679 = tpu.vector_load %arg8[%get3A_678] {strides = array<i32>} : memref<8192xi32, #tpu.memory_space<vmem>>, vector<16xi32>,
      %add3A_680 = arith.addi %broadcast_in_dim3A_609, %get3A_679 : vector<16xi32>
      tpu.vector_store_idx %arg9[%add3A_680], %broadcast_in_dim3A_26 {add = true} : memref<16384xf32, #tpu.memory_space<vmem>>[vector<16xi32>], vector<16xf32>,
    }
    %scan3A_148 = arith.constant 32 : i32
    %add3A_149 = arith.constant 64 : i32
    %add3A_150 = arith.addi %mul3A_2, %add3A_149 : i32
    %mul3A_151 = arith.constant 256 : i32
    %mul3A_152 = arith.muli %add3A_150, %mul3A_151 : i32
    %dma_start3A_153 = arith.constant 0 : i32
    %dma_start3A_154 = tpu.memref_slice %arg9[%dma_start3A_153] : memref<16384xf32, #tpu.memory_space<vmem>> -> memref<8192xf32, #tpu.memory_space<vmem>>
    %dma_start3A_155 = tpu.memref_slice %arg5[%mul3A_152] : memref<2097152xf32, #tpu.memory_space<hbm>> -> memref<8192xf32, #tpu.memory_space<hbm>>
    %dma_start3A_156 = tpu.memref_slice %arg5[%mul3A_152] : memref<2097152xf32, #tpu.memory_space<hbm>> -> memref<8192xf32, #tpu.memory_space<hbm>>
    %dma_start3A_157 = arith.constant 0 : i32
    %dma_start3A_158 = tpu.memref_slice %arg9[%dma_start3A_157] : memref<16384xf32, #tpu.memory_space<vmem>> -> memref<8192xf32, #tpu.memory_space<vmem>>
    tpu.enqueue_dma source(%dma_start3A_158 : memref<8192xf32, #tpu.memory_space<vmem>>) target(%dma_start3A_156 : memref<8192xf32, #tpu.memory_space<hbm>>) target_semaphore(%arg13 : memref<!tpu.dma_semaphore, #tpu.memory_space<semaphore_mem>>)
    %dma_wait3A_159 = arith.constant 4096 : i32
    %dma_wait3A_160 = tpu.memref_slice %arg8[%dma_wait3A_159] : memref<8192xi32, #tpu.memory_space<vmem>> -> memref<4096xi32, #tpu.memory_space<vmem>>
    %dma_wait3A_161 = tpu.memref_slice %arg2[%mul3A_108] : memref<1048576xi32, #tpu.memory_space<hbm>> -> memref<4096xi32, #tpu.memory_space<hbm>>
    %dma_wait3A_162 = arith.constant 4096 : i32
    %dma_wait3A_163 = tpu.memref_slice %arg8[%dma_wait3A_162] : memref<8192xi32, #tpu.memory_space<vmem>> -> memref<4096xi32, #tpu.memory_space<vmem>>
    %dma_wait3A_164 = tpu.memref_slice %arg2[%mul3A_108] : memref<1048576xi32, #tpu.memory_space<hbm>> -> memref<4096xi32, #tpu.memory_space<hbm>>
    tpu.wait_dma2 semaphore(%arg12 : memref<!tpu.dma_semaphore, #tpu.memory_space<semaphore_mem>>) src(%dma_wait3A_164 : memref<4096xi32, #tpu.memory_space<hbm>>) dst(%dma_wait3A_163 : memref<4096xi32, #tpu.memory_space<vmem>>)
    %add3A_165 = arith.constant 128 : i32
    %add3A_166 = arith.addi %mul3A_2, %add3A_165 : i32
    %mul3A_167 = arith.constant 128 : i32
    %mul3A_168 = arith.muli %add3A_166, %mul3A_167 : i32
    %dma_start3A_169 = arith.constant 0 : i32
    %dma_start3A_170 = tpu.memref_slice %arg8[%dma_start3A_169] : memref<8192xi32, #tpu.memory_space<vmem>> -> memref<4096xi32, #tpu.memory_space<vmem>>
    %dma_start3A_171 = tpu.memref_slice %arg2[%mul3A_168] : memref<1048576xi32, #tpu.memory_space<hbm>> -> memref<4096xi32, #tpu.memory_space<hbm>>
    %dma_start3A_172 = arith.constant 0 : i32
    %dma_start3A_173 = tpu.memref_slice %arg8[%dma_start3A_172] : memref<8192xi32, #tpu.memory_space<vmem>> -> memref<4096xi32, #tpu.memory_space<vmem>>
    %dma_start3A_174 = tpu.memref_slice %arg2[%mul3A_168] : memref<1048576xi32, #tpu.memory_space<hbm>> -> memref<4096xi32, #tpu.memory_space<hbm>>
    tpu.enqueue_dma source(%dma_start3A_174 : memref<4096xi32, #tpu.memory_space<hbm>>) target(%dma_start3A_173 : memref<4096xi32, #tpu.memory_space<vmem>>) target_semaphore(%arg12 : memref<!tpu.dma_semaphore, #tpu.memory_space<semaphore_mem>>)
    %dma_wait3A_175 = arith.constant 8192 : i32
    %dma_wait3A_176 = tpu.memref_slice %arg9[%dma_wait3A_175] : memref<16384xf32, #tpu.memory_space<vmem>> -> memref<8192xf32, #tpu.memory_space<vmem>>
    %dma_wait3A_177 = tpu.memref_slice %arg5[%mul3A_92] : memref<2097152xf32, #tpu.memory_space<hbm>> -> memref<8192xf32, #tpu.memory_space<hbm>>
    %dma_wait3A_178 = tpu.memref_slice %arg5[%mul3A_92] : memref<2097152xf32, #tpu.memory_space<hbm>> -> memref<8192xf32, #tpu.memory_space<hbm>>
    %dma_wait3A_179 = arith.constant 8192 : i32
    %dma_wait3A_180 = tpu.memref_slice %arg9[%dma_wait3A_179] : memref<16384xf32, #tpu.memory_space<vmem>> -> memref<8192xf32, #tpu.memory_space<vmem>>
    tpu.wait_dma2 semaphore(%arg13 : memref<!tpu.dma_semaphore, #tpu.memory_space<semaphore_mem>>) src(%dma_wait3A_180 : memref<8192xf32, #tpu.memory_space<vmem>>) dst(%dma_wait3A_178 : memref<8192xf32, #tpu.memory_space<hbm>>)
    %dma_wait3A_181 = arith.constant 0 : i32
    %dma_wait3A_182 = arith.constant 0 : i32
    %dma_wait3A_183 = tpu.memref_slice %arg10[%dma_wait3A_181, %dma_wait3A_182] : memref<128x128xf32, #tpu.memory_space<vmem>> -> memref<64x128xf32, #tpu.memory_space<vmem>>
    %dma_wait3A_184 = arith.constant 0 : i32
    %dma_wait3A_185 = tpu.memref_slice %arg6[%add3A_132, %dma_wait3A_184] : memref<8192x128xf32, #tpu.memory_space<hbm>> -> memref<64x128xf32, #tpu.memory_space<hbm>>
    %dma_wait3A_186 = arith.constant 0 : i32
    %dma_wait3A_187 = tpu.memref_slice %arg6[%add3A_132, %dma_wait3A_186] : memref<8192x128xf32, #tpu.memory_space<hbm>> -> memref<64x128xf32, #tpu.memory_space<hbm>>
    %dma_wait3A_188 = arith.constant 0 : i32
    %dma_wait3A_189 = arith.constant 0 : i32
    %dma_wait3A_190 = tpu.memref_slice %arg10[%dma_wait3A_188, %dma_wait3A_189] : memref<128x128xf32, #tpu.memory_space<vmem>> -> memref<64x128xf32, #tpu.memory_space<vmem>>
    tpu.wait_dma2 semaphore(%arg14 : memref<!tpu.dma_semaphore, #tpu.memory_space<semaphore_mem>>) src(%dma_wait3A_190 : memref<64x128xf32, #tpu.memory_space<vmem>>) dst(%dma_wait3A_187 : memref<64x128xf32, #tpu.memory_space<hbm>>)
    %dma_start3A_191 = arith.constant 2 : i32
    %dma_start3A_192 = arith.constant 0 : i32
    %dma_start3A_193 = arith.constant 0 : i32
    %dma_start3A_194 = tpu.memref_slice %arg10[%dma_start3A_192, %dma_start3A_193] : memref<128x128xf32, #tpu.memory_space<vmem>> -> memref<64x128xf32, #tpu.memory_space<vmem>>
    %dma_start3A_195 = arith.constant 0 : i32
    %dma_start3A_196 = tpu.memref_slice %arg7[%dma_start3A_191, %dma_start3A_195] : memref<4x64xi32, #tpu.memory_space<vmem>> -> memref<1x64xi32, #tpu.memory_space<vmem>>
    %dma_start3A_197 = tpu.memref_squeeze %dma_start3A_196 : memref<1x64xi32, #tpu.memory_space<vmem>> -> memref<64xi32, #tpu.memory_space<vmem>>
    %dma_start3A_198 = arith.constant 0 : i32
    %dma_start3A_199 = arith.constant 0 : i32
    %dma_start3A_200 = tpu.memref_slice %arg4[%dma_start3A_198, %dma_start3A_199] : memref<2000x128xf32, #tpu.memory_space<hbm>> -> memref<2000x128xf32, #tpu.memory_space<hbm>>
    tpu.enqueue_indirect_dma source(%dma_start3A_200 : memref<2000x128xf32, #tpu.memory_space<hbm>>) target(%dma_start3A_194 : memref<64x128xf32, #tpu.memory_space<vmem>>) offsets(%dma_start3A_197 : memref<64xi32, #tpu.memory_space<vmem>>) semaphore(%arg11 : memref<!tpu.dma_semaphore, #tpu.memory_space<semaphore_mem>>)
    %scan3A_201 = arith.constant 0 : i32
    %scan3A_202 = arith.constant 0 : i32
    %scan3A_203 = arith.constant 32 : i32
    %scan3A_204 = arith.addi %scan3A_202, %scan3A_203 : i32
    %scan3A_205 = arith.constant 1 : i32
    scf.for %scan3A_477 = %scan3A_202 to %scan3A_204 step %scan3A_205  : i32 {
      %mul3A_478 = arith.constant 256 : i32
      %mul3A_479 = arith.muli %scan3A_477, %mul3A_478 : i32
      %add3A_480 = arith.constant 8192 : i32
      %add3A_481 = arith.addi %add3A_480, %mul3A_479 : i32
      %add3A_482 = arith.constant 0 : i32
      %add3A_483 = arith.addi %add3A_481, %add3A_482 : i32
      %swap3A = arith.index_cast %add3A_483 : i32 to index
      %swap3A_484 = tpu.vector_load %arg9[%swap3A] {strides = array<i32>} : memref<16384xf32, #tpu.memory_space<vmem>>, vector<16xf32>,
      tpu.vector_store %arg9[%swap3A], %broadcast_in_dim3A_24 {strides = array<i32>} : memref<16384xf32, #tpu.memory_space<vmem>>, vector<16xf32>,
      %mul3A_485 = arith.constant 256 : i32
      %mul3A_486 = arith.muli %scan3A_477, %mul3A_485 : i32
      %add3A_487 = arith.constant 8192 : i32
      %add3A_488 = arith.addi %add3A_487, %mul3A_486 : i32
      %add3A_489 = arith.constant 16 : i32
      %add3A_490 = arith.addi %add3A_488, %add3A_489 : i32
      %swap3A_491 = arith.index_cast %add3A_490 : i32 to index
      %swap3A_492 = tpu.vector_load %arg9[%swap3A_491] {strides = array<i32>} : memref<16384xf32, #tpu.memory_space<vmem>>, vector<16xf32>,
      tpu.vector_store %arg9[%swap3A_491], %broadcast_in_dim3A_24 {strides = array<i32>} : memref<16384xf32, #tpu.memory_space<vmem>>, vector<16xf32>,
      %mul3A_493 = arith.constant 256 : i32
      %mul3A_494 = arith.muli %scan3A_477, %mul3A_493 : i32
      %add3A_495 = arith.constant 8192 : i32
      %add3A_496 = arith.addi %add3A_495, %mul3A_494 : i32
      %add3A_497 = arith.constant 32 : i32
      %add3A_498 = arith.addi %add3A_496, %add3A_497 : i32
      %swap3A_499 = arith.index_cast %add3A_498 : i32 to index
      %swap3A_500 = tpu.vector_load %arg9[%swap3A_499] {strides = array<i32>} : memref<16384xf32, #tpu.memory_space<vmem>>, vector<16xf32>,
      tpu.vector_store %arg9[%swap3A_499], %broadcast_in_dim3A_24 {strides = array<i32>} : memref<16384xf32, #tpu.memory_space<vmem>>, vector<16xf32>,
      %mul3A_501 = arith.constant 256 : i32
      %mul3A_502 = arith.muli %scan3A_477, %mul3A_501 : i32
      %add3A_503 = arith.constant 8192 : i32
      %add3A_504 = arith.addi %add3A_503, %mul3A_502 : i32
      %add3A_505 = arith.constant 48 : i32
      %add3A_506 = arith.addi %add3A_504, %add3A_505 : i32
      %swap3A_507 = arith.index_cast %add3A_506 : i32 to index
      %swap3A_508 = tpu.vector_load %arg9[%swap3A_507] {strides = array<i32>} : memref<16384xf32, #tpu.memory_space<vmem>>, vector<16xf32>,
      tpu.vector_store %arg9[%swap3A_507], %broadcast_in_dim3A_24 {strides = array<i32>} : memref<16384xf32, #tpu.memory_space<vmem>>, vector<16xf32>,
      %mul3A_509 = arith.constant 256 : i32
      %mul3A_510 = arith.muli %scan3A_477, %mul3A_509 : i32
      %add3A_511 = arith.constant 8192 : i32
      %add3A_512 = arith.addi %add3A_511, %mul3A_510 : i32
      %add3A_513 = arith.constant 64 : i32
      %add3A_514 = arith.addi %add3A_512, %add3A_513 : i32
      %swap3A_515 = arith.index_cast %add3A_514 : i32 to index
      %swap3A_516 = tpu.vector_load %arg9[%swap3A_515] {strides = array<i32>} : memref<16384xf32, #tpu.memory_space<vmem>>, vector<16xf32>,
      tpu.vector_store %arg9[%swap3A_515], %broadcast_in_dim3A_24 {strides = array<i32>} : memref<16384xf32, #tpu.memory_space<vmem>>, vector<16xf32>,
      %mul3A_517 = arith.constant 256 : i32
      %mul3A_518 = arith.muli %scan3A_477, %mul3A_517 : i32
      %add3A_519 = arith.constant 8192 : i32
      %add3A_520 = arith.addi %add3A_519, %mul3A_518 : i32
      %add3A_521 = arith.constant 80 : i32
      %add3A_522 = arith.addi %add3A_520, %add3A_521 : i32
      %swap3A_523 = arith.index_cast %add3A_522 : i32 to index
      %swap3A_524 = tpu.vector_load %arg9[%swap3A_523] {strides = array<i32>} : memref<16384xf32, #tpu.memory_space<vmem>>, vector<16xf32>,
      tpu.vector_store %arg9[%swap3A_523], %broadcast_in_dim3A_24 {strides = array<i32>} : memref<16384xf32, #tpu.memory_space<vmem>>, vector<16xf32>,
      %mul3A_525 = arith.constant 256 : i32
      %mul3A_526 = arith.muli %scan3A_477, %mul3A_525 : i32
      %add3A_527 = arith.constant 8192 : i32
      %add3A_528 = arith.addi %add3A_527, %mul3A_526 : i32
      %add3A_529 = arith.constant 96 : i32
      %add3A_530 = arith.addi %add3A_528, %add3A_529 : i32
      %swap3A_531 = arith.index_cast %add3A_530 : i32 to index
      %swap3A_532 = tpu.vector_load %arg9[%swap3A_531] {strides = array<i32>} : memref<16384xf32, #tpu.memory_space<vmem>>, vector<16xf32>,
      tpu.vector_store %arg9[%swap3A_531], %broadcast_in_dim3A_24 {strides = array<i32>} : memref<16384xf32, #tpu.memory_space<vmem>>, vector<16xf32>,
      %mul3A_533 = arith.constant 256 : i32
      %mul3A_534 = arith.muli %scan3A_477, %mul3A_533 : i32
      %add3A_535 = arith.constant 8192 : i32
      %add3A_536 = arith.addi %add3A_535, %mul3A_534 : i32
      %add3A_537 = arith.constant 112 : i32
      %add3A_538 = arith.addi %add3A_536, %add3A_537 : i32
      %swap3A_539 = arith.index_cast %add3A_538 : i32 to index
      %swap3A_540 = tpu.vector_load %arg9[%swap3A_539] {strides = array<i32>} : memref<16384xf32, #tpu.memory_space<vmem>>, vector<16xf32>,
      tpu.vector_store %arg9[%swap3A_539], %broadcast_in_dim3A_24 {strides = array<i32>} : memref<16384xf32, #tpu.memory_space<vmem>>, vector<16xf32>,
      %mul3A_541 = arith.constant 256 : i32
      %mul3A_542 = arith.muli %scan3A_477, %mul3A_541 : i32
      %add3A_543 = arith.constant 8192 : i32
      %add3A_544 = arith.addi %add3A_543, %mul3A_542 : i32
      %add3A_545 = arith.constant 128 : i32
      %add3A_546 = arith.addi %add3A_544, %add3A_545 : i32
      %swap3A_547 = arith.index_cast %add3A_546 : i32 to index
      %swap3A_548 = tpu.vector_load %arg9[%swap3A_547] {strides = array<i32>} : memref<16384xf32, #tpu.memory_space<vmem>>, vector<16xf32>,
      tpu.vector_store %arg9[%swap3A_547], %broadcast_in_dim3A_24 {strides = array<i32>} : memref<16384xf32, #tpu.memory_space<vmem>>, vector<16xf32>,
      %mul3A_549 = arith.constant 256 : i32
      %mul3A_550 = arith.muli %scan3A_477, %mul3A_549 : i32
      %add3A_551 = arith.constant 8192 : i32
      %add3A_552 = arith.addi %add3A_551, %mul3A_550 : i32
      %add3A_553 = arith.constant 144 : i32
      %add3A_554 = arith.addi %add3A_552, %add3A_553 : i32
      %swap3A_555 = arith.index_cast %add3A_554 : i32 to index
      %swap3A_556 = tpu.vector_load %arg9[%swap3A_555] {strides = array<i32>} : memref<16384xf32, #tpu.memory_space<vmem>>, vector<16xf32>,
      tpu.vector_store %arg9[%swap3A_555], %broadcast_in_dim3A_24 {strides = array<i32>} : memref<16384xf32, #tpu.memory_space<vmem>>, vector<16xf32>,
      %mul3A_557 = arith.constant 256 : i32
      %mul3A_558 = arith.muli %scan3A_477, %mul3A_557 : i32
      %add3A_559 = arith.constant 8192 : i32
      %add3A_560 = arith.addi %add3A_559, %mul3A_558 : i32
      %add3A_561 = arith.constant 160 : i32
      %add3A_562 = arith.addi %add3A_560, %add3A_561 : i32
      %swap3A_563 = arith.index_cast %add3A_562 : i32 to index
      %swap3A_564 = tpu.vector_load %arg9[%swap3A_563] {strides = array<i32>} : memref<16384xf32, #tpu.memory_space<vmem>>, vector<16xf32>,
      tpu.vector_store %arg9[%swap3A_563], %broadcast_in_dim3A_24 {strides = array<i32>} : memref<16384xf32, #tpu.memory_space<vmem>>, vector<16xf32>,
      %mul3A_565 = arith.constant 256 : i32
      %mul3A_566 = arith.muli %scan3A_477, %mul3A_565 : i32
      %add3A_567 = arith.constant 8192 : i32
      %add3A_568 = arith.addi %add3A_567, %mul3A_566 : i32
      %add3A_569 = arith.constant 176 : i32
      %add3A_570 = arith.addi %add3A_568, %add3A_569 : i32
      %swap3A_571 = arith.index_cast %add3A_570 : i32 to index
      %swap3A_572 = tpu.vector_load %arg9[%swap3A_571] {strides = array<i32>} : memref<16384xf32, #tpu.memory_space<vmem>>, vector<16xf32>,
      tpu.vector_store %arg9[%swap3A_571], %broadcast_in_dim3A_24 {strides = array<i32>} : memref<16384xf32, #tpu.memory_space<vmem>>, vector<16xf32>,
      %mul3A_573 = arith.constant 256 : i32
      %mul3A_574 = arith.muli %scan3A_477, %mul3A_573 : i32
      %add3A_575 = arith.constant 8192 : i32
      %add3A_576 = arith.addi %add3A_575, %mul3A_574 : i32
      %add3A_577 = arith.constant 192 : i32
      %add3A_578 = arith.addi %add3A_576, %add3A_577 : i32
      %swap3A_579 = arith.index_cast %add3A_578 : i32 to index
      %swap3A_580 = tpu.vector_load %arg9[%swap3A_579] {strides = array<i32>} : memref<16384xf32, #tpu.memory_space<vmem>>, vector<16xf32>,
      tpu.vector_store %arg9[%swap3A_579], %broadcast_in_dim3A_24 {strides = array<i32>} : memref<16384xf32, #tpu.memory_space<vmem>>, vector<16xf32>,
      %mul3A_581 = arith.constant 256 : i32
      %mul3A_582 = arith.muli %scan3A_477, %mul3A_581 : i32
      %add3A_583 = arith.constant 8192 : i32
      %add3A_584 = arith.addi %add3A_583, %mul3A_582 : i32
      %add3A_585 = arith.constant 208 : i32
      %add3A_586 = arith.addi %add3A_584, %add3A_585 : i32
      %swap3A_587 = arith.index_cast %add3A_586 : i32 to index
      %swap3A_588 = tpu.vector_load %arg9[%swap3A_587] {strides = array<i32>} : memref<16384xf32, #tpu.memory_space<vmem>>, vector<16xf32>,
      tpu.vector_store %arg9[%swap3A_587], %broadcast_in_dim3A_24 {strides = array<i32>} : memref<16384xf32, #tpu.memory_space<vmem>>, vector<16xf32>,
      %mul3A_589 = arith.constant 256 : i32
      %mul3A_590 = arith.muli %scan3A_477, %mul3A_589 : i32
      %add3A_591 = arith.constant 8192 : i32
      %add3A_592 = arith.addi %add3A_591, %mul3A_590 : i32
      %add3A_593 = arith.constant 224 : i32
      %add3A_594 = arith.addi %add3A_592, %add3A_593 : i32
      %swap3A_595 = arith.index_cast %add3A_594 : i32 to index
      %swap3A_596 = tpu.vector_load %arg9[%swap3A_595] {strides = array<i32>} : memref<16384xf32, #tpu.memory_space<vmem>>, vector<16xf32>,
      tpu.vector_store %arg9[%swap3A_595], %broadcast_in_dim3A_24 {strides = array<i32>} : memref<16384xf32, #tpu.memory_space<vmem>>, vector<16xf32>,
      %mul3A_597 = arith.constant 256 : i32
      %mul3A_598 = arith.muli %scan3A_477, %mul3A_597 : i32
      %add3A_599 = arith.constant 8192 : i32
      %add3A_600 = arith.addi %add3A_599, %mul3A_598 : i32
      %add3A_601 = arith.constant 240 : i32
      %add3A_602 = arith.addi %add3A_600, %add3A_601 : i32
      %swap3A_603 = arith.index_cast %add3A_602 : i32 to index
      %swap3A_604 = tpu.vector_load %arg9[%swap3A_603] {strides = array<i32>} : memref<16384xf32, #tpu.memory_space<vmem>>, vector<16xf32>,
      tpu.vector_store %arg9[%swap3A_603], %broadcast_in_dim3A_24 {strides = array<i32>} : memref<16384xf32, #tpu.memory_space<vmem>>, vector<16xf32>,
      %mul3A_605 = arith.constant 256 : i32
      %mul3A_606 = arith.muli %scan3A_477, %mul3A_605 : i32
      %add3A_607 = arith.constant 8192 : i32
      %add3A_608 = arith.addi %add3A_607, %mul3A_606 : i32
      %broadcast_in_dim3A_609 = vector.broadcast %add3A_608 : i32 to vector<16xi32>
      %mul3A_610 = arith.constant 128 : i32
      %mul3A_611 = arith.muli %scan3A_477, %mul3A_610 : i32
      %add3A_612 = arith.constant 4096 : i32
      %add3A_613 = arith.addi %add3A_612, %mul3A_611 : i32
      %add3A_614 = arith.constant 0 : i32
      %add3A_615 = arith.addi %add3A_613, %add3A_614 : i32
      %get3A = arith.index_cast %add3A_615 : i32 to index
      %get3A_616 = tpu.vector_load %arg8[%get3A] {strides = array<i32>} : memref<8192xi32, #tpu.memory_space<vmem>>, vector<16xi32>,
      %add3A_617 = arith.addi %broadcast_in_dim3A_609, %get3A_616 : vector<16xi32>
      tpu.vector_store_idx %arg9[%add3A_617], %broadcast_in_dim3A_26 {add = true} : memref<16384xf32, #tpu.memory_space<vmem>>[vector<16xi32>], vector<16xf32>,
      %mul3A_618 = arith.constant 128 : i32
      %mul3A_619 = arith.muli %scan3A_477, %mul3A_618 : i32
      %add3A_620 = arith.constant 4096 : i32
      %add3A_621 = arith.addi %add3A_620, %mul3A_619 : i32
      %add3A_622 = arith.constant 16 : i32
      %add3A_623 = arith.addi %add3A_621, %add3A_622 : i32
      %get3A_624 = arith.index_cast %add3A_623 : i32 to index
      %get3A_625 = tpu.vector_load %arg8[%get3A_624] {strides = array<i32>} : memref<8192xi32, #tpu.memory_space<vmem>>, vector<16xi32>,
      %add3A_626 = arith.addi %broadcast_in_dim3A_609, %get3A_625 : vector<16xi32>
      tpu.vector_store_idx %arg9[%add3A_626], %broadcast_in_dim3A_26 {add = true} : memref<16384xf32, #tpu.memory_space<vmem>>[vector<16xi32>], vector<16xf32>,
      %mul3A_627 = arith.constant 128 : i32
      %mul3A_628 = arith.muli %scan3A_477, %mul3A_627 : i32
      %add3A_629 = arith.constant 4096 : i32
      %add3A_630 = arith.addi %add3A_629, %mul3A_628 : i32
      %add3A_631 = arith.constant 32 : i32
      %add3A_632 = arith.addi %add3A_630, %add3A_631 : i32
      %get3A_633 = arith.index_cast %add3A_632 : i32 to index
      %get3A_634 = tpu.vector_load %arg8[%get3A_633] {strides = array<i32>} : memref<8192xi32, #tpu.memory_space<vmem>>, vector<16xi32>,
      %add3A_635 = arith.addi %broadcast_in_dim3A_609, %get3A_634 : vector<16xi32>
      tpu.vector_store_idx %arg9[%add3A_635], %broadcast_in_dim3A_26 {add = true} : memref<16384xf32, #tpu.memory_space<vmem>>[vector<16xi32>], vector<16xf32>,
      %mul3A_636 = arith.constant 128 : i32
      %mul3A_637 = arith.muli %scan3A_477, %mul3A_636 : i32
      %add3A_638 = arith.constant 4096 : i32
      %add3A_639 = arith.addi %add3A_638, %mul3A_637 : i32
      %add3A_640 = arith.constant 48 : i32
      %add3A_641 = arith.addi %add3A_639, %add3A_640 : i32
      %get3A_642 = arith.index_cast %add3A_641 : i32 to index
      %get3A_643 = tpu.vector_load %arg8[%get3A_642] {strides = array<i32>} : memref<8192xi32, #tpu.memory_space<vmem>>, vector<16xi32>,
      %add3A_644 = arith.addi %broadcast_in_dim3A_609, %get3A_643 : vector<16xi32>
      tpu.vector_store_idx %arg9[%add3A_644], %broadcast_in_dim3A_26 {add = true} : memref<16384xf32, #tpu.memory_space<vmem>>[vector<16xi32>], vector<16xf32>,
      %mul3A_645 = arith.constant 128 : i32
      %mul3A_646 = arith.muli %scan3A_477, %mul3A_645 : i32
      %add3A_647 = arith.constant 4096 : i32
      %add3A_648 = arith.addi %add3A_647, %mul3A_646 : i32
      %add3A_649 = arith.constant 64 : i32
      %add3A_650 = arith.addi %add3A_648, %add3A_649 : i32
      %get3A_651 = arith.index_cast %add3A_650 : i32 to index
      %get3A_652 = tpu.vector_load %arg8[%get3A_651] {strides = array<i32>} : memref<8192xi32, #tpu.memory_space<vmem>>, vector<16xi32>,
      %add3A_653 = arith.addi %broadcast_in_dim3A_609, %get3A_652 : vector<16xi32>
      tpu.vector_store_idx %arg9[%add3A_653], %broadcast_in_dim3A_26 {add = true} : memref<16384xf32, #tpu.memory_space<vmem>>[vector<16xi32>], vector<16xf32>,
      %mul3A_654 = arith.constant 128 : i32
      %mul3A_655 = arith.muli %scan3A_477, %mul3A_654 : i32
      %add3A_656 = arith.constant 4096 : i32
      %add3A_657 = arith.addi %add3A_656, %mul3A_655 : i32
      %add3A_658 = arith.constant 80 : i32
      %add3A_659 = arith.addi %add3A_657, %add3A_658 : i32
      %get3A_660 = arith.index_cast %add3A_659 : i32 to index
      %get3A_661 = tpu.vector_load %arg8[%get3A_660] {strides = array<i32>} : memref<8192xi32, #tpu.memory_space<vmem>>, vector<16xi32>,
      %add3A_662 = arith.addi %broadcast_in_dim3A_609, %get3A_661 : vector<16xi32>
      tpu.vector_store_idx %arg9[%add3A_662], %broadcast_in_dim3A_26 {add = true} : memref<16384xf32, #tpu.memory_space<vmem>>[vector<16xi32>], vector<16xf32>,
      %mul3A_663 = arith.constant 128 : i32
      %mul3A_664 = arith.muli %scan3A_477, %mul3A_663 : i32
      %add3A_665 = arith.constant 4096 : i32
      %add3A_666 = arith.addi %add3A_665, %mul3A_664 : i32
      %add3A_667 = arith.constant 96 : i32
      %add3A_668 = arith.addi %add3A_666, %add3A_667 : i32
      %get3A_669 = arith.index_cast %add3A_668 : i32 to index
      %get3A_670 = tpu.vector_load %arg8[%get3A_669] {strides = array<i32>} : memref<8192xi32, #tpu.memory_space<vmem>>, vector<16xi32>,
      %add3A_671 = arith.addi %broadcast_in_dim3A_609, %get3A_670 : vector<16xi32>
      tpu.vector_store_idx %arg9[%add3A_671], %broadcast_in_dim3A_26 {add = true} : memref<16384xf32, #tpu.memory_space<vmem>>[vector<16xi32>], vector<16xf32>,
      %mul3A_672 = arith.constant 128 : i32
      %mul3A_673 = arith.muli %scan3A_477, %mul3A_672 : i32
      %add3A_674 = arith.constant 4096 : i32
      %add3A_675 = arith.addi %add3A_674, %mul3A_673 : i32
      %add3A_676 = arith.constant 112 : i32
      %add3A_677 = arith.addi %add3A_675, %add3A_676 : i32
      %get3A_678 = arith.index_cast %add3A_677 : i32 to index
      %get3A_679 = tpu.vector_load %arg8[%get3A_678] {strides = array<i32>} : memref<8192xi32, #tpu.memory_space<vmem>>, vector<16xi32>,
      %add3A_680 = arith.addi %broadcast_in_dim3A_609, %get3A_679 : vector<16xi32>
      tpu.vector_store_idx %arg9[%add3A_680], %broadcast_in_dim3A_26 {add = true} : memref<16384xf32, #tpu.memory_space<vmem>>[vector<16xi32>], vector<16xf32>,
    }
    %scan3A_206 = arith.constant 32 : i32
    %add3A_207 = arith.constant 96 : i32
    %add3A_208 = arith.addi %mul3A_2, %add3A_207 : i32
    %mul3A_209 = arith.constant 256 : i32
    %mul3A_210 = arith.muli %add3A_208, %mul3A_209 : i32
    %dma_start3A_211 = arith.constant 8192 : i32
    %dma_start3A_212 = tpu.memref_slice %arg9[%dma_start3A_211] : memref<16384xf32, #tpu.memory_space<vmem>> -> memref<8192xf32, #tpu.memory_space<vmem>>
    %dma_start3A_213 = tpu.memref_slice %arg5[%mul3A_210] : memref<2097152xf32, #tpu.memory_space<hbm>> -> memref<8192xf32, #tpu.memory_space<hbm>>
    %dma_start3A_214 = tpu.memref_slice %arg5[%mul3A_210] : memref<2097152xf32, #tpu.memory_space<hbm>> -> memref<8192xf32, #tpu.memory_space<hbm>>
    %dma_start3A_215 = arith.constant 8192 : i32
    %dma_start3A_216 = tpu.memref_slice %arg9[%dma_start3A_215] : memref<16384xf32, #tpu.memory_space<vmem>> -> memref<8192xf32, #tpu.memory_space<vmem>>
    tpu.enqueue_dma source(%dma_start3A_216 : memref<8192xf32, #tpu.memory_space<vmem>>) target(%dma_start3A_214 : memref<8192xf32, #tpu.memory_space<hbm>>) target_semaphore(%arg13 : memref<!tpu.dma_semaphore, #tpu.memory_space<semaphore_mem>>)
    %dma_wait3A_217 = arith.constant 0 : i32
    %dma_wait3A_218 = tpu.memref_slice %arg8[%dma_wait3A_217] : memref<8192xi32, #tpu.memory_space<vmem>> -> memref<4096xi32, #tpu.memory_space<vmem>>
    %dma_wait3A_219 = tpu.memref_slice %arg2[%mul3A_168] : memref<1048576xi32, #tpu.memory_space<hbm>> -> memref<4096xi32, #tpu.memory_space<hbm>>
    %dma_wait3A_220 = arith.constant 0 : i32
    %dma_wait3A_221 = tpu.memref_slice %arg8[%dma_wait3A_220] : memref<8192xi32, #tpu.memory_space<vmem>> -> memref<4096xi32, #tpu.memory_space<vmem>>
    %dma_wait3A_222 = tpu.memref_slice %arg2[%mul3A_168] : memref<1048576xi32, #tpu.memory_space<hbm>> -> memref<4096xi32, #tpu.memory_space<hbm>>
    tpu.wait_dma2 semaphore(%arg12 : memref<!tpu.dma_semaphore, #tpu.memory_space<semaphore_mem>>) src(%dma_wait3A_222 : memref<4096xi32, #tpu.memory_space<hbm>>) dst(%dma_wait3A_221 : memref<4096xi32, #tpu.memory_space<vmem>>)
    %add3A_223 = arith.constant 160 : i32
    %add3A_224 = arith.addi %mul3A_2, %add3A_223 : i32
    %mul3A_225 = arith.constant 128 : i32
    %mul3A_226 = arith.muli %add3A_224, %mul3A_225 : i32
    %dma_start3A_227 = arith.constant 4096 : i32
    %dma_start3A_228 = tpu.memref_slice %arg8[%dma_start3A_227] : memref<8192xi32, #tpu.memory_space<vmem>> -> memref<4096xi32, #tpu.memory_space<vmem>>
    %dma_start3A_229 = tpu.memref_slice %arg2[%mul3A_226] : memref<1048576xi32, #tpu.memory_space<hbm>> -> memref<4096xi32, #tpu.memory_space<hbm>>
    %dma_start3A_230 = arith.constant 4096 : i32
    %dma_start3A_231 = tpu.memref_slice %arg8[%dma_start3A_230] : memref<8192xi32, #tpu.memory_space<vmem>> -> memref<4096xi32, #tpu.memory_space<vmem>>
    %dma_start3A_232 = tpu.memref_slice %arg2[%mul3A_226] : memref<1048576xi32, #tpu.memory_space<hbm>> -> memref<4096xi32, #tpu.memory_space<hbm>>
    tpu.enqueue_dma source(%dma_start3A_232 : memref<4096xi32, #tpu.memory_space<hbm>>) target(%dma_start3A_231 : memref<4096xi32, #tpu.memory_space<vmem>>) target_semaphore(%arg12 : memref<!tpu.dma_semaphore, #tpu.memory_space<semaphore_mem>>)
    %dma_wait3A_233 = arith.constant 0 : i32
    %dma_wait3A_234 = tpu.memref_slice %arg9[%dma_wait3A_233] : memref<16384xf32, #tpu.memory_space<vmem>> -> memref<8192xf32, #tpu.memory_space<vmem>>
    %dma_wait3A_235 = tpu.memref_slice %arg5[%mul3A_152] : memref<2097152xf32, #tpu.memory_space<hbm>> -> memref<8192xf32, #tpu.memory_space<hbm>>
    %dma_wait3A_236 = tpu.memref_slice %arg5[%mul3A_152] : memref<2097152xf32, #tpu.memory_space<hbm>> -> memref<8192xf32, #tpu.memory_space<hbm>>
    %dma_wait3A_237 = arith.constant 0 : i32
    %dma_wait3A_238 = tpu.memref_slice %arg9[%dma_wait3A_237] : memref<16384xf32, #tpu.memory_space<vmem>> -> memref<8192xf32, #tpu.memory_space<vmem>>
    tpu.wait_dma2 semaphore(%arg13 : memref<!tpu.dma_semaphore, #tpu.memory_space<semaphore_mem>>) src(%dma_wait3A_238 : memref<8192xf32, #tpu.memory_space<vmem>>) dst(%dma_wait3A_236 : memref<8192xf32, #tpu.memory_space<hbm>>)
    %dma_wait3A_239 = arith.constant 1 : i32
    %dma_wait3A_240 = arith.constant 64 : i32
    %dma_wait3A_241 = arith.constant 0 : i32
    %dma_wait3A_242 = tpu.memref_slice %arg10[%dma_wait3A_240, %dma_wait3A_241] : memref<128x128xf32, #tpu.memory_space<vmem>> -> memref<64x128xf32, #tpu.memory_space<vmem>>
    %dma_wait3A_243 = arith.constant 0 : i32
    %dma_wait3A_244 = tpu.memref_slice %arg7[%dma_wait3A_239, %dma_wait3A_243] : memref<4x64xi32, #tpu.memory_space<vmem>> -> memref<1x64xi32, #tpu.memory_space<vmem>>
    %dma_wait3A_245 = tpu.memref_squeeze %dma_wait3A_244 : memref<1x64xi32, #tpu.memory_space<vmem>> -> memref<64xi32, #tpu.memory_space<vmem>>
    %dma_wait3A_246 = arith.constant 0 : i32
    %dma_wait3A_247 = arith.constant 0 : i32
    %dma_wait3A_248 = tpu.memref_slice %arg4[%dma_wait3A_246, %dma_wait3A_247] : memref<2000x128xf32, #tpu.memory_space<hbm>> -> memref<2000x128xf32, #tpu.memory_space<hbm>>
    tpu.wait_indirect_dma semaphore(%arg11 : memref<!tpu.dma_semaphore, #tpu.memory_space<semaphore_mem>>) src(%dma_wait3A_248 : memref<2000x128xf32, #tpu.memory_space<hbm>>) dst(%dma_wait3A_242 : memref<64x128xf32, #tpu.memory_space<vmem>>)
    %add3A_249 = arith.constant 64 : i32
    %add3A_250 = arith.addi %mul3A_2, %add3A_249 : i32
    %dma_start3A_251 = arith.constant 64 : i32
    %dma_start3A_252 = arith.constant 0 : i32
    %dma_start3A_253 = tpu.memref_slice %arg10[%dma_start3A_251, %dma_start3A_252] : memref<128x128xf32, #tpu.memory_space<vmem>> -> memref<64x128xf32, #tpu.memory_space<vmem>>
    %dma_start3A_254 = arith.constant 0 : i32
    %dma_start3A_255 = tpu.memref_slice %arg6[%add3A_250, %dma_start3A_254] : memref<8192x128xf32, #tpu.memory_space<hbm>> -> memref<64x128xf32, #tpu.memory_space<hbm>>
    %dma_start3A_256 = arith.constant 0 : i32
    %dma_start3A_257 = tpu.memref_slice %arg6[%add3A_250, %dma_start3A_256] : memref<8192x128xf32, #tpu.memory_space<hbm>> -> memref<64x128xf32, #tpu.memory_space<hbm>>
    %dma_start3A_258 = arith.constant 64 : i32
    %dma_start3A_259 = arith.constant 0 : i32
    %dma_start3A_260 = tpu.memref_slice %arg10[%dma_start3A_258, %dma_start3A_259] : memref<128x128xf32, #tpu.memory_space<vmem>> -> memref<64x128xf32, #tpu.memory_space<vmem>>
    tpu.enqueue_dma source(%dma_start3A_260 : memref<64x128xf32, #tpu.memory_space<vmem>>) target(%dma_start3A_257 : memref<64x128xf32, #tpu.memory_space<hbm>>) target_semaphore(%arg14 : memref<!tpu.dma_semaphore, #tpu.memory_space<semaphore_mem>>)
    %scan3A_261 = arith.constant 0 : i32
    %scan3A_262 = arith.constant 0 : i32
    %scan3A_263 = arith.constant 32 : i32
    %scan3A_264 = arith.addi %scan3A_262, %scan3A_263 : i32
    %scan3A_265 = arith.constant 1 : i32
    scf.for %scan3A_477 = %scan3A_262 to %scan3A_264 step %scan3A_265  : i32 {
      %mul3A_478 = arith.constant 256 : i32
      %mul3A_479 = arith.muli %scan3A_477, %mul3A_478 : i32
      %add3A_480 = arith.constant 0 : i32
      %add3A_481 = arith.addi %add3A_480, %mul3A_479 : i32
      %add3A_482 = arith.constant 0 : i32
      %add3A_483 = arith.addi %add3A_481, %add3A_482 : i32
      %swap3A = arith.index_cast %add3A_483 : i32 to index
      %swap3A_484 = tpu.vector_load %arg9[%swap3A] {strides = array<i32>} : memref<16384xf32, #tpu.memory_space<vmem>>, vector<16xf32>,
      tpu.vector_store %arg9[%swap3A], %broadcast_in_dim3A_24 {strides = array<i32>} : memref<16384xf32, #tpu.memory_space<vmem>>, vector<16xf32>,
      %mul3A_485 = arith.constant 256 : i32
      %mul3A_486 = arith.muli %scan3A_477, %mul3A_485 : i32
      %add3A_487 = arith.constant 0 : i32
      %add3A_488 = arith.addi %add3A_487, %mul3A_486 : i32
      %add3A_489 = arith.constant 16 : i32
      %add3A_490 = arith.addi %add3A_488, %add3A_489 : i32
      %swap3A_491 = arith.index_cast %add3A_490 : i32 to index
      %swap3A_492 = tpu.vector_load %arg9[%swap3A_491] {strides = array<i32>} : memref<16384xf32, #tpu.memory_space<vmem>>, vector<16xf32>,
      tpu.vector_store %arg9[%swap3A_491], %broadcast_in_dim3A_24 {strides = array<i32>} : memref<16384xf32, #tpu.memory_space<vmem>>, vector<16xf32>,
      %mul3A_493 = arith.constant 256 : i32
      %mul3A_494 = arith.muli %scan3A_477, %mul3A_493 : i32
      %add3A_495 = arith.constant 0 : i32
      %add3A_496 = arith.addi %add3A_495, %mul3A_494 : i32
      %add3A_497 = arith.constant 32 : i32
      %add3A_498 = arith.addi %add3A_496, %add3A_497 : i32
      %swap3A_499 = arith.index_cast %add3A_498 : i32 to index
      %swap3A_500 = tpu.vector_load %arg9[%swap3A_499] {strides = array<i32>} : memref<16384xf32, #tpu.memory_space<vmem>>, vector<16xf32>,
      tpu.vector_store %arg9[%swap3A_499], %broadcast_in_dim3A_24 {strides = array<i32>} : memref<16384xf32, #tpu.memory_space<vmem>>, vector<16xf32>,
      %mul3A_501 = arith.constant 256 : i32
      %mul3A_502 = arith.muli %scan3A_477, %mul3A_501 : i32
      %add3A_503 = arith.constant 0 : i32
      %add3A_504 = arith.addi %add3A_503, %mul3A_502 : i32
      %add3A_505 = arith.constant 48 : i32
      %add3A_506 = arith.addi %add3A_504, %add3A_505 : i32
      %swap3A_507 = arith.index_cast %add3A_506 : i32 to index
      %swap3A_508 = tpu.vector_load %arg9[%swap3A_507] {strides = array<i32>} : memref<16384xf32, #tpu.memory_space<vmem>>, vector<16xf32>,
      tpu.vector_store %arg9[%swap3A_507], %broadcast_in_dim3A_24 {strides = array<i32>} : memref<16384xf32, #tpu.memory_space<vmem>>, vector<16xf32>,
      %mul3A_509 = arith.constant 256 : i32
      %mul3A_510 = arith.muli %scan3A_477, %mul3A_509 : i32
      %add3A_511 = arith.constant 0 : i32
      %add3A_512 = arith.addi %add3A_511, %mul3A_510 : i32
      %add3A_513 = arith.constant 64 : i32
      %add3A_514 = arith.addi %add3A_512, %add3A_513 : i32
      %swap3A_515 = arith.index_cast %add3A_514 : i32 to index
      %swap3A_516 = tpu.vector_load %arg9[%swap3A_515] {strides = array<i32>} : memref<16384xf32, #tpu.memory_space<vmem>>, vector<16xf32>,
      tpu.vector_store %arg9[%swap3A_515], %broadcast_in_dim3A_24 {strides = array<i32>} : memref<16384xf32, #tpu.memory_space<vmem>>, vector<16xf32>,
      %mul3A_517 = arith.constant 256 : i32
      %mul3A_518 = arith.muli %scan3A_477, %mul3A_517 : i32
      %add3A_519 = arith.constant 0 : i32
      %add3A_520 = arith.addi %add3A_519, %mul3A_518 : i32
      %add3A_521 = arith.constant 80 : i32
      %add3A_522 = arith.addi %add3A_520, %add3A_521 : i32
      %swap3A_523 = arith.index_cast %add3A_522 : i32 to index
      %swap3A_524 = tpu.vector_load %arg9[%swap3A_523] {strides = array<i32>} : memref<16384xf32, #tpu.memory_space<vmem>>, vector<16xf32>,
      tpu.vector_store %arg9[%swap3A_523], %broadcast_in_dim3A_24 {strides = array<i32>} : memref<16384xf32, #tpu.memory_space<vmem>>, vector<16xf32>,
      %mul3A_525 = arith.constant 256 : i32
      %mul3A_526 = arith.muli %scan3A_477, %mul3A_525 : i32
      %add3A_527 = arith.constant 0 : i32
      %add3A_528 = arith.addi %add3A_527, %mul3A_526 : i32
      %add3A_529 = arith.constant 96 : i32
      %add3A_530 = arith.addi %add3A_528, %add3A_529 : i32
      %swap3A_531 = arith.index_cast %add3A_530 : i32 to index
      %swap3A_532 = tpu.vector_load %arg9[%swap3A_531] {strides = array<i32>} : memref<16384xf32, #tpu.memory_space<vmem>>, vector<16xf32>,
      tpu.vector_store %arg9[%swap3A_531], %broadcast_in_dim3A_24 {strides = array<i32>} : memref<16384xf32, #tpu.memory_space<vmem>>, vector<16xf32>,
      %mul3A_533 = arith.constant 256 : i32
      %mul3A_534 = arith.muli %scan3A_477, %mul3A_533 : i32
      %add3A_535 = arith.constant 0 : i32
      %add3A_536 = arith.addi %add3A_535, %mul3A_534 : i32
      %add3A_537 = arith.constant 112 : i32
      %add3A_538 = arith.addi %add3A_536, %add3A_537 : i32
      %swap3A_539 = arith.index_cast %add3A_538 : i32 to index
      %swap3A_540 = tpu.vector_load %arg9[%swap3A_539] {strides = array<i32>} : memref<16384xf32, #tpu.memory_space<vmem>>, vector<16xf32>,
      tpu.vector_store %arg9[%swap3A_539], %broadcast_in_dim3A_24 {strides = array<i32>} : memref<16384xf32, #tpu.memory_space<vmem>>, vector<16xf32>,
      %mul3A_541 = arith.constant 256 : i32
      %mul3A_542 = arith.muli %scan3A_477, %mul3A_541 : i32
      %add3A_543 = arith.constant 0 : i32
      %add3A_544 = arith.addi %add3A_543, %mul3A_542 : i32
      %add3A_545 = arith.constant 128 : i32
      %add3A_546 = arith.addi %add3A_544, %add3A_545 : i32
      %swap3A_547 = arith.index_cast %add3A_546 : i32 to index
      %swap3A_548 = tpu.vector_load %arg9[%swap3A_547] {strides = array<i32>} : memref<16384xf32, #tpu.memory_space<vmem>>, vector<16xf32>,
      tpu.vector_store %arg9[%swap3A_547], %broadcast_in_dim3A_24 {strides = array<i32>} : memref<16384xf32, #tpu.memory_space<vmem>>, vector<16xf32>,
      %mul3A_549 = arith.constant 256 : i32
      %mul3A_550 = arith.muli %scan3A_477, %mul3A_549 : i32
      %add3A_551 = arith.constant 0 : i32
      %add3A_552 = arith.addi %add3A_551, %mul3A_550 : i32
      %add3A_553 = arith.constant 144 : i32
      %add3A_554 = arith.addi %add3A_552, %add3A_553 : i32
      %swap3A_555 = arith.index_cast %add3A_554 : i32 to index
      %swap3A_556 = tpu.vector_load %arg9[%swap3A_555] {strides = array<i32>} : memref<16384xf32, #tpu.memory_space<vmem>>, vector<16xf32>,
      tpu.vector_store %arg9[%swap3A_555], %broadcast_in_dim3A_24 {strides = array<i32>} : memref<16384xf32, #tpu.memory_space<vmem>>, vector<16xf32>,
      %mul3A_557 = arith.constant 256 : i32
      %mul3A_558 = arith.muli %scan3A_477, %mul3A_557 : i32
      %add3A_559 = arith.constant 0 : i32
      %add3A_560 = arith.addi %add3A_559, %mul3A_558 : i32
      %add3A_561 = arith.constant 160 : i32
      %add3A_562 = arith.addi %add3A_560, %add3A_561 : i32
      %swap3A_563 = arith.index_cast %add3A_562 : i32 to index
      %swap3A_564 = tpu.vector_load %arg9[%swap3A_563] {strides = array<i32>} : memref<16384xf32, #tpu.memory_space<vmem>>, vector<16xf32>,
      tpu.vector_store %arg9[%swap3A_563], %broadcast_in_dim3A_24 {strides = array<i32>} : memref<16384xf32, #tpu.memory_space<vmem>>, vector<16xf32>,
      %mul3A_565 = arith.constant 256 : i32
      %mul3A_566 = arith.muli %scan3A_477, %mul3A_565 : i32
      %add3A_567 = arith.constant 0 : i32
      %add3A_568 = arith.addi %add3A_567, %mul3A_566 : i32
      %add3A_569 = arith.constant 176 : i32
      %add3A_570 = arith.addi %add3A_568, %add3A_569 : i32
      %swap3A_571 = arith.index_cast %add3A_570 : i32 to index
      %swap3A_572 = tpu.vector_load %arg9[%swap3A_571] {strides = array<i32>} : memref<16384xf32, #tpu.memory_space<vmem>>, vector<16xf32>,
      tpu.vector_store %arg9[%swap3A_571], %broadcast_in_dim3A_24 {strides = array<i32>} : memref<16384xf32, #tpu.memory_space<vmem>>, vector<16xf32>,
      %mul3A_573 = arith.constant 256 : i32
      %mul3A_574 = arith.muli %scan3A_477, %mul3A_573 : i32
      %add3A_575 = arith.constant 0 : i32
      %add3A_576 = arith.addi %add3A_575, %mul3A_574 : i32
      %add3A_577 = arith.constant 192 : i32
      %add3A_578 = arith.addi %add3A_576, %add3A_577 : i32
      %swap3A_579 = arith.index_cast %add3A_578 : i32 to index
      %swap3A_580 = tpu.vector_load %arg9[%swap3A_579] {strides = array<i32>} : memref<16384xf32, #tpu.memory_space<vmem>>, vector<16xf32>,
      tpu.vector_store %arg9[%swap3A_579], %broadcast_in_dim3A_24 {strides = array<i32>} : memref<16384xf32, #tpu.memory_space<vmem>>, vector<16xf32>,
      %mul3A_581 = arith.constant 256 : i32
      %mul3A_582 = arith.muli %scan3A_477, %mul3A_581 : i32
      %add3A_583 = arith.constant 0 : i32
      %add3A_584 = arith.addi %add3A_583, %mul3A_582 : i32
      %add3A_585 = arith.constant 208 : i32
      %add3A_586 = arith.addi %add3A_584, %add3A_585 : i32
      %swap3A_587 = arith.index_cast %add3A_586 : i32 to index
      %swap3A_588 = tpu.vector_load %arg9[%swap3A_587] {strides = array<i32>} : memref<16384xf32, #tpu.memory_space<vmem>>, vector<16xf32>,
      tpu.vector_store %arg9[%swap3A_587], %broadcast_in_dim3A_24 {strides = array<i32>} : memref<16384xf32, #tpu.memory_space<vmem>>, vector<16xf32>,
      %mul3A_589 = arith.constant 256 : i32
      %mul3A_590 = arith.muli %scan3A_477, %mul3A_589 : i32
      %add3A_591 = arith.constant 0 : i32
      %add3A_592 = arith.addi %add3A_591, %mul3A_590 : i32
      %add3A_593 = arith.constant 224 : i32
      %add3A_594 = arith.addi %add3A_592, %add3A_593 : i32
      %swap3A_595 = arith.index_cast %add3A_594 : i32 to index
      %swap3A_596 = tpu.vector_load %arg9[%swap3A_595] {strides = array<i32>} : memref<16384xf32, #tpu.memory_space<vmem>>, vector<16xf32>,
      tpu.vector_store %arg9[%swap3A_595], %broadcast_in_dim3A_24 {strides = array<i32>} : memref<16384xf32, #tpu.memory_space<vmem>>, vector<16xf32>,
      %mul3A_597 = arith.constant 256 : i32
      %mul3A_598 = arith.muli %scan3A_477, %mul3A_597 : i32
      %add3A_599 = arith.constant 0 : i32
      %add3A_600 = arith.addi %add3A_599, %mul3A_598 : i32
      %add3A_601 = arith.constant 240 : i32
      %add3A_602 = arith.addi %add3A_600, %add3A_601 : i32
      %swap3A_603 = arith.index_cast %add3A_602 : i32 to index
      %swap3A_604 = tpu.vector_load %arg9[%swap3A_603] {strides = array<i32>} : memref<16384xf32, #tpu.memory_space<vmem>>, vector<16xf32>,
      tpu.vector_store %arg9[%swap3A_603], %broadcast_in_dim3A_24 {strides = array<i32>} : memref<16384xf32, #tpu.memory_space<vmem>>, vector<16xf32>,
      %mul3A_605 = arith.constant 256 : i32
      %mul3A_606 = arith.muli %scan3A_477, %mul3A_605 : i32
      %add3A_607 = arith.constant 0 : i32
      %add3A_608 = arith.addi %add3A_607, %mul3A_606 : i32
      %broadcast_in_dim3A_609 = vector.broadcast %add3A_608 : i32 to vector<16xi32>
      %mul3A_610 = arith.constant 128 : i32
      %mul3A_611 = arith.muli %scan3A_477, %mul3A_610 : i32
      %add3A_612 = arith.constant 0 : i32
      %add3A_613 = arith.addi %add3A_612, %mul3A_611 : i32
      %add3A_614 = arith.constant 0 : i32
      %add3A_615 = arith.addi %add3A_613, %add3A_614 : i32
      %get3A = arith.index_cast %add3A_615 : i32 to index
      %get3A_616 = tpu.vector_load %arg8[%get3A] {strides = array<i32>} : memref<8192xi32, #tpu.memory_space<vmem>>, vector<16xi32>,
      %add3A_617 = arith.addi %broadcast_in_dim3A_609, %get3A_616 : vector<16xi32>
      tpu.vector_store_idx %arg9[%add3A_617], %broadcast_in_dim3A_26 {add = true} : memref<16384xf32, #tpu.memory_space<vmem>>[vector<16xi32>], vector<16xf32>,
      %mul3A_618 = arith.constant 128 : i32
      %mul3A_619 = arith.muli %scan3A_477, %mul3A_618 : i32
      %add3A_620 = arith.constant 0 : i32
      %add3A_621 = arith.addi %add3A_620, %mul3A_619 : i32
      %add3A_622 = arith.constant 16 : i32
      %add3A_623 = arith.addi %add3A_621, %add3A_622 : i32
      %get3A_624 = arith.index_cast %add3A_623 : i32 to index
      %get3A_625 = tpu.vector_load %arg8[%get3A_624] {strides = array<i32>} : memref<8192xi32, #tpu.memory_space<vmem>>, vector<16xi32>,
      %add3A_626 = arith.addi %broadcast_in_dim3A_609, %get3A_625 : vector<16xi32>
      tpu.vector_store_idx %arg9[%add3A_626], %broadcast_in_dim3A_26 {add = true} : memref<16384xf32, #tpu.memory_space<vmem>>[vector<16xi32>], vector<16xf32>,
      %mul3A_627 = arith.constant 128 : i32
      %mul3A_628 = arith.muli %scan3A_477, %mul3A_627 : i32
      %add3A_629 = arith.constant 0 : i32
      %add3A_630 = arith.addi %add3A_629, %mul3A_628 : i32
      %add3A_631 = arith.constant 32 : i32
      %add3A_632 = arith.addi %add3A_630, %add3A_631 : i32
      %get3A_633 = arith.index_cast %add3A_632 : i32 to index
      %get3A_634 = tpu.vector_load %arg8[%get3A_633] {strides = array<i32>} : memref<8192xi32, #tpu.memory_space<vmem>>, vector<16xi32>,
      %add3A_635 = arith.addi %broadcast_in_dim3A_609, %get3A_634 : vector<16xi32>
      tpu.vector_store_idx %arg9[%add3A_635], %broadcast_in_dim3A_26 {add = true} : memref<16384xf32, #tpu.memory_space<vmem>>[vector<16xi32>], vector<16xf32>,
      %mul3A_636 = arith.constant 128 : i32
      %mul3A_637 = arith.muli %scan3A_477, %mul3A_636 : i32
      %add3A_638 = arith.constant 0 : i32
      %add3A_639 = arith.addi %add3A_638, %mul3A_637 : i32
      %add3A_640 = arith.constant 48 : i32
      %add3A_641 = arith.addi %add3A_639, %add3A_640 : i32
      %get3A_642 = arith.index_cast %add3A_641 : i32 to index
      %get3A_643 = tpu.vector_load %arg8[%get3A_642] {strides = array<i32>} : memref<8192xi32, #tpu.memory_space<vmem>>, vector<16xi32>,
      %add3A_644 = arith.addi %broadcast_in_dim3A_609, %get3A_643 : vector<16xi32>
      tpu.vector_store_idx %arg9[%add3A_644], %broadcast_in_dim3A_26 {add = true} : memref<16384xf32, #tpu.memory_space<vmem>>[vector<16xi32>], vector<16xf32>,
      %mul3A_645 = arith.constant 128 : i32
      %mul3A_646 = arith.muli %scan3A_477, %mul3A_645 : i32
      %add3A_647 = arith.constant 0 : i32
      %add3A_648 = arith.addi %add3A_647, %mul3A_646 : i32
      %add3A_649 = arith.constant 64 : i32
      %add3A_650 = arith.addi %add3A_648, %add3A_649 : i32
      %get3A_651 = arith.index_cast %add3A_650 : i32 to index
      %get3A_652 = tpu.vector_load %arg8[%get3A_651] {strides = array<i32>} : memref<8192xi32, #tpu.memory_space<vmem>>, vector<16xi32>,
      %add3A_653 = arith.addi %broadcast_in_dim3A_609, %get3A_652 : vector<16xi32>
      tpu.vector_store_idx %arg9[%add3A_653], %broadcast_in_dim3A_26 {add = true} : memref<16384xf32, #tpu.memory_space<vmem>>[vector<16xi32>], vector<16xf32>,
      %mul3A_654 = arith.constant 128 : i32
      %mul3A_655 = arith.muli %scan3A_477, %mul3A_654 : i32
      %add3A_656 = arith.constant 0 : i32
      %add3A_657 = arith.addi %add3A_656, %mul3A_655 : i32
      %add3A_658 = arith.constant 80 : i32
      %add3A_659 = arith.addi %add3A_657, %add3A_658 : i32
      %get3A_660 = arith.index_cast %add3A_659 : i32 to index
      %get3A_661 = tpu.vector_load %arg8[%get3A_660] {strides = array<i32>} : memref<8192xi32, #tpu.memory_space<vmem>>, vector<16xi32>,
      %add3A_662 = arith.addi %broadcast_in_dim3A_609, %get3A_661 : vector<16xi32>
      tpu.vector_store_idx %arg9[%add3A_662], %broadcast_in_dim3A_26 {add = true} : memref<16384xf32, #tpu.memory_space<vmem>>[vector<16xi32>], vector<16xf32>,
      %mul3A_663 = arith.constant 128 : i32
      %mul3A_664 = arith.muli %scan3A_477, %mul3A_663 : i32
      %add3A_665 = arith.constant 0 : i32
      %add3A_666 = arith.addi %add3A_665, %mul3A_664 : i32
      %add3A_667 = arith.constant 96 : i32
      %add3A_668 = arith.addi %add3A_666, %add3A_667 : i32
      %get3A_669 = arith.index_cast %add3A_668 : i32 to index
      %get3A_670 = tpu.vector_load %arg8[%get3A_669] {strides = array<i32>} : memref<8192xi32, #tpu.memory_space<vmem>>, vector<16xi32>,
      %add3A_671 = arith.addi %broadcast_in_dim3A_609, %get3A_670 : vector<16xi32>
      tpu.vector_store_idx %arg9[%add3A_671], %broadcast_in_dim3A_26 {add = true} : memref<16384xf32, #tpu.memory_space<vmem>>[vector<16xi32>], vector<16xf32>,
      %mul3A_672 = arith.constant 128 : i32
      %mul3A_673 = arith.muli %scan3A_477, %mul3A_672 : i32
      %add3A_674 = arith.constant 0 : i32
      %add3A_675 = arith.addi %add3A_674, %mul3A_673 : i32
      %add3A_676 = arith.constant 112 : i32
      %add3A_677 = arith.addi %add3A_675, %add3A_676 : i32
      %get3A_678 = arith.index_cast %add3A_677 : i32 to index
      %get3A_679 = tpu.vector_load %arg8[%get3A_678] {strides = array<i32>} : memref<8192xi32, #tpu.memory_space<vmem>>, vector<16xi32>,
      %add3A_680 = arith.addi %broadcast_in_dim3A_609, %get3A_679 : vector<16xi32>
      tpu.vector_store_idx %arg9[%add3A_680], %broadcast_in_dim3A_26 {add = true} : memref<16384xf32, #tpu.memory_space<vmem>>[vector<16xi32>], vector<16xf32>,
    }
    %scan3A_266 = arith.constant 32 : i32
    %add3A_267 = arith.constant 128 : i32
    %add3A_268 = arith.addi %mul3A_2, %add3A_267 : i32
    %mul3A_269 = arith.constant 256 : i32
    %mul3A_270 = arith.muli %add3A_268, %mul3A_269 : i32
    %dma_start3A_271 = arith.constant 0 : i32
    %dma_start3A_272 = tpu.memref_slice %arg9[%dma_start3A_271] : memref<16384xf32, #tpu.memory_space<vmem>> -> memref<8192xf32, #tpu.memory_space<vmem>>
    %dma_start3A_273 = tpu.memref_slice %arg5[%mul3A_270] : memref<2097152xf32, #tpu.memory_space<hbm>> -> memref<8192xf32, #tpu.memory_space<hbm>>
    %dma_start3A_274 = tpu.memref_slice %arg5[%mul3A_270] : memref<2097152xf32, #tpu.memory_space<hbm>> -> memref<8192xf32, #tpu.memory_space<hbm>>
    %dma_start3A_275 = arith.constant 0 : i32
    %dma_start3A_276 = tpu.memref_slice %arg9[%dma_start3A_275] : memref<16384xf32, #tpu.memory_space<vmem>> -> memref<8192xf32, #tpu.memory_space<vmem>>
    tpu.enqueue_dma source(%dma_start3A_276 : memref<8192xf32, #tpu.memory_space<vmem>>) target(%dma_start3A_274 : memref<8192xf32, #tpu.memory_space<hbm>>) target_semaphore(%arg13 : memref<!tpu.dma_semaphore, #tpu.memory_space<semaphore_mem>>)
    %dma_wait3A_277 = arith.constant 4096 : i32
    %dma_wait3A_278 = tpu.memref_slice %arg8[%dma_wait3A_277] : memref<8192xi32, #tpu.memory_space<vmem>> -> memref<4096xi32, #tpu.memory_space<vmem>>
    %dma_wait3A_279 = tpu.memref_slice %arg2[%mul3A_226] : memref<1048576xi32, #tpu.memory_space<hbm>> -> memref<4096xi32, #tpu.memory_space<hbm>>
    %dma_wait3A_280 = arith.constant 4096 : i32
    %dma_wait3A_281 = tpu.memref_slice %arg8[%dma_wait3A_280] : memref<8192xi32, #tpu.memory_space<vmem>> -> memref<4096xi32, #tpu.memory_space<vmem>>
    %dma_wait3A_282 = tpu.memref_slice %arg2[%mul3A_226] : memref<1048576xi32, #tpu.memory_space<hbm>> -> memref<4096xi32, #tpu.memory_space<hbm>>
    tpu.wait_dma2 semaphore(%arg12 : memref<!tpu.dma_semaphore, #tpu.memory_space<semaphore_mem>>) src(%dma_wait3A_282 : memref<4096xi32, #tpu.memory_space<hbm>>) dst(%dma_wait3A_281 : memref<4096xi32, #tpu.memory_space<vmem>>)
    %add3A_283 = arith.constant 192 : i32
    %add3A_284 = arith.addi %mul3A_2, %add3A_283 : i32
    %mul3A_285 = arith.constant 128 : i32
    %mul3A_286 = arith.muli %add3A_284, %mul3A_285 : i32
    %dma_start3A_287 = arith.constant 0 : i32
    %dma_start3A_288 = tpu.memref_slice %arg8[%dma_start3A_287] : memref<8192xi32, #tpu.memory_space<vmem>> -> memref<4096xi32, #tpu.memory_space<vmem>>
    %dma_start3A_289 = tpu.memref_slice %arg2[%mul3A_286] : memref<1048576xi32, #tpu.memory_space<hbm>> -> memref<4096xi32, #tpu.memory_space<hbm>>
    %dma_start3A_290 = arith.constant 0 : i32
    %dma_start3A_291 = tpu.memref_slice %arg8[%dma_start3A_290] : memref<8192xi32, #tpu.memory_space<vmem>> -> memref<4096xi32, #tpu.memory_space<vmem>>
    %dma_start3A_292 = tpu.memref_slice %arg2[%mul3A_286] : memref<1048576xi32, #tpu.memory_space<hbm>> -> memref<4096xi32, #tpu.memory_space<hbm>>
    tpu.enqueue_dma source(%dma_start3A_292 : memref<4096xi32, #tpu.memory_space<hbm>>) target(%dma_start3A_291 : memref<4096xi32, #tpu.memory_space<vmem>>) target_semaphore(%arg12 : memref<!tpu.dma_semaphore, #tpu.memory_space<semaphore_mem>>)
    %dma_wait3A_293 = arith.constant 8192 : i32
    %dma_wait3A_294 = tpu.memref_slice %arg9[%dma_wait3A_293] : memref<16384xf32, #tpu.memory_space<vmem>> -> memref<8192xf32, #tpu.memory_space<vmem>>
    %dma_wait3A_295 = tpu.memref_slice %arg5[%mul3A_210] : memref<2097152xf32, #tpu.memory_space<hbm>> -> memref<8192xf32, #tpu.memory_space<hbm>>
    %dma_wait3A_296 = tpu.memref_slice %arg5[%mul3A_210] : memref<2097152xf32, #tpu.memory_space<hbm>> -> memref<8192xf32, #tpu.memory_space<hbm>>
    %dma_wait3A_297 = arith.constant 8192 : i32
    %dma_wait3A_298 = tpu.memref_slice %arg9[%dma_wait3A_297] : memref<16384xf32, #tpu.memory_space<vmem>> -> memref<8192xf32, #tpu.memory_space<vmem>>
    tpu.wait_dma2 semaphore(%arg13 : memref<!tpu.dma_semaphore, #tpu.memory_space<semaphore_mem>>) src(%dma_wait3A_298 : memref<8192xf32, #tpu.memory_space<vmem>>) dst(%dma_wait3A_296 : memref<8192xf32, #tpu.memory_space<hbm>>)
    %dma_wait3A_299 = arith.constant 64 : i32
    %dma_wait3A_300 = arith.constant 0 : i32
    %dma_wait3A_301 = tpu.memref_slice %arg10[%dma_wait3A_299, %dma_wait3A_300] : memref<128x128xf32, #tpu.memory_space<vmem>> -> memref<64x128xf32, #tpu.memory_space<vmem>>
    %dma_wait3A_302 = arith.constant 0 : i32
    %dma_wait3A_303 = tpu.memref_slice %arg6[%add3A_250, %dma_wait3A_302] : memref<8192x128xf32, #tpu.memory_space<hbm>> -> memref<64x128xf32, #tpu.memory_space<hbm>>
    %dma_wait3A_304 = arith.constant 0 : i32
    %dma_wait3A_305 = tpu.memref_slice %arg6[%add3A_250, %dma_wait3A_304] : memref<8192x128xf32, #tpu.memory_space<hbm>> -> memref<64x128xf32, #tpu.memory_space<hbm>>
    %dma_wait3A_306 = arith.constant 64 : i32
    %dma_wait3A_307 = arith.constant 0 : i32
    %dma_wait3A_308 = tpu.memref_slice %arg10[%dma_wait3A_306, %dma_wait3A_307] : memref<128x128xf32, #tpu.memory_space<vmem>> -> memref<64x128xf32, #tpu.memory_space<vmem>>
    tpu.wait_dma2 semaphore(%arg14 : memref<!tpu.dma_semaphore, #tpu.memory_space<semaphore_mem>>) src(%dma_wait3A_308 : memref<64x128xf32, #tpu.memory_space<vmem>>) dst(%dma_wait3A_305 : memref<64x128xf32, #tpu.memory_space<hbm>>)
    %dma_start3A_309 = arith.constant 3 : i32
    %dma_start3A_310 = arith.constant 64 : i32
    %dma_start3A_311 = arith.constant 0 : i32
    %dma_start3A_312 = tpu.memref_slice %arg10[%dma_start3A_310, %dma_start3A_311] : memref<128x128xf32, #tpu.memory_space<vmem>> -> memref<64x128xf32, #tpu.memory_space<vmem>>
    %dma_start3A_313 = arith.constant 0 : i32
    %dma_start3A_314 = tpu.memref_slice %arg7[%dma_start3A_309, %dma_start3A_313] : memref<4x64xi32, #tpu.memory_space<vmem>> -> memref<1x64xi32, #tpu.memory_space<vmem>>
    %dma_start3A_315 = tpu.memref_squeeze %dma_start3A_314 : memref<1x64xi32, #tpu.memory_space<vmem>> -> memref<64xi32, #tpu.memory_space<vmem>>
    %dma_start3A_316 = arith.constant 0 : i32
    %dma_start3A_317 = arith.constant 0 : i32
    %dma_start3A_318 = tpu.memref_slice %arg4[%dma_start3A_316, %dma_start3A_317] : memref<2000x128xf32, #tpu.memory_space<hbm>> -> memref<2000x128xf32, #tpu.memory_space<hbm>>
    tpu.enqueue_indirect_dma source(%dma_start3A_318 : memref<2000x128xf32, #tpu.memory_space<hbm>>) target(%dma_start3A_312 : memref<64x128xf32, #tpu.memory_space<vmem>>) offsets(%dma_start3A_315 : memref<64xi32, #tpu.memory_space<vmem>>) semaphore(%arg11 : memref<!tpu.dma_semaphore, #tpu.memory_space<semaphore_mem>>)
    %scan3A_319 = arith.constant 0 : i32
    %scan3A_320 = arith.constant 0 : i32
    %scan3A_321 = arith.constant 32 : i32
    %scan3A_322 = arith.addi %scan3A_320, %scan3A_321 : i32
    %scan3A_323 = arith.constant 1 : i32
    scf.for %scan3A_477 = %scan3A_320 to %scan3A_322 step %scan3A_323  : i32 {
      %mul3A_478 = arith.constant 256 : i32
      %mul3A_479 = arith.muli %scan3A_477, %mul3A_478 : i32
      %add3A_480 = arith.constant 8192 : i32
      %add3A_481 = arith.addi %add3A_480, %mul3A_479 : i32
      %add3A_482 = arith.constant 0 : i32
      %add3A_483 = arith.addi %add3A_481, %add3A_482 : i32
      %swap3A = arith.index_cast %add3A_483 : i32 to index
      %swap3A_484 = tpu.vector_load %arg9[%swap3A] {strides = array<i32>} : memref<16384xf32, #tpu.memory_space<vmem>>, vector<16xf32>,
      tpu.vector_store %arg9[%swap3A], %broadcast_in_dim3A_24 {strides = array<i32>} : memref<16384xf32, #tpu.memory_space<vmem>>, vector<16xf32>,
      %mul3A_485 = arith.constant 256 : i32
      %mul3A_486 = arith.muli %scan3A_477, %mul3A_485 : i32
      %add3A_487 = arith.constant 8192 : i32
      %add3A_488 = arith.addi %add3A_487, %mul3A_486 : i32
      %add3A_489 = arith.constant 16 : i32
      %add3A_490 = arith.addi %add3A_488, %add3A_489 : i32
      %swap3A_491 = arith.index_cast %add3A_490 : i32 to index
      %swap3A_492 = tpu.vector_load %arg9[%swap3A_491] {strides = array<i32>} : memref<16384xf32, #tpu.memory_space<vmem>>, vector<16xf32>,
      tpu.vector_store %arg9[%swap3A_491], %broadcast_in_dim3A_24 {strides = array<i32>} : memref<16384xf32, #tpu.memory_space<vmem>>, vector<16xf32>,
      %mul3A_493 = arith.constant 256 : i32
      %mul3A_494 = arith.muli %scan3A_477, %mul3A_493 : i32
      %add3A_495 = arith.constant 8192 : i32
      %add3A_496 = arith.addi %add3A_495, %mul3A_494 : i32
      %add3A_497 = arith.constant 32 : i32
      %add3A_498 = arith.addi %add3A_496, %add3A_497 : i32
      %swap3A_499 = arith.index_cast %add3A_498 : i32 to index
      %swap3A_500 = tpu.vector_load %arg9[%swap3A_499] {strides = array<i32>} : memref<16384xf32, #tpu.memory_space<vmem>>, vector<16xf32>,
      tpu.vector_store %arg9[%swap3A_499], %broadcast_in_dim3A_24 {strides = array<i32>} : memref<16384xf32, #tpu.memory_space<vmem>>, vector<16xf32>,
      %mul3A_501 = arith.constant 256 : i32
      %mul3A_502 = arith.muli %scan3A_477, %mul3A_501 : i32
      %add3A_503 = arith.constant 8192 : i32
      %add3A_504 = arith.addi %add3A_503, %mul3A_502 : i32
      %add3A_505 = arith.constant 48 : i32
      %add3A_506 = arith.addi %add3A_504, %add3A_505 : i32
      %swap3A_507 = arith.index_cast %add3A_506 : i32 to index
      %swap3A_508 = tpu.vector_load %arg9[%swap3A_507] {strides = array<i32>} : memref<16384xf32, #tpu.memory_space<vmem>>, vector<16xf32>,
      tpu.vector_store %arg9[%swap3A_507], %broadcast_in_dim3A_24 {strides = array<i32>} : memref<16384xf32, #tpu.memory_space<vmem>>, vector<16xf32>,
      %mul3A_509 = arith.constant 256 : i32
      %mul3A_510 = arith.muli %scan3A_477, %mul3A_509 : i32
      %add3A_511 = arith.constant 8192 : i32
      %add3A_512 = arith.addi %add3A_511, %mul3A_510 : i32
      %add3A_513 = arith.constant 64 : i32
      %add3A_514 = arith.addi %add3A_512, %add3A_513 : i32
      %swap3A_515 = arith.index_cast %add3A_514 : i32 to index
      %swap3A_516 = tpu.vector_load %arg9[%swap3A_515] {strides = array<i32>} : memref<16384xf32, #tpu.memory_space<vmem>>, vector<16xf32>,
      tpu.vector_store %arg9[%swap3A_515], %broadcast_in_dim3A_24 {strides = array<i32>} : memref<16384xf32, #tpu.memory_space<vmem>>, vector<16xf32>,
      %mul3A_517 = arith.constant 256 : i32
      %mul3A_518 = arith.muli %scan3A_477, %mul3A_517 : i32
      %add3A_519 = arith.constant 8192 : i32
      %add3A_520 = arith.addi %add3A_519, %mul3A_518 : i32
      %add3A_521 = arith.constant 80 : i32
      %add3A_522 = arith.addi %add3A_520, %add3A_521 : i32
      %swap3A_523 = arith.index_cast %add3A_522 : i32 to index
      %swap3A_524 = tpu.vector_load %arg9[%swap3A_523] {strides = array<i32>} : memref<16384xf32, #tpu.memory_space<vmem>>, vector<16xf32>,
      tpu.vector_store %arg9[%swap3A_523], %broadcast_in_dim3A_24 {strides = array<i32>} : memref<16384xf32, #tpu.memory_space<vmem>>, vector<16xf32>,
      %mul3A_525 = arith.constant 256 : i32
      %mul3A_526 = arith.muli %scan3A_477, %mul3A_525 : i32
      %add3A_527 = arith.constant 8192 : i32
      %add3A_528 = arith.addi %add3A_527, %mul3A_526 : i32
      %add3A_529 = arith.constant 96 : i32
      %add3A_530 = arith.addi %add3A_528, %add3A_529 : i32
      %swap3A_531 = arith.index_cast %add3A_530 : i32 to index
      %swap3A_532 = tpu.vector_load %arg9[%swap3A_531] {strides = array<i32>} : memref<16384xf32, #tpu.memory_space<vmem>>, vector<16xf32>,
      tpu.vector_store %arg9[%swap3A_531], %broadcast_in_dim3A_24 {strides = array<i32>} : memref<16384xf32, #tpu.memory_space<vmem>>, vector<16xf32>,
      %mul3A_533 = arith.constant 256 : i32
      %mul3A_534 = arith.muli %scan3A_477, %mul3A_533 : i32
      %add3A_535 = arith.constant 8192 : i32
      %add3A_536 = arith.addi %add3A_535, %mul3A_534 : i32
      %add3A_537 = arith.constant 112 : i32
      %add3A_538 = arith.addi %add3A_536, %add3A_537 : i32
      %swap3A_539 = arith.index_cast %add3A_538 : i32 to index
      %swap3A_540 = tpu.vector_load %arg9[%swap3A_539] {strides = array<i32>} : memref<16384xf32, #tpu.memory_space<vmem>>, vector<16xf32>,
      tpu.vector_store %arg9[%swap3A_539], %broadcast_in_dim3A_24 {strides = array<i32>} : memref<16384xf32, #tpu.memory_space<vmem>>, vector<16xf32>,
      %mul3A_541 = arith.constant 256 : i32
      %mul3A_542 = arith.muli %scan3A_477, %mul3A_541 : i32
      %add3A_543 = arith.constant 8192 : i32
      %add3A_544 = arith.addi %add3A_543, %mul3A_542 : i32
      %add3A_545 = arith.constant 128 : i32
      %add3A_546 = arith.addi %add3A_544, %add3A_545 : i32
      %swap3A_547 = arith.index_cast %add3A_546 : i32 to index
      %swap3A_548 = tpu.vector_load %arg9[%swap3A_547] {strides = array<i32>} : memref<16384xf32, #tpu.memory_space<vmem>>, vector<16xf32>,
      tpu.vector_store %arg9[%swap3A_547], %broadcast_in_dim3A_24 {strides = array<i32>} : memref<16384xf32, #tpu.memory_space<vmem>>, vector<16xf32>,
      %mul3A_549 = arith.constant 256 : i32
      %mul3A_550 = arith.muli %scan3A_477, %mul3A_549 : i32
      %add3A_551 = arith.constant 8192 : i32
      %add3A_552 = arith.addi %add3A_551, %mul3A_550 : i32
      %add3A_553 = arith.constant 144 : i32
      %add3A_554 = arith.addi %add3A_552, %add3A_553 : i32
      %swap3A_555 = arith.index_cast %add3A_554 : i32 to index
      %swap3A_556 = tpu.vector_load %arg9[%swap3A_555] {strides = array<i32>} : memref<16384xf32, #tpu.memory_space<vmem>>, vector<16xf32>,
      tpu.vector_store %arg9[%swap3A_555], %broadcast_in_dim3A_24 {strides = array<i32>} : memref<16384xf32, #tpu.memory_space<vmem>>, vector<16xf32>,
      %mul3A_557 = arith.constant 256 : i32
      %mul3A_558 = arith.muli %scan3A_477, %mul3A_557 : i32
      %add3A_559 = arith.constant 8192 : i32
      %add3A_560 = arith.addi %add3A_559, %mul3A_558 : i32
      %add3A_561 = arith.constant 160 : i32
      %add3A_562 = arith.addi %add3A_560, %add3A_561 : i32
      %swap3A_563 = arith.index_cast %add3A_562 : i32 to index
      %swap3A_564 = tpu.vector_load %arg9[%swap3A_563] {strides = array<i32>} : memref<16384xf32, #tpu.memory_space<vmem>>, vector<16xf32>,
      tpu.vector_store %arg9[%swap3A_563], %broadcast_in_dim3A_24 {strides = array<i32>} : memref<16384xf32, #tpu.memory_space<vmem>>, vector<16xf32>,
      %mul3A_565 = arith.constant 256 : i32
      %mul3A_566 = arith.muli %scan3A_477, %mul3A_565 : i32
      %add3A_567 = arith.constant 8192 : i32
      %add3A_568 = arith.addi %add3A_567, %mul3A_566 : i32
      %add3A_569 = arith.constant 176 : i32
      %add3A_570 = arith.addi %add3A_568, %add3A_569 : i32
      %swap3A_571 = arith.index_cast %add3A_570 : i32 to index
      %swap3A_572 = tpu.vector_load %arg9[%swap3A_571] {strides = array<i32>} : memref<16384xf32, #tpu.memory_space<vmem>>, vector<16xf32>,
      tpu.vector_store %arg9[%swap3A_571], %broadcast_in_dim3A_24 {strides = array<i32>} : memref<16384xf32, #tpu.memory_space<vmem>>, vector<16xf32>,
      %mul3A_573 = arith.constant 256 : i32
      %mul3A_574 = arith.muli %scan3A_477, %mul3A_573 : i32
      %add3A_575 = arith.constant 8192 : i32
      %add3A_576 = arith.addi %add3A_575, %mul3A_574 : i32
      %add3A_577 = arith.constant 192 : i32
      %add3A_578 = arith.addi %add3A_576, %add3A_577 : i32
      %swap3A_579 = arith.index_cast %add3A_578 : i32 to index
      %swap3A_580 = tpu.vector_load %arg9[%swap3A_579] {strides = array<i32>} : memref<16384xf32, #tpu.memory_space<vmem>>, vector<16xf32>,
      tpu.vector_store %arg9[%swap3A_579], %broadcast_in_dim3A_24 {strides = array<i32>} : memref<16384xf32, #tpu.memory_space<vmem>>, vector<16xf32>,
      %mul3A_581 = arith.constant 256 : i32
      %mul3A_582 = arith.muli %scan3A_477, %mul3A_581 : i32
      %add3A_583 = arith.constant 8192 : i32
      %add3A_584 = arith.addi %add3A_583, %mul3A_582 : i32
      %add3A_585 = arith.constant 208 : i32
      %add3A_586 = arith.addi %add3A_584, %add3A_585 : i32
      %swap3A_587 = arith.index_cast %add3A_586 : i32 to index
      %swap3A_588 = tpu.vector_load %arg9[%swap3A_587] {strides = array<i32>} : memref<16384xf32, #tpu.memory_space<vmem>>, vector<16xf32>,
      tpu.vector_store %arg9[%swap3A_587], %broadcast_in_dim3A_24 {strides = array<i32>} : memref<16384xf32, #tpu.memory_space<vmem>>, vector<16xf32>,
      %mul3A_589 = arith.constant 256 : i32
      %mul3A_590 = arith.muli %scan3A_477, %mul3A_589 : i32
      %add3A_591 = arith.constant 8192 : i32
      %add3A_592 = arith.addi %add3A_591, %mul3A_590 : i32
      %add3A_593 = arith.constant 224 : i32
      %add3A_594 = arith.addi %add3A_592, %add3A_593 : i32
      %swap3A_595 = arith.index_cast %add3A_594 : i32 to index
      %swap3A_596 = tpu.vector_load %arg9[%swap3A_595] {strides = array<i32>} : memref<16384xf32, #tpu.memory_space<vmem>>, vector<16xf32>,
      tpu.vector_store %arg9[%swap3A_595], %broadcast_in_dim3A_24 {strides = array<i32>} : memref<16384xf32, #tpu.memory_space<vmem>>, vector<16xf32>,
      %mul3A_597 = arith.constant 256 : i32
      %mul3A_598 = arith.muli %scan3A_477, %mul3A_597 : i32
      %add3A_599 = arith.constant 8192 : i32
      %add3A_600 = arith.addi %add3A_599, %mul3A_598 : i32
      %add3A_601 = arith.constant 240 : i32
      %add3A_602 = arith.addi %add3A_600, %add3A_601 : i32
      %swap3A_603 = arith.index_cast %add3A_602 : i32 to index
      %swap3A_604 = tpu.vector_load %arg9[%swap3A_603] {strides = array<i32>} : memref<16384xf32, #tpu.memory_space<vmem>>, vector<16xf32>,
      tpu.vector_store %arg9[%swap3A_603], %broadcast_in_dim3A_24 {strides = array<i32>} : memref<16384xf32, #tpu.memory_space<vmem>>, vector<16xf32>,
      %mul3A_605 = arith.constant 256 : i32
      %mul3A_606 = arith.muli %scan3A_477, %mul3A_605 : i32
      %add3A_607 = arith.constant 8192 : i32
      %add3A_608 = arith.addi %add3A_607, %mul3A_606 : i32
      %broadcast_in_dim3A_609 = vector.broadcast %add3A_608 : i32 to vector<16xi32>
      %mul3A_610 = arith.constant 128 : i32
      %mul3A_611 = arith.muli %scan3A_477, %mul3A_610 : i32
      %add3A_612 = arith.constant 4096 : i32
      %add3A_613 = arith.addi %add3A_612, %mul3A_611 : i32
      %add3A_614 = arith.constant 0 : i32
      %add3A_615 = arith.addi %add3A_613, %add3A_614 : i32
      %get3A = arith.index_cast %add3A_615 : i32 to index
      %get3A_616 = tpu.vector_load %arg8[%get3A] {strides = array<i32>} : memref<8192xi32, #tpu.memory_space<vmem>>, vector<16xi32>,
      %add3A_617 = arith.addi %broadcast_in_dim3A_609, %get3A_616 : vector<16xi32>
      tpu.vector_store_idx %arg9[%add3A_617], %broadcast_in_dim3A_26 {add = true} : memref<16384xf32, #tpu.memory_space<vmem>>[vector<16xi32>], vector<16xf32>,
      %mul3A_618 = arith.constant 128 : i32
      %mul3A_619 = arith.muli %scan3A_477, %mul3A_618 : i32
      %add3A_620 = arith.constant 4096 : i32
      %add3A_621 = arith.addi %add3A_620, %mul3A_619 : i32
      %add3A_622 = arith.constant 16 : i32
      %add3A_623 = arith.addi %add3A_621, %add3A_622 : i32
      %get3A_624 = arith.index_cast %add3A_623 : i32 to index
      %get3A_625 = tpu.vector_load %arg8[%get3A_624] {strides = array<i32>} : memref<8192xi32, #tpu.memory_space<vmem>>, vector<16xi32>,
      %add3A_626 = arith.addi %broadcast_in_dim3A_609, %get3A_625 : vector<16xi32>
      tpu.vector_store_idx %arg9[%add3A_626], %broadcast_in_dim3A_26 {add = true} : memref<16384xf32, #tpu.memory_space<vmem>>[vector<16xi32>], vector<16xf32>,
      %mul3A_627 = arith.constant 128 : i32
      %mul3A_628 = arith.muli %scan3A_477, %mul3A_627 : i32
      %add3A_629 = arith.constant 4096 : i32
      %add3A_630 = arith.addi %add3A_629, %mul3A_628 : i32
      %add3A_631 = arith.constant 32 : i32
      %add3A_632 = arith.addi %add3A_630, %add3A_631 : i32
      %get3A_633 = arith.index_cast %add3A_632 : i32 to index
      %get3A_634 = tpu.vector_load %arg8[%get3A_633] {strides = array<i32>} : memref<8192xi32, #tpu.memory_space<vmem>>, vector<16xi32>,
      %add3A_635 = arith.addi %broadcast_in_dim3A_609, %get3A_634 : vector<16xi32>
      tpu.vector_store_idx %arg9[%add3A_635], %broadcast_in_dim3A_26 {add = true} : memref<16384xf32, #tpu.memory_space<vmem>>[vector<16xi32>], vector<16xf32>,
      %mul3A_636 = arith.constant 128 : i32
      %mul3A_637 = arith.muli %scan3A_477, %mul3A_636 : i32
      %add3A_638 = arith.constant 4096 : i32
      %add3A_639 = arith.addi %add3A_638, %mul3A_637 : i32
      %add3A_640 = arith.constant 48 : i32
      %add3A_641 = arith.addi %add3A_639, %add3A_640 : i32
      %get3A_642 = arith.index_cast %add3A_641 : i32 to index
      %get3A_643 = tpu.vector_load %arg8[%get3A_642] {strides = array<i32>} : memref<8192xi32, #tpu.memory_space<vmem>>, vector<16xi32>,
      %add3A_644 = arith.addi %broadcast_in_dim3A_609, %get3A_643 : vector<16xi32>
      tpu.vector_store_idx %arg9[%add3A_644], %broadcast_in_dim3A_26 {add = true} : memref<16384xf32, #tpu.memory_space<vmem>>[vector<16xi32>], vector<16xf32>,
      %mul3A_645 = arith.constant 128 : i32
      %mul3A_646 = arith.muli %scan3A_477, %mul3A_645 : i32
      %add3A_647 = arith.constant 4096 : i32
      %add3A_648 = arith.addi %add3A_647, %mul3A_646 : i32
      %add3A_649 = arith.constant 64 : i32
      %add3A_650 = arith.addi %add3A_648, %add3A_649 : i32
      %get3A_651 = arith.index_cast %add3A_650 : i32 to index
      %get3A_652 = tpu.vector_load %arg8[%get3A_651] {strides = array<i32>} : memref<8192xi32, #tpu.memory_space<vmem>>, vector<16xi32>,
      %add3A_653 = arith.addi %broadcast_in_dim3A_609, %get3A_652 : vector<16xi32>
      tpu.vector_store_idx %arg9[%add3A_653], %broadcast_in_dim3A_26 {add = true} : memref<16384xf32, #tpu.memory_space<vmem>>[vector<16xi32>], vector<16xf32>,
      %mul3A_654 = arith.constant 128 : i32
      %mul3A_655 = arith.muli %scan3A_477, %mul3A_654 : i32
      %add3A_656 = arith.constant 4096 : i32
      %add3A_657 = arith.addi %add3A_656, %mul3A_655 : i32
      %add3A_658 = arith.constant 80 : i32
      %add3A_659 = arith.addi %add3A_657, %add3A_658 : i32
      %get3A_660 = arith.index_cast %add3A_659 : i32 to index
      %get3A_661 = tpu.vector_load %arg8[%get3A_660] {strides = array<i32>} : memref<8192xi32, #tpu.memory_space<vmem>>, vector<16xi32>,
      %add3A_662 = arith.addi %broadcast_in_dim3A_609, %get3A_661 : vector<16xi32>
      tpu.vector_store_idx %arg9[%add3A_662], %broadcast_in_dim3A_26 {add = true} : memref<16384xf32, #tpu.memory_space<vmem>>[vector<16xi32>], vector<16xf32>,
      %mul3A_663 = arith.constant 128 : i32
      %mul3A_664 = arith.muli %scan3A_477, %mul3A_663 : i32
      %add3A_665 = arith.constant 4096 : i32
      %add3A_666 = arith.addi %add3A_665, %mul3A_664 : i32
      %add3A_667 = arith.constant 96 : i32
      %add3A_668 = arith.addi %add3A_666, %add3A_667 : i32
      %get3A_669 = arith.index_cast %add3A_668 : i32 to index
      %get3A_670 = tpu.vector_load %arg8[%get3A_669] {strides = array<i32>} : memref<8192xi32, #tpu.memory_space<vmem>>, vector<16xi32>,
      %add3A_671 = arith.addi %broadcast_in_dim3A_609, %get3A_670 : vector<16xi32>
      tpu.vector_store_idx %arg9[%add3A_671], %broadcast_in_dim3A_26 {add = true} : memref<16384xf32, #tpu.memory_space<vmem>>[vector<16xi32>], vector<16xf32>,
      %mul3A_672 = arith.constant 128 : i32
      %mul3A_673 = arith.muli %scan3A_477, %mul3A_672 : i32
      %add3A_674 = arith.constant 4096 : i32
      %add3A_675 = arith.addi %add3A_674, %mul3A_673 : i32
      %add3A_676 = arith.constant 112 : i32
      %add3A_677 = arith.addi %add3A_675, %add3A_676 : i32
      %get3A_678 = arith.index_cast %add3A_677 : i32 to index
      %get3A_679 = tpu.vector_load %arg8[%get3A_678] {strides = array<i32>} : memref<8192xi32, #tpu.memory_space<vmem>>, vector<16xi32>,
      %add3A_680 = arith.addi %broadcast_in_dim3A_609, %get3A_679 : vector<16xi32>
      tpu.vector_store_idx %arg9[%add3A_680], %broadcast_in_dim3A_26 {add = true} : memref<16384xf32, #tpu.memory_space<vmem>>[vector<16xi32>], vector<16xf32>,
    }
    %scan3A_324 = arith.constant 32 : i32
    %add3A_325 = arith.constant 160 : i32
    %add3A_326 = arith.addi %mul3A_2, %add3A_325 : i32
    %mul3A_327 = arith.constant 256 : i32
    %mul3A_328 = arith.muli %add3A_326, %mul3A_327 : i32
    %dma_start3A_329 = arith.constant 8192 : i32
    %dma_start3A_330 = tpu.memref_slice %arg9[%dma_start3A_329] : memref<16384xf32, #tpu.memory_space<vmem>> -> memref<8192xf32, #tpu.memory_space<vmem>>
    %dma_start3A_331 = tpu.memref_slice %arg5[%mul3A_328] : memref<2097152xf32, #tpu.memory_space<hbm>> -> memref<8192xf32, #tpu.memory_space<hbm>>
    %dma_start3A_332 = tpu.memref_slice %arg5[%mul3A_328] : memref<2097152xf32, #tpu.memory_space<hbm>> -> memref<8192xf32, #tpu.memory_space<hbm>>
    %dma_start3A_333 = arith.constant 8192 : i32
    %dma_start3A_334 = tpu.memref_slice %arg9[%dma_start3A_333] : memref<16384xf32, #tpu.memory_space<vmem>> -> memref<8192xf32, #tpu.memory_space<vmem>>
    tpu.enqueue_dma source(%dma_start3A_334 : memref<8192xf32, #tpu.memory_space<vmem>>) target(%dma_start3A_332 : memref<8192xf32, #tpu.memory_space<hbm>>) target_semaphore(%arg13 : memref<!tpu.dma_semaphore, #tpu.memory_space<semaphore_mem>>)
    %dma_wait3A_335 = arith.constant 0 : i32
    %dma_wait3A_336 = tpu.memref_slice %arg8[%dma_wait3A_335] : memref<8192xi32, #tpu.memory_space<vmem>> -> memref<4096xi32, #tpu.memory_space<vmem>>
    %dma_wait3A_337 = tpu.memref_slice %arg2[%mul3A_286] : memref<1048576xi32, #tpu.memory_space<hbm>> -> memref<4096xi32, #tpu.memory_space<hbm>>
    %dma_wait3A_338 = arith.constant 0 : i32
    %dma_wait3A_339 = tpu.memref_slice %arg8[%dma_wait3A_338] : memref<8192xi32, #tpu.memory_space<vmem>> -> memref<4096xi32, #tpu.memory_space<vmem>>
    %dma_wait3A_340 = tpu.memref_slice %arg2[%mul3A_286] : memref<1048576xi32, #tpu.memory_space<hbm>> -> memref<4096xi32, #tpu.memory_space<hbm>>
    tpu.wait_dma2 semaphore(%arg12 : memref<!tpu.dma_semaphore, #tpu.memory_space<semaphore_mem>>) src(%dma_wait3A_340 : memref<4096xi32, #tpu.memory_space<hbm>>) dst(%dma_wait3A_339 : memref<4096xi32, #tpu.memory_space<vmem>>)
    %add3A_341 = arith.constant 224 : i32
    %add3A_342 = arith.addi %mul3A_2, %add3A_341 : i32
    %mul3A_343 = arith.constant 128 : i32
    %mul3A_344 = arith.muli %add3A_342, %mul3A_343 : i32
    %dma_start3A_345 = arith.constant 4096 : i32
    %dma_start3A_346 = tpu.memref_slice %arg8[%dma_start3A_345] : memref<8192xi32, #tpu.memory_space<vmem>> -> memref<4096xi32, #tpu.memory_space<vmem>>
    %dma_start3A_347 = tpu.memref_slice %arg2[%mul3A_344] : memref<1048576xi32, #tpu.memory_space<hbm>> -> memref<4096xi32, #tpu.memory_space<hbm>>
    %dma_start3A_348 = arith.constant 4096 : i32
    %dma_start3A_349 = tpu.memref_slice %arg8[%dma_start3A_348] : memref<8192xi32, #tpu.memory_space<vmem>> -> memref<4096xi32, #tpu.memory_space<vmem>>
    %dma_start3A_350 = tpu.memref_slice %arg2[%mul3A_344] : memref<1048576xi32, #tpu.memory_space<hbm>> -> memref<4096xi32, #tpu.memory_space<hbm>>
    tpu.enqueue_dma source(%dma_start3A_350 : memref<4096xi32, #tpu.memory_space<hbm>>) target(%dma_start3A_349 : memref<4096xi32, #tpu.memory_space<vmem>>) target_semaphore(%arg12 : memref<!tpu.dma_semaphore, #tpu.memory_space<semaphore_mem>>)
    %dma_wait3A_351 = arith.constant 0 : i32
    %dma_wait3A_352 = tpu.memref_slice %arg9[%dma_wait3A_351] : memref<16384xf32, #tpu.memory_space<vmem>> -> memref<8192xf32, #tpu.memory_space<vmem>>
    %dma_wait3A_353 = tpu.memref_slice %arg5[%mul3A_270] : memref<2097152xf32, #tpu.memory_space<hbm>> -> memref<8192xf32, #tpu.memory_space<hbm>>
    %dma_wait3A_354 = tpu.memref_slice %arg5[%mul3A_270] : memref<2097152xf32, #tpu.memory_space<hbm>> -> memref<8192xf32, #tpu.memory_space<hbm>>
    %dma_wait3A_355 = arith.constant 0 : i32
    %dma_wait3A_356 = tpu.memref_slice %arg9[%dma_wait3A_355] : memref<16384xf32, #tpu.memory_space<vmem>> -> memref<8192xf32, #tpu.memory_space<vmem>>
    tpu.wait_dma2 semaphore(%arg13 : memref<!tpu.dma_semaphore, #tpu.memory_space<semaphore_mem>>) src(%dma_wait3A_356 : memref<8192xf32, #tpu.memory_space<vmem>>) dst(%dma_wait3A_354 : memref<8192xf32, #tpu.memory_space<hbm>>)
    %dma_wait3A_357 = arith.constant 2 : i32
    %dma_wait3A_358 = arith.constant 0 : i32
    %dma_wait3A_359 = arith.constant 0 : i32
    %dma_wait3A_360 = tpu.memref_slice %arg10[%dma_wait3A_358, %dma_wait3A_359] : memref<128x128xf32, #tpu.memory_space<vmem>> -> memref<64x128xf32, #tpu.memory_space<vmem>>
    %dma_wait3A_361 = arith.constant 0 : i32
    %dma_wait3A_362 = tpu.memref_slice %arg7[%dma_wait3A_357, %dma_wait3A_361] : memref<4x64xi32, #tpu.memory_space<vmem>> -> memref<1x64xi32, #tpu.memory_space<vmem>>
    %dma_wait3A_363 = tpu.memref_squeeze %dma_wait3A_362 : memref<1x64xi32, #tpu.memory_space<vmem>> -> memref<64xi32, #tpu.memory_space<vmem>>
    %dma_wait3A_364 = arith.constant 0 : i32
    %dma_wait3A_365 = arith.constant 0 : i32
    %dma_wait3A_366 = tpu.memref_slice %arg4[%dma_wait3A_364, %dma_wait3A_365] : memref<2000x128xf32, #tpu.memory_space<hbm>> -> memref<2000x128xf32, #tpu.memory_space<hbm>>
    tpu.wait_indirect_dma semaphore(%arg11 : memref<!tpu.dma_semaphore, #tpu.memory_space<semaphore_mem>>) src(%dma_wait3A_366 : memref<2000x128xf32, #tpu.memory_space<hbm>>) dst(%dma_wait3A_360 : memref<64x128xf32, #tpu.memory_space<vmem>>)
    %add3A_367 = arith.constant 128 : i32
    %add3A_368 = arith.addi %mul3A_2, %add3A_367 : i32
    %dma_start3A_369 = arith.constant 0 : i32
    %dma_start3A_370 = arith.constant 0 : i32
    %dma_start3A_371 = tpu.memref_slice %arg10[%dma_start3A_369, %dma_start3A_370] : memref<128x128xf32, #tpu.memory_space<vmem>> -> memref<64x128xf32, #tpu.memory_space<vmem>>
    %dma_start3A_372 = arith.constant 0 : i32
    %dma_start3A_373 = tpu.memref_slice %arg6[%add3A_368, %dma_start3A_372] : memref<8192x128xf32, #tpu.memory_space<hbm>> -> memref<64x128xf32, #tpu.memory_space<hbm>>
    %dma_start3A_374 = arith.constant 0 : i32
    %dma_start3A_375 = tpu.memref_slice %arg6[%add3A_368, %dma_start3A_374] : memref<8192x128xf32, #tpu.memory_space<hbm>> -> memref<64x128xf32, #tpu.memory_space<hbm>>
    %dma_start3A_376 = arith.constant 0 : i32
    %dma_start3A_377 = arith.constant 0 : i32
    %dma_start3A_378 = tpu.memref_slice %arg10[%dma_start3A_376, %dma_start3A_377] : memref<128x128xf32, #tpu.memory_space<vmem>> -> memref<64x128xf32, #tpu.memory_space<vmem>>
    tpu.enqueue_dma source(%dma_start3A_378 : memref<64x128xf32, #tpu.memory_space<vmem>>) target(%dma_start3A_375 : memref<64x128xf32, #tpu.memory_space<hbm>>) target_semaphore(%arg14 : memref<!tpu.dma_semaphore, #tpu.memory_space<semaphore_mem>>)
    %scan3A_379 = arith.constant 0 : i32
    %scan3A_380 = arith.constant 0 : i32
    %scan3A_381 = arith.constant 32 : i32
    %scan3A_382 = arith.addi %scan3A_380, %scan3A_381 : i32
    %scan3A_383 = arith.constant 1 : i32
    scf.for %scan3A_477 = %scan3A_380 to %scan3A_382 step %scan3A_383  : i32 {
      %mul3A_478 = arith.constant 256 : i32
      %mul3A_479 = arith.muli %scan3A_477, %mul3A_478 : i32
      %add3A_480 = arith.constant 0 : i32
      %add3A_481 = arith.addi %add3A_480, %mul3A_479 : i32
      %add3A_482 = arith.constant 0 : i32
      %add3A_483 = arith.addi %add3A_481, %add3A_482 : i32
      %swap3A = arith.index_cast %add3A_483 : i32 to index
      %swap3A_484 = tpu.vector_load %arg9[%swap3A] {strides = array<i32>} : memref<16384xf32, #tpu.memory_space<vmem>>, vector<16xf32>,
      tpu.vector_store %arg9[%swap3A], %broadcast_in_dim3A_24 {strides = array<i32>} : memref<16384xf32, #tpu.memory_space<vmem>>, vector<16xf32>,
      %mul3A_485 = arith.constant 256 : i32
      %mul3A_486 = arith.muli %scan3A_477, %mul3A_485 : i32
      %add3A_487 = arith.constant 0 : i32
      %add3A_488 = arith.addi %add3A_487, %mul3A_486 : i32
      %add3A_489 = arith.constant 16 : i32
      %add3A_490 = arith.addi %add3A_488, %add3A_489 : i32
      %swap3A_491 = arith.index_cast %add3A_490 : i32 to index
      %swap3A_492 = tpu.vector_load %arg9[%swap3A_491] {strides = array<i32>} : memref<16384xf32, #tpu.memory_space<vmem>>, vector<16xf32>,
      tpu.vector_store %arg9[%swap3A_491], %broadcast_in_dim3A_24 {strides = array<i32>} : memref<16384xf32, #tpu.memory_space<vmem>>, vector<16xf32>,
      %mul3A_493 = arith.constant 256 : i32
      %mul3A_494 = arith.muli %scan3A_477, %mul3A_493 : i32
      %add3A_495 = arith.constant 0 : i32
      %add3A_496 = arith.addi %add3A_495, %mul3A_494 : i32
      %add3A_497 = arith.constant 32 : i32
      %add3A_498 = arith.addi %add3A_496, %add3A_497 : i32
      %swap3A_499 = arith.index_cast %add3A_498 : i32 to index
      %swap3A_500 = tpu.vector_load %arg9[%swap3A_499] {strides = array<i32>} : memref<16384xf32, #tpu.memory_space<vmem>>, vector<16xf32>,
      tpu.vector_store %arg9[%swap3A_499], %broadcast_in_dim3A_24 {strides = array<i32>} : memref<16384xf32, #tpu.memory_space<vmem>>, vector<16xf32>,
      %mul3A_501 = arith.constant 256 : i32
      %mul3A_502 = arith.muli %scan3A_477, %mul3A_501 : i32
      %add3A_503 = arith.constant 0 : i32
      %add3A_504 = arith.addi %add3A_503, %mul3A_502 : i32
      %add3A_505 = arith.constant 48 : i32
      %add3A_506 = arith.addi %add3A_504, %add3A_505 : i32
      %swap3A_507 = arith.index_cast %add3A_506 : i32 to index
      %swap3A_508 = tpu.vector_load %arg9[%swap3A_507] {strides = array<i32>} : memref<16384xf32, #tpu.memory_space<vmem>>, vector<16xf32>,
      tpu.vector_store %arg9[%swap3A_507], %broadcast_in_dim3A_24 {strides = array<i32>} : memref<16384xf32, #tpu.memory_space<vmem>>, vector<16xf32>,
      %mul3A_509 = arith.constant 256 : i32
      %mul3A_510 = arith.muli %scan3A_477, %mul3A_509 : i32
      %add3A_511 = arith.constant 0 : i32
      %add3A_512 = arith.addi %add3A_511, %mul3A_510 : i32
      %add3A_513 = arith.constant 64 : i32
      %add3A_514 = arith.addi %add3A_512, %add3A_513 : i32
      %swap3A_515 = arith.index_cast %add3A_514 : i32 to index
      %swap3A_516 = tpu.vector_load %arg9[%swap3A_515] {strides = array<i32>} : memref<16384xf32, #tpu.memory_space<vmem>>, vector<16xf32>,
      tpu.vector_store %arg9[%swap3A_515], %broadcast_in_dim3A_24 {strides = array<i32>} : memref<16384xf32, #tpu.memory_space<vmem>>, vector<16xf32>,
      %mul3A_517 = arith.constant 256 : i32
      %mul3A_518 = arith.muli %scan3A_477, %mul3A_517 : i32
      %add3A_519 = arith.constant 0 : i32
      %add3A_520 = arith.addi %add3A_519, %mul3A_518 : i32
      %add3A_521 = arith.constant 80 : i32
      %add3A_522 = arith.addi %add3A_520, %add3A_521 : i32
      %swap3A_523 = arith.index_cast %add3A_522 : i32 to index
      %swap3A_524 = tpu.vector_load %arg9[%swap3A_523] {strides = array<i32>} : memref<16384xf32, #tpu.memory_space<vmem>>, vector<16xf32>,
      tpu.vector_store %arg9[%swap3A_523], %broadcast_in_dim3A_24 {strides = array<i32>} : memref<16384xf32, #tpu.memory_space<vmem>>, vector<16xf32>,
      %mul3A_525 = arith.constant 256 : i32
      %mul3A_526 = arith.muli %scan3A_477, %mul3A_525 : i32
      %add3A_527 = arith.constant 0 : i32
      %add3A_528 = arith.addi %add3A_527, %mul3A_526 : i32
      %add3A_529 = arith.constant 96 : i32
      %add3A_530 = arith.addi %add3A_528, %add3A_529 : i32
      %swap3A_531 = arith.index_cast %add3A_530 : i32 to index
      %swap3A_532 = tpu.vector_load %arg9[%swap3A_531] {strides = array<i32>} : memref<16384xf32, #tpu.memory_space<vmem>>, vector<16xf32>,
      tpu.vector_store %arg9[%swap3A_531], %broadcast_in_dim3A_24 {strides = array<i32>} : memref<16384xf32, #tpu.memory_space<vmem>>, vector<16xf32>,
      %mul3A_533 = arith.constant 256 : i32
      %mul3A_534 = arith.muli %scan3A_477, %mul3A_533 : i32
      %add3A_535 = arith.constant 0 : i32
      %add3A_536 = arith.addi %add3A_535, %mul3A_534 : i32
      %add3A_537 = arith.constant 112 : i32
      %add3A_538 = arith.addi %add3A_536, %add3A_537 : i32
      %swap3A_539 = arith.index_cast %add3A_538 : i32 to index
      %swap3A_540 = tpu.vector_load %arg9[%swap3A_539] {strides = array<i32>} : memref<16384xf32, #tpu.memory_space<vmem>>, vector<16xf32>,
      tpu.vector_store %arg9[%swap3A_539], %broadcast_in_dim3A_24 {strides = array<i32>} : memref<16384xf32, #tpu.memory_space<vmem>>, vector<16xf32>,
      %mul3A_541 = arith.constant 256 : i32
      %mul3A_542 = arith.muli %scan3A_477, %mul3A_541 : i32
      %add3A_543 = arith.constant 0 : i32
      %add3A_544 = arith.addi %add3A_543, %mul3A_542 : i32
      %add3A_545 = arith.constant 128 : i32
      %add3A_546 = arith.addi %add3A_544, %add3A_545 : i32
      %swap3A_547 = arith.index_cast %add3A_546 : i32 to index
      %swap3A_548 = tpu.vector_load %arg9[%swap3A_547] {strides = array<i32>} : memref<16384xf32, #tpu.memory_space<vmem>>, vector<16xf32>,
      tpu.vector_store %arg9[%swap3A_547], %broadcast_in_dim3A_24 {strides = array<i32>} : memref<16384xf32, #tpu.memory_space<vmem>>, vector<16xf32>,
      %mul3A_549 = arith.constant 256 : i32
      %mul3A_550 = arith.muli %scan3A_477, %mul3A_549 : i32
      %add3A_551 = arith.constant 0 : i32
      %add3A_552 = arith.addi %add3A_551, %mul3A_550 : i32
      %add3A_553 = arith.constant 144 : i32
      %add3A_554 = arith.addi %add3A_552, %add3A_553 : i32
      %swap3A_555 = arith.index_cast %add3A_554 : i32 to index
      %swap3A_556 = tpu.vector_load %arg9[%swap3A_555] {strides = array<i32>} : memref<16384xf32, #tpu.memory_space<vmem>>, vector<16xf32>,
      tpu.vector_store %arg9[%swap3A_555], %broadcast_in_dim3A_24 {strides = array<i32>} : memref<16384xf32, #tpu.memory_space<vmem>>, vector<16xf32>,
      %mul3A_557 = arith.constant 256 : i32
      %mul3A_558 = arith.muli %scan3A_477, %mul3A_557 : i32
      %add3A_559 = arith.constant 0 : i32
      %add3A_560 = arith.addi %add3A_559, %mul3A_558 : i32
      %add3A_561 = arith.constant 160 : i32
      %add3A_562 = arith.addi %add3A_560, %add3A_561 : i32
      %swap3A_563 = arith.index_cast %add3A_562 : i32 to index
      %swap3A_564 = tpu.vector_load %arg9[%swap3A_563] {strides = array<i32>} : memref<16384xf32, #tpu.memory_space<vmem>>, vector<16xf32>,
      tpu.vector_store %arg9[%swap3A_563], %broadcast_in_dim3A_24 {strides = array<i32>} : memref<16384xf32, #tpu.memory_space<vmem>>, vector<16xf32>,
      %mul3A_565 = arith.constant 256 : i32
      %mul3A_566 = arith.muli %scan3A_477, %mul3A_565 : i32
      %add3A_567 = arith.constant 0 : i32
      %add3A_568 = arith.addi %add3A_567, %mul3A_566 : i32
      %add3A_569 = arith.constant 176 : i32
      %add3A_570 = arith.addi %add3A_568, %add3A_569 : i32
      %swap3A_571 = arith.index_cast %add3A_570 : i32 to index
      %swap3A_572 = tpu.vector_load %arg9[%swap3A_571] {strides = array<i32>} : memref<16384xf32, #tpu.memory_space<vmem>>, vector<16xf32>,
      tpu.vector_store %arg9[%swap3A_571], %broadcast_in_dim3A_24 {strides = array<i32>} : memref<16384xf32, #tpu.memory_space<vmem>>, vector<16xf32>,
      %mul3A_573 = arith.constant 256 : i32
      %mul3A_574 = arith.muli %scan3A_477, %mul3A_573 : i32
      %add3A_575 = arith.constant 0 : i32
      %add3A_576 = arith.addi %add3A_575, %mul3A_574 : i32
      %add3A_577 = arith.constant 192 : i32
      %add3A_578 = arith.addi %add3A_576, %add3A_577 : i32
      %swap3A_579 = arith.index_cast %add3A_578 : i32 to index
      %swap3A_580 = tpu.vector_load %arg9[%swap3A_579] {strides = array<i32>} : memref<16384xf32, #tpu.memory_space<vmem>>, vector<16xf32>,
      tpu.vector_store %arg9[%swap3A_579], %broadcast_in_dim3A_24 {strides = array<i32>} : memref<16384xf32, #tpu.memory_space<vmem>>, vector<16xf32>,
      %mul3A_581 = arith.constant 256 : i32
      %mul3A_582 = arith.muli %scan3A_477, %mul3A_581 : i32
      %add3A_583 = arith.constant 0 : i32
      %add3A_584 = arith.addi %add3A_583, %mul3A_582 : i32
      %add3A_585 = arith.constant 208 : i32
      %add3A_586 = arith.addi %add3A_584, %add3A_585 : i32
      %swap3A_587 = arith.index_cast %add3A_586 : i32 to index
      %swap3A_588 = tpu.vector_load %arg9[%swap3A_587] {strides = array<i32>} : memref<16384xf32, #tpu.memory_space<vmem>>, vector<16xf32>,
      tpu.vector_store %arg9[%swap3A_587], %broadcast_in_dim3A_24 {strides = array<i32>} : memref<16384xf32, #tpu.memory_space<vmem>>, vector<16xf32>,
      %mul3A_589 = arith.constant 256 : i32
      %mul3A_590 = arith.muli %scan3A_477, %mul3A_589 : i32
      %add3A_591 = arith.constant 0 : i32
      %add3A_592 = arith.addi %add3A_591, %mul3A_590 : i32
      %add3A_593 = arith.constant 224 : i32
      %add3A_594 = arith.addi %add3A_592, %add3A_593 : i32
      %swap3A_595 = arith.index_cast %add3A_594 : i32 to index
      %swap3A_596 = tpu.vector_load %arg9[%swap3A_595] {strides = array<i32>} : memref<16384xf32, #tpu.memory_space<vmem>>, vector<16xf32>,
      tpu.vector_store %arg9[%swap3A_595], %broadcast_in_dim3A_24 {strides = array<i32>} : memref<16384xf32, #tpu.memory_space<vmem>>, vector<16xf32>,
      %mul3A_597 = arith.constant 256 : i32
      %mul3A_598 = arith.muli %scan3A_477, %mul3A_597 : i32
      %add3A_599 = arith.constant 0 : i32
      %add3A_600 = arith.addi %add3A_599, %mul3A_598 : i32
      %add3A_601 = arith.constant 240 : i32
      %add3A_602 = arith.addi %add3A_600, %add3A_601 : i32
      %swap3A_603 = arith.index_cast %add3A_602 : i32 to index
      %swap3A_604 = tpu.vector_load %arg9[%swap3A_603] {strides = array<i32>} : memref<16384xf32, #tpu.memory_space<vmem>>, vector<16xf32>,
      tpu.vector_store %arg9[%swap3A_603], %broadcast_in_dim3A_24 {strides = array<i32>} : memref<16384xf32, #tpu.memory_space<vmem>>, vector<16xf32>,
      %mul3A_605 = arith.constant 256 : i32
      %mul3A_606 = arith.muli %scan3A_477, %mul3A_605 : i32
      %add3A_607 = arith.constant 0 : i32
      %add3A_608 = arith.addi %add3A_607, %mul3A_606 : i32
      %broadcast_in_dim3A_609 = vector.broadcast %add3A_608 : i32 to vector<16xi32>
      %mul3A_610 = arith.constant 128 : i32
      %mul3A_611 = arith.muli %scan3A_477, %mul3A_610 : i32
      %add3A_612 = arith.constant 0 : i32
      %add3A_613 = arith.addi %add3A_612, %mul3A_611 : i32
      %add3A_614 = arith.constant 0 : i32
      %add3A_615 = arith.addi %add3A_613, %add3A_614 : i32
      %get3A = arith.index_cast %add3A_615 : i32 to index
      %get3A_616 = tpu.vector_load %arg8[%get3A] {strides = array<i32>} : memref<8192xi32, #tpu.memory_space<vmem>>, vector<16xi32>,
      %add3A_617 = arith.addi %broadcast_in_dim3A_609, %get3A_616 : vector<16xi32>
      tpu.vector_store_idx %arg9[%add3A_617], %broadcast_in_dim3A_26 {add = true} : memref<16384xf32, #tpu.memory_space<vmem>>[vector<16xi32>], vector<16xf32>,
      %mul3A_618 = arith.constant 128 : i32
      %mul3A_619 = arith.muli %scan3A_477, %mul3A_618 : i32
      %add3A_620 = arith.constant 0 : i32
      %add3A_621 = arith.addi %add3A_620, %mul3A_619 : i32
      %add3A_622 = arith.constant 16 : i32
      %add3A_623 = arith.addi %add3A_621, %add3A_622 : i32
      %get3A_624 = arith.index_cast %add3A_623 : i32 to index
      %get3A_625 = tpu.vector_load %arg8[%get3A_624] {strides = array<i32>} : memref<8192xi32, #tpu.memory_space<vmem>>, vector<16xi32>,
      %add3A_626 = arith.addi %broadcast_in_dim3A_609, %get3A_625 : vector<16xi32>
      tpu.vector_store_idx %arg9[%add3A_626], %broadcast_in_dim3A_26 {add = true} : memref<16384xf32, #tpu.memory_space<vmem>>[vector<16xi32>], vector<16xf32>,
      %mul3A_627 = arith.constant 128 : i32
      %mul3A_628 = arith.muli %scan3A_477, %mul3A_627 : i32
      %add3A_629 = arith.constant 0 : i32
      %add3A_630 = arith.addi %add3A_629, %mul3A_628 : i32
      %add3A_631 = arith.constant 32 : i32
      %add3A_632 = arith.addi %add3A_630, %add3A_631 : i32
      %get3A_633 = arith.index_cast %add3A_632 : i32 to index
      %get3A_634 = tpu.vector_load %arg8[%get3A_633] {strides = array<i32>} : memref<8192xi32, #tpu.memory_space<vmem>>, vector<16xi32>,
      %add3A_635 = arith.addi %broadcast_in_dim3A_609, %get3A_634 : vector<16xi32>
      tpu.vector_store_idx %arg9[%add3A_635], %broadcast_in_dim3A_26 {add = true} : memref<16384xf32, #tpu.memory_space<vmem>>[vector<16xi32>], vector<16xf32>,
      %mul3A_636 = arith.constant 128 : i32
      %mul3A_637 = arith.muli %scan3A_477, %mul3A_636 : i32
      %add3A_638 = arith.constant 0 : i32
      %add3A_639 = arith.addi %add3A_638, %mul3A_637 : i32
      %add3A_640 = arith.constant 48 : i32
      %add3A_641 = arith.addi %add3A_639, %add3A_640 : i32
      %get3A_642 = arith.index_cast %add3A_641 : i32 to index
      %get3A_643 = tpu.vector_load %arg8[%get3A_642] {strides = array<i32>} : memref<8192xi32, #tpu.memory_space<vmem>>, vector<16xi32>,
      %add3A_644 = arith.addi %broadcast_in_dim3A_609, %get3A_643 : vector<16xi32>
      tpu.vector_store_idx %arg9[%add3A_644], %broadcast_in_dim3A_26 {add = true} : memref<16384xf32, #tpu.memory_space<vmem>>[vector<16xi32>], vector<16xf32>,
      %mul3A_645 = arith.constant 128 : i32
      %mul3A_646 = arith.muli %scan3A_477, %mul3A_645 : i32
      %add3A_647 = arith.constant 0 : i32
      %add3A_648 = arith.addi %add3A_647, %mul3A_646 : i32
      %add3A_649 = arith.constant 64 : i32
      %add3A_650 = arith.addi %add3A_648, %add3A_649 : i32
      %get3A_651 = arith.index_cast %add3A_650 : i32 to index
      %get3A_652 = tpu.vector_load %arg8[%get3A_651] {strides = array<i32>} : memref<8192xi32, #tpu.memory_space<vmem>>, vector<16xi32>,
      %add3A_653 = arith.addi %broadcast_in_dim3A_609, %get3A_652 : vector<16xi32>
      tpu.vector_store_idx %arg9[%add3A_653], %broadcast_in_dim3A_26 {add = true} : memref<16384xf32, #tpu.memory_space<vmem>>[vector<16xi32>], vector<16xf32>,
      %mul3A_654 = arith.constant 128 : i32
      %mul3A_655 = arith.muli %scan3A_477, %mul3A_654 : i32
      %add3A_656 = arith.constant 0 : i32
      %add3A_657 = arith.addi %add3A_656, %mul3A_655 : i32
      %add3A_658 = arith.constant 80 : i32
      %add3A_659 = arith.addi %add3A_657, %add3A_658 : i32
      %get3A_660 = arith.index_cast %add3A_659 : i32 to index
      %get3A_661 = tpu.vector_load %arg8[%get3A_660] {strides = array<i32>} : memref<8192xi32, #tpu.memory_space<vmem>>, vector<16xi32>,
      %add3A_662 = arith.addi %broadcast_in_dim3A_609, %get3A_661 : vector<16xi32>
      tpu.vector_store_idx %arg9[%add3A_662], %broadcast_in_dim3A_26 {add = true} : memref<16384xf32, #tpu.memory_space<vmem>>[vector<16xi32>], vector<16xf32>,
      %mul3A_663 = arith.constant 128 : i32
      %mul3A_664 = arith.muli %scan3A_477, %mul3A_663 : i32
      %add3A_665 = arith.constant 0 : i32
      %add3A_666 = arith.addi %add3A_665, %mul3A_664 : i32
      %add3A_667 = arith.constant 96 : i32
      %add3A_668 = arith.addi %add3A_666, %add3A_667 : i32
      %get3A_669 = arith.index_cast %add3A_668 : i32 to index
      %get3A_670 = tpu.vector_load %arg8[%get3A_669] {strides = array<i32>} : memref<8192xi32, #tpu.memory_space<vmem>>, vector<16xi32>,
      %add3A_671 = arith.addi %broadcast_in_dim3A_609, %get3A_670 : vector<16xi32>
      tpu.vector_store_idx %arg9[%add3A_671], %broadcast_in_dim3A_26 {add = true} : memref<16384xf32, #tpu.memory_space<vmem>>[vector<16xi32>], vector<16xf32>,
      %mul3A_672 = arith.constant 128 : i32
      %mul3A_673 = arith.muli %scan3A_477, %mul3A_672 : i32
      %add3A_674 = arith.constant 0 : i32
      %add3A_675 = arith.addi %add3A_674, %mul3A_673 : i32
      %add3A_676 = arith.constant 112 : i32
      %add3A_677 = arith.addi %add3A_675, %add3A_676 : i32
      %get3A_678 = arith.index_cast %add3A_677 : i32 to index
      %get3A_679 = tpu.vector_load %arg8[%get3A_678] {strides = array<i32>} : memref<8192xi32, #tpu.memory_space<vmem>>, vector<16xi32>,
      %add3A_680 = arith.addi %broadcast_in_dim3A_609, %get3A_679 : vector<16xi32>
      tpu.vector_store_idx %arg9[%add3A_680], %broadcast_in_dim3A_26 {add = true} : memref<16384xf32, #tpu.memory_space<vmem>>[vector<16xi32>], vector<16xf32>,
    }
    %scan3A_384 = arith.constant 32 : i32
    %add3A_385 = arith.constant 192 : i32
    %add3A_386 = arith.addi %mul3A_2, %add3A_385 : i32
    %mul3A_387 = arith.constant 256 : i32
    %mul3A_388 = arith.muli %add3A_386, %mul3A_387 : i32
    %dma_start3A_389 = arith.constant 0 : i32
    %dma_start3A_390 = tpu.memref_slice %arg9[%dma_start3A_389] : memref<16384xf32, #tpu.memory_space<vmem>> -> memref<8192xf32, #tpu.memory_space<vmem>>
    %dma_start3A_391 = tpu.memref_slice %arg5[%mul3A_388] : memref<2097152xf32, #tpu.memory_space<hbm>> -> memref<8192xf32, #tpu.memory_space<hbm>>
    %dma_start3A_392 = tpu.memref_slice %arg5[%mul3A_388] : memref<2097152xf32, #tpu.memory_space<hbm>> -> memref<8192xf32, #tpu.memory_space<hbm>>
    %dma_start3A_393 = arith.constant 0 : i32
    %dma_start3A_394 = tpu.memref_slice %arg9[%dma_start3A_393] : memref<16384xf32, #tpu.memory_space<vmem>> -> memref<8192xf32, #tpu.memory_space<vmem>>
    tpu.enqueue_dma source(%dma_start3A_394 : memref<8192xf32, #tpu.memory_space<vmem>>) target(%dma_start3A_392 : memref<8192xf32, #tpu.memory_space<hbm>>) target_semaphore(%arg13 : memref<!tpu.dma_semaphore, #tpu.memory_space<semaphore_mem>>)
    %dma_wait3A_395 = arith.constant 4096 : i32
    %dma_wait3A_396 = tpu.memref_slice %arg8[%dma_wait3A_395] : memref<8192xi32, #tpu.memory_space<vmem>> -> memref<4096xi32, #tpu.memory_space<vmem>>
    %dma_wait3A_397 = tpu.memref_slice %arg2[%mul3A_344] : memref<1048576xi32, #tpu.memory_space<hbm>> -> memref<4096xi32, #tpu.memory_space<hbm>>
    %dma_wait3A_398 = arith.constant 4096 : i32
    %dma_wait3A_399 = tpu.memref_slice %arg8[%dma_wait3A_398] : memref<8192xi32, #tpu.memory_space<vmem>> -> memref<4096xi32, #tpu.memory_space<vmem>>
    %dma_wait3A_400 = tpu.memref_slice %arg2[%mul3A_344] : memref<1048576xi32, #tpu.memory_space<hbm>> -> memref<4096xi32, #tpu.memory_space<hbm>>
    tpu.wait_dma2 semaphore(%arg12 : memref<!tpu.dma_semaphore, #tpu.memory_space<semaphore_mem>>) src(%dma_wait3A_400 : memref<4096xi32, #tpu.memory_space<hbm>>) dst(%dma_wait3A_399 : memref<4096xi32, #tpu.memory_space<vmem>>)
    %dma_wait3A_401 = arith.constant 8192 : i32
    %dma_wait3A_402 = tpu.memref_slice %arg9[%dma_wait3A_401] : memref<16384xf32, #tpu.memory_space<vmem>> -> memref<8192xf32, #tpu.memory_space<vmem>>
    %dma_wait3A_403 = tpu.memref_slice %arg5[%mul3A_328] : memref<2097152xf32, #tpu.memory_space<hbm>> -> memref<8192xf32, #tpu.memory_space<hbm>>
    %dma_wait3A_404 = tpu.memref_slice %arg5[%mul3A_328] : memref<2097152xf32, #tpu.memory_space<hbm>> -> memref<8192xf32, #tpu.memory_space<hbm>>
    %dma_wait3A_405 = arith.constant 8192 : i32
    %dma_wait3A_406 = tpu.memref_slice %arg9[%dma_wait3A_405] : memref<16384xf32, #tpu.memory_space<vmem>> -> memref<8192xf32, #tpu.memory_space<vmem>>
    tpu.wait_dma2 semaphore(%arg13 : memref<!tpu.dma_semaphore, #tpu.memory_space<semaphore_mem>>) src(%dma_wait3A_406 : memref<8192xf32, #tpu.memory_space<vmem>>) dst(%dma_wait3A_404 : memref<8192xf32, #tpu.memory_space<hbm>>)
    %scan3A_407 = arith.constant 0 : i32
    %scan3A_408 = arith.constant 0 : i32
    %scan3A_409 = arith.constant 32 : i32
    %scan3A_410 = arith.addi %scan3A_408, %scan3A_409 : i32
    %scan3A_411 = arith.constant 1 : i32
    scf.for %scan3A_477 = %scan3A_408 to %scan3A_410 step %scan3A_411  : i32 {
      %mul3A_478 = arith.constant 256 : i32
      %mul3A_479 = arith.muli %scan3A_477, %mul3A_478 : i32
      %add3A_480 = arith.constant 8192 : i32
      %add3A_481 = arith.addi %add3A_480, %mul3A_479 : i32
      %add3A_482 = arith.constant 0 : i32
      %add3A_483 = arith.addi %add3A_481, %add3A_482 : i32
      %swap3A = arith.index_cast %add3A_483 : i32 to index
      %swap3A_484 = tpu.vector_load %arg9[%swap3A] {strides = array<i32>} : memref<16384xf32, #tpu.memory_space<vmem>>, vector<16xf32>,
      tpu.vector_store %arg9[%swap3A], %broadcast_in_dim3A_24 {strides = array<i32>} : memref<16384xf32, #tpu.memory_space<vmem>>, vector<16xf32>,
      %mul3A_485 = arith.constant 256 : i32
      %mul3A_486 = arith.muli %scan3A_477, %mul3A_485 : i32
      %add3A_487 = arith.constant 8192 : i32
      %add3A_488 = arith.addi %add3A_487, %mul3A_486 : i32
      %add3A_489 = arith.constant 16 : i32
      %add3A_490 = arith.addi %add3A_488, %add3A_489 : i32
      %swap3A_491 = arith.index_cast %add3A_490 : i32 to index
      %swap3A_492 = tpu.vector_load %arg9[%swap3A_491] {strides = array<i32>} : memref<16384xf32, #tpu.memory_space<vmem>>, vector<16xf32>,
      tpu.vector_store %arg9[%swap3A_491], %broadcast_in_dim3A_24 {strides = array<i32>} : memref<16384xf32, #tpu.memory_space<vmem>>, vector<16xf32>,
      %mul3A_493 = arith.constant 256 : i32
      %mul3A_494 = arith.muli %scan3A_477, %mul3A_493 : i32
      %add3A_495 = arith.constant 8192 : i32
      %add3A_496 = arith.addi %add3A_495, %mul3A_494 : i32
      %add3A_497 = arith.constant 32 : i32
      %add3A_498 = arith.addi %add3A_496, %add3A_497 : i32
      %swap3A_499 = arith.index_cast %add3A_498 : i32 to index
      %swap3A_500 = tpu.vector_load %arg9[%swap3A_499] {strides = array<i32>} : memref<16384xf32, #tpu.memory_space<vmem>>, vector<16xf32>,
      tpu.vector_store %arg9[%swap3A_499], %broadcast_in_dim3A_24 {strides = array<i32>} : memref<16384xf32, #tpu.memory_space<vmem>>, vector<16xf32>,
      %mul3A_501 = arith.constant 256 : i32
      %mul3A_502 = arith.muli %scan3A_477, %mul3A_501 : i32
      %add3A_503 = arith.constant 8192 : i32
      %add3A_504 = arith.addi %add3A_503, %mul3A_502 : i32
      %add3A_505 = arith.constant 48 : i32
      %add3A_506 = arith.addi %add3A_504, %add3A_505 : i32
      %swap3A_507 = arith.index_cast %add3A_506 : i32 to index
      %swap3A_508 = tpu.vector_load %arg9[%swap3A_507] {strides = array<i32>} : memref<16384xf32, #tpu.memory_space<vmem>>, vector<16xf32>,
      tpu.vector_store %arg9[%swap3A_507], %broadcast_in_dim3A_24 {strides = array<i32>} : memref<16384xf32, #tpu.memory_space<vmem>>, vector<16xf32>,
      %mul3A_509 = arith.constant 256 : i32
      %mul3A_510 = arith.muli %scan3A_477, %mul3A_509 : i32
      %add3A_511 = arith.constant 8192 : i32
      %add3A_512 = arith.addi %add3A_511, %mul3A_510 : i32
      %add3A_513 = arith.constant 64 : i32
      %add3A_514 = arith.addi %add3A_512, %add3A_513 : i32
      %swap3A_515 = arith.index_cast %add3A_514 : i32 to index
      %swap3A_516 = tpu.vector_load %arg9[%swap3A_515] {strides = array<i32>} : memref<16384xf32, #tpu.memory_space<vmem>>, vector<16xf32>,
      tpu.vector_store %arg9[%swap3A_515], %broadcast_in_dim3A_24 {strides = array<i32>} : memref<16384xf32, #tpu.memory_space<vmem>>, vector<16xf32>,
      %mul3A_517 = arith.constant 256 : i32
      %mul3A_518 = arith.muli %scan3A_477, %mul3A_517 : i32
      %add3A_519 = arith.constant 8192 : i32
      %add3A_520 = arith.addi %add3A_519, %mul3A_518 : i32
      %add3A_521 = arith.constant 80 : i32
      %add3A_522 = arith.addi %add3A_520, %add3A_521 : i32
      %swap3A_523 = arith.index_cast %add3A_522 : i32 to index
      %swap3A_524 = tpu.vector_load %arg9[%swap3A_523] {strides = array<i32>} : memref<16384xf32, #tpu.memory_space<vmem>>, vector<16xf32>,
      tpu.vector_store %arg9[%swap3A_523], %broadcast_in_dim3A_24 {strides = array<i32>} : memref<16384xf32, #tpu.memory_space<vmem>>, vector<16xf32>,
      %mul3A_525 = arith.constant 256 : i32
      %mul3A_526 = arith.muli %scan3A_477, %mul3A_525 : i32
      %add3A_527 = arith.constant 8192 : i32
      %add3A_528 = arith.addi %add3A_527, %mul3A_526 : i32
      %add3A_529 = arith.constant 96 : i32
      %add3A_530 = arith.addi %add3A_528, %add3A_529 : i32
      %swap3A_531 = arith.index_cast %add3A_530 : i32 to index
      %swap3A_532 = tpu.vector_load %arg9[%swap3A_531] {strides = array<i32>} : memref<16384xf32, #tpu.memory_space<vmem>>, vector<16xf32>,
      tpu.vector_store %arg9[%swap3A_531], %broadcast_in_dim3A_24 {strides = array<i32>} : memref<16384xf32, #tpu.memory_space<vmem>>, vector<16xf32>,
      %mul3A_533 = arith.constant 256 : i32
      %mul3A_534 = arith.muli %scan3A_477, %mul3A_533 : i32
      %add3A_535 = arith.constant 8192 : i32
      %add3A_536 = arith.addi %add3A_535, %mul3A_534 : i32
      %add3A_537 = arith.constant 112 : i32
      %add3A_538 = arith.addi %add3A_536, %add3A_537 : i32
      %swap3A_539 = arith.index_cast %add3A_538 : i32 to index
      %swap3A_540 = tpu.vector_load %arg9[%swap3A_539] {strides = array<i32>} : memref<16384xf32, #tpu.memory_space<vmem>>, vector<16xf32>,
      tpu.vector_store %arg9[%swap3A_539], %broadcast_in_dim3A_24 {strides = array<i32>} : memref<16384xf32, #tpu.memory_space<vmem>>, vector<16xf32>,
      %mul3A_541 = arith.constant 256 : i32
      %mul3A_542 = arith.muli %scan3A_477, %mul3A_541 : i32
      %add3A_543 = arith.constant 8192 : i32
      %add3A_544 = arith.addi %add3A_543, %mul3A_542 : i32
      %add3A_545 = arith.constant 128 : i32
      %add3A_546 = arith.addi %add3A_544, %add3A_545 : i32
      %swap3A_547 = arith.index_cast %add3A_546 : i32 to index
      %swap3A_548 = tpu.vector_load %arg9[%swap3A_547] {strides = array<i32>} : memref<16384xf32, #tpu.memory_space<vmem>>, vector<16xf32>,
      tpu.vector_store %arg9[%swap3A_547], %broadcast_in_dim3A_24 {strides = array<i32>} : memref<16384xf32, #tpu.memory_space<vmem>>, vector<16xf32>,
      %mul3A_549 = arith.constant 256 : i32
      %mul3A_550 = arith.muli %scan3A_477, %mul3A_549 : i32
      %add3A_551 = arith.constant 8192 : i32
      %add3A_552 = arith.addi %add3A_551, %mul3A_550 : i32
      %add3A_553 = arith.constant 144 : i32
      %add3A_554 = arith.addi %add3A_552, %add3A_553 : i32
      %swap3A_555 = arith.index_cast %add3A_554 : i32 to index
      %swap3A_556 = tpu.vector_load %arg9[%swap3A_555] {strides = array<i32>} : memref<16384xf32, #tpu.memory_space<vmem>>, vector<16xf32>,
      tpu.vector_store %arg9[%swap3A_555], %broadcast_in_dim3A_24 {strides = array<i32>} : memref<16384xf32, #tpu.memory_space<vmem>>, vector<16xf32>,
      %mul3A_557 = arith.constant 256 : i32
      %mul3A_558 = arith.muli %scan3A_477, %mul3A_557 : i32
      %add3A_559 = arith.constant 8192 : i32
      %add3A_560 = arith.addi %add3A_559, %mul3A_558 : i32
      %add3A_561 = arith.constant 160 : i32
      %add3A_562 = arith.addi %add3A_560, %add3A_561 : i32
      %swap3A_563 = arith.index_cast %add3A_562 : i32 to index
      %swap3A_564 = tpu.vector_load %arg9[%swap3A_563] {strides = array<i32>} : memref<16384xf32, #tpu.memory_space<vmem>>, vector<16xf32>,
      tpu.vector_store %arg9[%swap3A_563], %broadcast_in_dim3A_24 {strides = array<i32>} : memref<16384xf32, #tpu.memory_space<vmem>>, vector<16xf32>,
      %mul3A_565 = arith.constant 256 : i32
      %mul3A_566 = arith.muli %scan3A_477, %mul3A_565 : i32
      %add3A_567 = arith.constant 8192 : i32
      %add3A_568 = arith.addi %add3A_567, %mul3A_566 : i32
      %add3A_569 = arith.constant 176 : i32
      %add3A_570 = arith.addi %add3A_568, %add3A_569 : i32
      %swap3A_571 = arith.index_cast %add3A_570 : i32 to index
      %swap3A_572 = tpu.vector_load %arg9[%swap3A_571] {strides = array<i32>} : memref<16384xf32, #tpu.memory_space<vmem>>, vector<16xf32>,
      tpu.vector_store %arg9[%swap3A_571], %broadcast_in_dim3A_24 {strides = array<i32>} : memref<16384xf32, #tpu.memory_space<vmem>>, vector<16xf32>,
      %mul3A_573 = arith.constant 256 : i32
      %mul3A_574 = arith.muli %scan3A_477, %mul3A_573 : i32
      %add3A_575 = arith.constant 8192 : i32
      %add3A_576 = arith.addi %add3A_575, %mul3A_574 : i32
      %add3A_577 = arith.constant 192 : i32
      %add3A_578 = arith.addi %add3A_576, %add3A_577 : i32
      %swap3A_579 = arith.index_cast %add3A_578 : i32 to index
      %swap3A_580 = tpu.vector_load %arg9[%swap3A_579] {strides = array<i32>} : memref<16384xf32, #tpu.memory_space<vmem>>, vector<16xf32>,
      tpu.vector_store %arg9[%swap3A_579], %broadcast_in_dim3A_24 {strides = array<i32>} : memref<16384xf32, #tpu.memory_space<vmem>>, vector<16xf32>,
      %mul3A_581 = arith.constant 256 : i32
      %mul3A_582 = arith.muli %scan3A_477, %mul3A_581 : i32
      %add3A_583 = arith.constant 8192 : i32
      %add3A_584 = arith.addi %add3A_583, %mul3A_582 : i32
      %add3A_585 = arith.constant 208 : i32
      %add3A_586 = arith.addi %add3A_584, %add3A_585 : i32
      %swap3A_587 = arith.index_cast %add3A_586 : i32 to index
      %swap3A_588 = tpu.vector_load %arg9[%swap3A_587] {strides = array<i32>} : memref<16384xf32, #tpu.memory_space<vmem>>, vector<16xf32>,
      tpu.vector_store %arg9[%swap3A_587], %broadcast_in_dim3A_24 {strides = array<i32>} : memref<16384xf32, #tpu.memory_space<vmem>>, vector<16xf32>,
      %mul3A_589 = arith.constant 256 : i32
      %mul3A_590 = arith.muli %scan3A_477, %mul3A_589 : i32
      %add3A_591 = arith.constant 8192 : i32
      %add3A_592 = arith.addi %add3A_591, %mul3A_590 : i32
      %add3A_593 = arith.constant 224 : i32
      %add3A_594 = arith.addi %add3A_592, %add3A_593 : i32
      %swap3A_595 = arith.index_cast %add3A_594 : i32 to index
      %swap3A_596 = tpu.vector_load %arg9[%swap3A_595] {strides = array<i32>} : memref<16384xf32, #tpu.memory_space<vmem>>, vector<16xf32>,
      tpu.vector_store %arg9[%swap3A_595], %broadcast_in_dim3A_24 {strides = array<i32>} : memref<16384xf32, #tpu.memory_space<vmem>>, vector<16xf32>,
      %mul3A_597 = arith.constant 256 : i32
      %mul3A_598 = arith.muli %scan3A_477, %mul3A_597 : i32
      %add3A_599 = arith.constant 8192 : i32
      %add3A_600 = arith.addi %add3A_599, %mul3A_598 : i32
      %add3A_601 = arith.constant 240 : i32
      %add3A_602 = arith.addi %add3A_600, %add3A_601 : i32
      %swap3A_603 = arith.index_cast %add3A_602 : i32 to index
      %swap3A_604 = tpu.vector_load %arg9[%swap3A_603] {strides = array<i32>} : memref<16384xf32, #tpu.memory_space<vmem>>, vector<16xf32>,
      tpu.vector_store %arg9[%swap3A_603], %broadcast_in_dim3A_24 {strides = array<i32>} : memref<16384xf32, #tpu.memory_space<vmem>>, vector<16xf32>,
      %mul3A_605 = arith.constant 256 : i32
      %mul3A_606 = arith.muli %scan3A_477, %mul3A_605 : i32
      %add3A_607 = arith.constant 8192 : i32
      %add3A_608 = arith.addi %add3A_607, %mul3A_606 : i32
      %broadcast_in_dim3A_609 = vector.broadcast %add3A_608 : i32 to vector<16xi32>
      %mul3A_610 = arith.constant 128 : i32
      %mul3A_611 = arith.muli %scan3A_477, %mul3A_610 : i32
      %add3A_612 = arith.constant 4096 : i32
      %add3A_613 = arith.addi %add3A_612, %mul3A_611 : i32
      %add3A_614 = arith.constant 0 : i32
      %add3A_615 = arith.addi %add3A_613, %add3A_614 : i32
      %get3A = arith.index_cast %add3A_615 : i32 to index
      %get3A_616 = tpu.vector_load %arg8[%get3A] {strides = array<i32>} : memref<8192xi32, #tpu.memory_space<vmem>>, vector<16xi32>,
      %add3A_617 = arith.addi %broadcast_in_dim3A_609, %get3A_616 : vector<16xi32>
      tpu.vector_store_idx %arg9[%add3A_617], %broadcast_in_dim3A_26 {add = true} : memref<16384xf32, #tpu.memory_space<vmem>>[vector<16xi32>], vector<16xf32>,
      %mul3A_618 = arith.constant 128 : i32
      %mul3A_619 = arith.muli %scan3A_477, %mul3A_618 : i32
      %add3A_620 = arith.constant 4096 : i32
      %add3A_621 = arith.addi %add3A_620, %mul3A_619 : i32
      %add3A_622 = arith.constant 16 : i32
      %add3A_623 = arith.addi %add3A_621, %add3A_622 : i32
      %get3A_624 = arith.index_cast %add3A_623 : i32 to index
      %get3A_625 = tpu.vector_load %arg8[%get3A_624] {strides = array<i32>} : memref<8192xi32, #tpu.memory_space<vmem>>, vector<16xi32>,
      %add3A_626 = arith.addi %broadcast_in_dim3A_609, %get3A_625 : vector<16xi32>
      tpu.vector_store_idx %arg9[%add3A_626], %broadcast_in_dim3A_26 {add = true} : memref<16384xf32, #tpu.memory_space<vmem>>[vector<16xi32>], vector<16xf32>,
      %mul3A_627 = arith.constant 128 : i32
      %mul3A_628 = arith.muli %scan3A_477, %mul3A_627 : i32
      %add3A_629 = arith.constant 4096 : i32
      %add3A_630 = arith.addi %add3A_629, %mul3A_628 : i32
      %add3A_631 = arith.constant 32 : i32
      %add3A_632 = arith.addi %add3A_630, %add3A_631 : i32
      %get3A_633 = arith.index_cast %add3A_632 : i32 to index
      %get3A_634 = tpu.vector_load %arg8[%get3A_633] {strides = array<i32>} : memref<8192xi32, #tpu.memory_space<vmem>>, vector<16xi32>,
      %add3A_635 = arith.addi %broadcast_in_dim3A_609, %get3A_634 : vector<16xi32>
      tpu.vector_store_idx %arg9[%add3A_635], %broadcast_in_dim3A_26 {add = true} : memref<16384xf32, #tpu.memory_space<vmem>>[vector<16xi32>], vector<16xf32>,
      %mul3A_636 = arith.constant 128 : i32
      %mul3A_637 = arith.muli %scan3A_477, %mul3A_636 : i32
      %add3A_638 = arith.constant 4096 : i32
      %add3A_639 = arith.addi %add3A_638, %mul3A_637 : i32
      %add3A_640 = arith.constant 48 : i32
      %add3A_641 = arith.addi %add3A_639, %add3A_640 : i32
      %get3A_642 = arith.index_cast %add3A_641 : i32 to index
      %get3A_643 = tpu.vector_load %arg8[%get3A_642] {strides = array<i32>} : memref<8192xi32, #tpu.memory_space<vmem>>, vector<16xi32>,
      %add3A_644 = arith.addi %broadcast_in_dim3A_609, %get3A_643 : vector<16xi32>
      tpu.vector_store_idx %arg9[%add3A_644], %broadcast_in_dim3A_26 {add = true} : memref<16384xf32, #tpu.memory_space<vmem>>[vector<16xi32>], vector<16xf32>,
      %mul3A_645 = arith.constant 128 : i32
      %mul3A_646 = arith.muli %scan3A_477, %mul3A_645 : i32
      %add3A_647 = arith.constant 4096 : i32
      %add3A_648 = arith.addi %add3A_647, %mul3A_646 : i32
      %add3A_649 = arith.constant 64 : i32
      %add3A_650 = arith.addi %add3A_648, %add3A_649 : i32
      %get3A_651 = arith.index_cast %add3A_650 : i32 to index
      %get3A_652 = tpu.vector_load %arg8[%get3A_651] {strides = array<i32>} : memref<8192xi32, #tpu.memory_space<vmem>>, vector<16xi32>,
      %add3A_653 = arith.addi %broadcast_in_dim3A_609, %get3A_652 : vector<16xi32>
      tpu.vector_store_idx %arg9[%add3A_653], %broadcast_in_dim3A_26 {add = true} : memref<16384xf32, #tpu.memory_space<vmem>>[vector<16xi32>], vector<16xf32>,
      %mul3A_654 = arith.constant 128 : i32
      %mul3A_655 = arith.muli %scan3A_477, %mul3A_654 : i32
      %add3A_656 = arith.constant 4096 : i32
      %add3A_657 = arith.addi %add3A_656, %mul3A_655 : i32
      %add3A_658 = arith.constant 80 : i32
      %add3A_659 = arith.addi %add3A_657, %add3A_658 : i32
      %get3A_660 = arith.index_cast %add3A_659 : i32 to index
      %get3A_661 = tpu.vector_load %arg8[%get3A_660] {strides = array<i32>} : memref<8192xi32, #tpu.memory_space<vmem>>, vector<16xi32>,
      %add3A_662 = arith.addi %broadcast_in_dim3A_609, %get3A_661 : vector<16xi32>
      tpu.vector_store_idx %arg9[%add3A_662], %broadcast_in_dim3A_26 {add = true} : memref<16384xf32, #tpu.memory_space<vmem>>[vector<16xi32>], vector<16xf32>,
      %mul3A_663 = arith.constant 128 : i32
      %mul3A_664 = arith.muli %scan3A_477, %mul3A_663 : i32
      %add3A_665 = arith.constant 4096 : i32
      %add3A_666 = arith.addi %add3A_665, %mul3A_664 : i32
      %add3A_667 = arith.constant 96 : i32
      %add3A_668 = arith.addi %add3A_666, %add3A_667 : i32
      %get3A_669 = arith.index_cast %add3A_668 : i32 to index
      %get3A_670 = tpu.vector_load %arg8[%get3A_669] {strides = array<i32>} : memref<8192xi32, #tpu.memory_space<vmem>>, vector<16xi32>,
      %add3A_671 = arith.addi %broadcast_in_dim3A_609, %get3A_670 : vector<16xi32>
      tpu.vector_store_idx %arg9[%add3A_671], %broadcast_in_dim3A_26 {add = true} : memref<16384xf32, #tpu.memory_space<vmem>>[vector<16xi32>], vector<16xf32>,
      %mul3A_672 = arith.constant 128 : i32
      %mul3A_673 = arith.muli %scan3A_477, %mul3A_672 : i32
      %add3A_674 = arith.constant 4096 : i32
      %add3A_675 = arith.addi %add3A_674, %mul3A_673 : i32
      %add3A_676 = arith.constant 112 : i32
      %add3A_677 = arith.addi %add3A_675, %add3A_676 : i32
      %get3A_678 = arith.index_cast %add3A_677 : i32 to index
      %get3A_679 = tpu.vector_load %arg8[%get3A_678] {strides = array<i32>} : memref<8192xi32, #tpu.memory_space<vmem>>, vector<16xi32>,
      %add3A_680 = arith.addi %broadcast_in_dim3A_609, %get3A_679 : vector<16xi32>
      tpu.vector_store_idx %arg9[%add3A_680], %broadcast_in_dim3A_26 {add = true} : memref<16384xf32, #tpu.memory_space<vmem>>[vector<16xi32>], vector<16xf32>,
    }
    %scan3A_412 = arith.constant 32 : i32
    %add3A_413 = arith.constant 224 : i32
    %add3A_414 = arith.addi %mul3A_2, %add3A_413 : i32
    %mul3A_415 = arith.constant 256 : i32
    %mul3A_416 = arith.muli %add3A_414, %mul3A_415 : i32
    %dma_start3A_417 = arith.constant 8192 : i32
    %dma_start3A_418 = tpu.memref_slice %arg9[%dma_start3A_417] : memref<16384xf32, #tpu.memory_space<vmem>> -> memref<8192xf32, #tpu.memory_space<vmem>>
    %dma_start3A_419 = tpu.memref_slice %arg5[%mul3A_416] : memref<2097152xf32, #tpu.memory_space<hbm>> -> memref<8192xf32, #tpu.memory_space<hbm>>
    %dma_start3A_420 = tpu.memref_slice %arg5[%mul3A_416] : memref<2097152xf32, #tpu.memory_space<hbm>> -> memref<8192xf32, #tpu.memory_space<hbm>>
    %dma_start3A_421 = arith.constant 8192 : i32
    %dma_start3A_422 = tpu.memref_slice %arg9[%dma_start3A_421] : memref<16384xf32, #tpu.memory_space<vmem>> -> memref<8192xf32, #tpu.memory_space<vmem>>
    tpu.enqueue_dma source(%dma_start3A_422 : memref<8192xf32, #tpu.memory_space<vmem>>) target(%dma_start3A_420 : memref<8192xf32, #tpu.memory_space<hbm>>) target_semaphore(%arg13 : memref<!tpu.dma_semaphore, #tpu.memory_space<semaphore_mem>>)
    %dma_wait3A_423 = arith.constant 0 : i32
    %dma_wait3A_424 = tpu.memref_slice %arg9[%dma_wait3A_423] : memref<16384xf32, #tpu.memory_space<vmem>> -> memref<8192xf32, #tpu.memory_space<vmem>>
    %dma_wait3A_425 = tpu.memref_slice %arg5[%mul3A_388] : memref<2097152xf32, #tpu.memory_space<hbm>> -> memref<8192xf32, #tpu.memory_space<hbm>>
    %dma_wait3A_426 = tpu.memref_slice %arg5[%mul3A_388] : memref<2097152xf32, #tpu.memory_space<hbm>> -> memref<8192xf32, #tpu.memory_space<hbm>>
    %dma_wait3A_427 = arith.constant 0 : i32
    %dma_wait3A_428 = tpu.memref_slice %arg9[%dma_wait3A_427] : memref<16384xf32, #tpu.memory_space<vmem>> -> memref<8192xf32, #tpu.memory_space<vmem>>
    tpu.wait_dma2 semaphore(%arg13 : memref<!tpu.dma_semaphore, #tpu.memory_space<semaphore_mem>>) src(%dma_wait3A_428 : memref<8192xf32, #tpu.memory_space<vmem>>) dst(%dma_wait3A_426 : memref<8192xf32, #tpu.memory_space<hbm>>)
    %dma_wait3A_429 = arith.constant 8192 : i32
    %dma_wait3A_430 = tpu.memref_slice %arg9[%dma_wait3A_429] : memref<16384xf32, #tpu.memory_space<vmem>> -> memref<8192xf32, #tpu.memory_space<vmem>>
    %dma_wait3A_431 = tpu.memref_slice %arg5[%mul3A_416] : memref<2097152xf32, #tpu.memory_space<hbm>> -> memref<8192xf32, #tpu.memory_space<hbm>>
    %dma_wait3A_432 = tpu.memref_slice %arg5[%mul3A_416] : memref<2097152xf32, #tpu.memory_space<hbm>> -> memref<8192xf32, #tpu.memory_space<hbm>>
    %dma_wait3A_433 = arith.constant 8192 : i32
    %dma_wait3A_434 = tpu.memref_slice %arg9[%dma_wait3A_433] : memref<16384xf32, #tpu.memory_space<vmem>> -> memref<8192xf32, #tpu.memory_space<vmem>>
    tpu.wait_dma2 semaphore(%arg13 : memref<!tpu.dma_semaphore, #tpu.memory_space<semaphore_mem>>) src(%dma_wait3A_434 : memref<8192xf32, #tpu.memory_space<vmem>>) dst(%dma_wait3A_432 : memref<8192xf32, #tpu.memory_space<hbm>>)
    %dma_wait3A_435 = arith.constant 3 : i32
    %dma_wait3A_436 = arith.constant 64 : i32
    %dma_wait3A_437 = arith.constant 0 : i32
    %dma_wait3A_438 = tpu.memref_slice %arg10[%dma_wait3A_436, %dma_wait3A_437] : memref<128x128xf32, #tpu.memory_space<vmem>> -> memref<64x128xf32, #tpu.memory_space<vmem>>
    %dma_wait3A_439 = arith.constant 0 : i32
    %dma_wait3A_440 = tpu.memref_slice %arg7[%dma_wait3A_435, %dma_wait3A_439] : memref<4x64xi32, #tpu.memory_space<vmem>> -> memref<1x64xi32, #tpu.memory_space<vmem>>
    %dma_wait3A_441 = tpu.memref_squeeze %dma_wait3A_440 : memref<1x64xi32, #tpu.memory_space<vmem>> -> memref<64xi32, #tpu.memory_space<vmem>>
    %dma_wait3A_442 = arith.constant 0 : i32
    %dma_wait3A_443 = arith.constant 0 : i32
    %dma_wait3A_444 = tpu.memref_slice %arg4[%dma_wait3A_442, %dma_wait3A_443] : memref<2000x128xf32, #tpu.memory_space<hbm>> -> memref<2000x128xf32, #tpu.memory_space<hbm>>
    tpu.wait_indirect_dma semaphore(%arg11 : memref<!tpu.dma_semaphore, #tpu.memory_space<semaphore_mem>>) src(%dma_wait3A_444 : memref<2000x128xf32, #tpu.memory_space<hbm>>) dst(%dma_wait3A_438 : memref<64x128xf32, #tpu.memory_space<vmem>>)
    %add3A_445 = arith.constant 192 : i32
    %add3A_446 = arith.addi %mul3A_2, %add3A_445 : i32
    %dma_start3A_447 = arith.constant 64 : i32
    %dma_start3A_448 = arith.constant 0 : i32
    %dma_start3A_449 = tpu.memref_slice %arg10[%dma_start3A_447, %dma_start3A_448] : memref<128x128xf32, #tpu.memory_space<vmem>> -> memref<64x128xf32, #tpu.memory_space<vmem>>
    %dma_start3A_450 = arith.constant 0 : i32
    %dma_start3A_451 = tpu.memref_slice %arg6[%add3A_446, %dma_start3A_450] : memref<8192x128xf32, #tpu.memory_space<hbm>> -> memref<64x128xf32, #tpu.memory_space<hbm>>
    %dma_start3A_452 = arith.constant 0 : i32
    %dma_start3A_453 = tpu.memref_slice %arg6[%add3A_446, %dma_start3A_452] : memref<8192x128xf32, #tpu.memory_space<hbm>> -> memref<64x128xf32, #tpu.memory_space<hbm>>
    %dma_start3A_454 = arith.constant 64 : i32
    %dma_start3A_455 = arith.constant 0 : i32
    %dma_start3A_456 = tpu.memref_slice %arg10[%dma_start3A_454, %dma_start3A_455] : memref<128x128xf32, #tpu.memory_space<vmem>> -> memref<64x128xf32, #tpu.memory_space<vmem>>
    tpu.enqueue_dma source(%dma_start3A_456 : memref<64x128xf32, #tpu.memory_space<vmem>>) target(%dma_start3A_453 : memref<64x128xf32, #tpu.memory_space<hbm>>) target_semaphore(%arg14 : memref<!tpu.dma_semaphore, #tpu.memory_space<semaphore_mem>>)
    %dma_wait3A_457 = arith.constant 0 : i32
    %dma_wait3A_458 = arith.constant 0 : i32
    %dma_wait3A_459 = tpu.memref_slice %arg10[%dma_wait3A_457, %dma_wait3A_458] : memref<128x128xf32, #tpu.memory_space<vmem>> -> memref<64x128xf32, #tpu.memory_space<vmem>>
    %dma_wait3A_460 = arith.constant 0 : i32
    %dma_wait3A_461 = tpu.memref_slice %arg6[%add3A_368, %dma_wait3A_460] : memref<8192x128xf32, #tpu.memory_space<hbm>> -> memref<64x128xf32, #tpu.memory_space<hbm>>
    %dma_wait3A_462 = arith.constant 0 : i32
    %dma_wait3A_463 = tpu.memref_slice %arg6[%add3A_368, %dma_wait3A_462] : memref<8192x128xf32, #tpu.memory_space<hbm>> -> memref<64x128xf32, #tpu.memory_space<hbm>>
    %dma_wait3A_464 = arith.constant 0 : i32
    %dma_wait3A_465 = arith.constant 0 : i32
    %dma_wait3A_466 = tpu.memref_slice %arg10[%dma_wait3A_464, %dma_wait3A_465] : memref<128x128xf32, #tpu.memory_space<vmem>> -> memref<64x128xf32, #tpu.memory_space<vmem>>
    tpu.wait_dma2 semaphore(%arg14 : memref<!tpu.dma_semaphore, #tpu.memory_space<semaphore_mem>>) src(%dma_wait3A_466 : memref<64x128xf32, #tpu.memory_space<vmem>>) dst(%dma_wait3A_463 : memref<64x128xf32, #tpu.memory_space<hbm>>)
    %dma_wait3A_467 = arith.constant 64 : i32
    %dma_wait3A_468 = arith.constant 0 : i32
    %dma_wait3A_469 = tpu.memref_slice %arg10[%dma_wait3A_467, %dma_wait3A_468] : memref<128x128xf32, #tpu.memory_space<vmem>> -> memref<64x128xf32, #tpu.memory_space<vmem>>
    %dma_wait3A_470 = arith.constant 0 : i32
    %dma_wait3A_471 = tpu.memref_slice %arg6[%add3A_446, %dma_wait3A_470] : memref<8192x128xf32, #tpu.memory_space<hbm>> -> memref<64x128xf32, #tpu.memory_space<hbm>>
    %dma_wait3A_472 = arith.constant 0 : i32
    %dma_wait3A_473 = tpu.memref_slice %arg6[%add3A_446, %dma_wait3A_472] : memref<8192x128xf32, #tpu.memory_space<hbm>> -> memref<64x128xf32, #tpu.memory_space<hbm>>
    %dma_wait3A_474 = arith.constant 64 : i32
    %dma_wait3A_475 = arith.constant 0 : i32
    %dma_wait3A_476 = tpu.memref_slice %arg10[%dma_wait3A_474, %dma_wait3A_475] : memref<128x128xf32, #tpu.memory_space<vmem>> -> memref<64x128xf32, #tpu.memory_space<vmem>>
    tpu.wait_dma2 semaphore(%arg14 : memref<!tpu.dma_semaphore, #tpu.memory_space<semaphore_mem>>) src(%dma_wait3A_476 : memref<64x128xf32, #tpu.memory_space<vmem>>) dst(%dma_wait3A_473 : memref<64x128xf32, #tpu.memory_space<hbm>>)
    return
  }
}

module attributes {stable_mosaic.version = 14 : i64} {
  func.func @_tc_body(%arg0: i32, %arg1: memref<1024x256xf32, #tpu.memory_space<vmem>>, %arg2: memref<1024x128xf32, #tpu.memory_space<vmem>>, %arg3: memref<256x128xf32, #tpu.memory_space<vmem>>, %arg4: memref<128x2000xf32, #tpu.memory_space<vmem>>, %arg5: memref<1x2000xf32, #tpu.memory_space<vmem>>, %arg6: memref<8x16xi32, #tpu.memory_space<vmem>>, %arg7: memref<8x1x1024xf32, #tpu.memory_space<vmem>>, %arg8: memref<1x1xf32, #tpu.memory_space<vmem>>, %arg9: memref<8x1024xf32, #tpu.memory_space<vmem>>, %arg10: memref<1x128xf32, #tpu.memory_space<vmem>>) attributes {dimension_semantics = [#tpu.dimension_semantics<arbitrary>], iteration_bounds = array<i64: 8>, scalar_prefetch = 0 : i64, scratch_operands = 2 : i64, tpu.core_type = #tpu.core_type<tc>, window_params = [{transform_indices = @transform_0, window_bounds = array<i64: 1024, 256>}, {transform_indices = @transform_1, window_bounds = array<i64: 1024, 128>}, {pipeline_mode = #tpu.pipeline_mode<synchronous>, transform_indices = @transform_2, window_bounds = array<i64: 256, 128>}, {pipeline_mode = #tpu.pipeline_mode<synchronous>, transform_indices = @transform_3, window_bounds = array<i64: 128, 2000>}, {pipeline_mode = #tpu.pipeline_mode<synchronous>, transform_indices = @transform_4, window_bounds = array<i64: 1, 2000>}, {pipeline_mode = #tpu.pipeline_mode<synchronous>, transform_indices = @transform_5, window_bounds = array<i64: 8, 16>}, {pipeline_mode = #tpu.pipeline_mode<synchronous>, transform_indices = @transform_6, window_bounds = array<i64: 8, 1, 1024>}, {pipeline_mode = #tpu.pipeline_mode<synchronous>, transform_indices = @transform_7, window_bounds = array<i64: 1, 1>}]} {
    %eq3A = arith.constant 0 : i32
    %eq3A_0 = arith.cmpi eq, %arg0, %eq3A : i32
    %convert_element_type3A = arith.extui %eq3A_0 : i1 to i32
    %cond3A = arith.constant 0 : i32
    %cond3A_1 = arith.cmpi ne, %convert_element_type3A, %cond3A : i32
    scf.if %cond3A_1 {
      %get3A_76 = arith.constant 0 : index
      %get3A_77 = arith.constant 0 : index
      %get3A_78 = arith.constant 0 : index
      %get3A_79 = vector.load %arg7[%get3A_76, %get3A_77, %get3A_78] : memref<8x1x1024xf32, #tpu.memory_space<vmem>>, vector<8x1x1024xf32>
      %reshape3A = vector.shape_cast %get3A_79 : vector<8x1x1024xf32> to vector<8x1024xf32>
      %iota3A_80 = tpu.iota {dimensions = array<i32: 0>} : vector<1024x1024xi32>
      %iota3A_81 = tpu.iota {dimensions = array<i32: 1>} : vector<1024x1024xi32>
      %ge3A = arith.cmpi sge, %iota3A_80, %iota3A_81 : vector<1024x1024xi32>
      %convert_element_type3A_82 = arith.extui %ge3A : vector<1024x1024xi1> to vector<1024x1024xi32>
      %convert_element_type3A_83 = arith.sitofp %convert_element_type3A_82 : vector<1024x1024xi32> to vector<1024x1024xf32>
      %dot_general3A_84 = arith.constant dense<0.000000e+00> : vector<8x1024xf32>
      %dot_general3A_85 = tpu.matmul %reshape3A, %convert_element_type3A_83, %dot_general3A_84 {dimension_numbers = #tpu.dot_dimension_numbers<[1], [0], [0], [1], [0, 0, 1, 1], [], []>, precision = #tpu.contract_precision<fp32>, transpose_lhs_hint = false} : vector<8x1024xf32>, vector<1024x1024xf32>, vector<8x1024xf32> -> vector<8x1024xf32>
      %swap3A_86 = arith.constant 0 : index
      %swap3A_87 = arith.constant 0 : index
      %swap3A_88 = vector.load %arg9[%swap3A_86, %swap3A_87] : memref<8x1024xf32, #tpu.memory_space<vmem>>, vector<8x1024xf32>
      tpu.vector_store %arg9[%swap3A_86, %swap3A_87], %dot_general3A_85 {strides = array<i32>} : memref<8x1024xf32, #tpu.memory_space<vmem>>, vector<8x1024xf32>,
      %broadcast_in_dim3A_89 = arith.constant 0.000000e+00 : f32
      %broadcast_in_dim3A_90 = vector.broadcast %broadcast_in_dim3A_89 : f32 to vector<1x1xf32>
      %swap3A_91 = arith.constant 0 : index
      %swap3A_92 = arith.constant 0 : index
      %swap3A_93 = vector.load %arg8[%swap3A_91, %swap3A_92] : memref<1x1xf32, #tpu.memory_space<vmem>>, vector<1x1xf32>
      tpu.vector_store %arg8[%swap3A_91, %swap3A_92], %broadcast_in_dim3A_90 {strides = array<i32>} : memref<1x1xf32, #tpu.memory_space<vmem>>, vector<1x1xf32>,
      %get3A_94 = arith.constant 0 : index
      %get3A_95 = arith.constant 0 : index
      %get3A_96 = vector.load %arg6[%get3A_94, %get3A_95] : memref<8x16xi32, #tpu.memory_space<vmem>>, vector<8x16xi32>
      %iota3A_97 = tpu.iota {dimensions = array<i32: 2>} : vector<8x16x256xi32>
      %broadcast_in_dim3A_98 = vector.shape_cast %get3A_96 : vector<8x16xi32> to vector<8x16x1xi32>
      %eq3A_99 = vector.broadcast %broadcast_in_dim3A_98 : vector<8x16x1xi32> to vector<8x16x256xi32>
      %eq3A_100 = arith.cmpi eq, %eq3A_99, %iota3A_97 : vector<8x16x256xi32>
      %convert_element_type3A_101 = arith.extui %eq3A_100 : vector<8x16x256xi1> to vector<8x16x256xi32>
      %convert_element_type3A_102 = arith.sitofp %convert_element_type3A_101 : vector<8x16x256xi32> to vector<8x16x256xf32>
      %reduce_sum3A_103 = arith.constant dense<0.000000e+00> : vector<16x256xf32>
      %reduce_sum3A_104 = vector.multi_reduction <add>, %convert_element_type3A_102, %reduce_sum3A_103 [0] : vector<8x16x256xf32> to vector<16x256xf32>
      %reduce_sum3A_105 = arith.constant dense<0.000000e+00> : vector<256xf32>
      %reduce_sum3A_106 = vector.multi_reduction <add>, %reduce_sum3A_104, %reduce_sum3A_105 [0] : vector<16x256xf32> to vector<256xf32>
      %reshape3A_107 = vector.shape_cast %reduce_sum3A_106 : vector<256xf32> to vector<1x256xf32>
      %get3A_108 = arith.constant 0 : index
      %get3A_109 = arith.constant 0 : index
      %get3A_110 = vector.load %arg3[%get3A_108, %get3A_109] : memref<256x128xf32, #tpu.memory_space<vmem>>, vector<256x128xf32>
      %dot_general3A_111 = arith.constant dense<0.000000e+00> : vector<1x128xf32>
      %dot_general3A_112 = tpu.matmul %reshape3A_107, %get3A_110, %dot_general3A_111 {dimension_numbers = #tpu.dot_dimension_numbers<[1], [0], [0], [1], [0, 0, 1, 1], [], []>, transpose_lhs_hint = false} : vector<1x256xf32>, vector<256x128xf32>, vector<1x128xf32> -> vector<1x128xf32>
      %swap3A_113 = arith.constant 0 : index
      %swap3A_114 = arith.constant 0 : index
      %swap3A_115 = vector.load %arg10[%swap3A_113, %swap3A_114] : memref<1x128xf32, #tpu.memory_space<vmem>>, vector<1x128xf32>
      tpu.vector_store %arg10[%swap3A_113, %swap3A_114], %dot_general3A_112 {strides = array<i32>} : memref<1x128xf32, #tpu.memory_space<vmem>>, vector<1x128xf32>,
    } else {
    }
    %get3A = arith.constant 0 : index
    %get3A_2 = arith.constant 0 : index
    %get3A_3 = vector.load %arg1[%get3A, %get3A_2] : memref<1024x256xf32, #tpu.memory_space<vmem>>, vector<1024x256xf32>
    %get3A_4 = arith.constant 0 : index
    %get3A_5 = arith.constant 0 : index
    %get3A_6 = vector.load %arg3[%get3A_4, %get3A_5] : memref<256x128xf32, #tpu.memory_space<vmem>>, vector<256x128xf32>
    %dot_general3A = arith.constant dense<0.000000e+00> : vector<1024x128xf32>
    %dot_general3A_7 = tpu.matmul %get3A_3, %get3A_6, %dot_general3A {dimension_numbers = #tpu.dot_dimension_numbers<[1], [0], [0], [1], [0, 0, 1, 1], [], []>, transpose_lhs_hint = false} : vector<1024x256xf32>, vector<256x128xf32>, vector<1024x128xf32> -> vector<1024x128xf32>
    %get3A_8 = arith.constant 0 : index
    %get3A_9 = arith.constant 0 : index
    %get3A_10 = vector.load %arg10[%get3A_8, %get3A_9] : memref<1x128xf32, #tpu.memory_space<vmem>>, vector<1x128xf32>
    %sub3A = vector.broadcast %get3A_10 : vector<1x128xf32> to vector<1024x128xf32>
    %sub3A_11 = arith.subf %dot_general3A_7, %sub3A : vector<1024x128xf32>
    %mul3A = arith.constant 7.812500e-03 : f32
    %mul3A_12 = vector.broadcast %mul3A : f32 to vector<1024x128xf32>
    %mul3A_13 = arith.mulf %sub3A_11, %mul3A_12 : vector<1024x128xf32>
    %get3A_14 = arith.constant 0 : index
    %get3A_15 = arith.constant 0 : index
    %get3A_16 = vector.load %arg4[%get3A_14, %get3A_15] : memref<128x2000xf32, #tpu.memory_space<vmem>>, vector<128x2000xf32>
    %dot_general3A_17 = arith.constant dense<0.000000e+00> : vector<1024x2000xf32>
    %dot_general3A_18 = tpu.matmul %mul3A_13, %get3A_16, %dot_general3A_17 {dimension_numbers = #tpu.dot_dimension_numbers<[1], [0], [0], [1], [0, 0, 1, 1], [], []>, transpose_lhs_hint = false} : vector<1024x128xf32>, vector<128x2000xf32>, vector<1024x2000xf32> -> vector<1024x2000xf32>
    %get3A_19 = arith.constant 0 : index
    %get3A_20 = arith.constant 0 : index
    %get3A_21 = vector.load %arg5[%get3A_19, %get3A_20] : memref<1x2000xf32, #tpu.memory_space<vmem>>, vector<1x2000xf32>
    %add3A = vector.broadcast %get3A_21 : vector<1x2000xf32> to vector<1024x2000xf32>
    %add3A_22 = arith.addf %dot_general3A_18, %add3A : vector<1024x2000xf32>
    %reduce_max3A = arith.constant dense<0xFF800000> : vector<1024xf32>
    %reduce_max3A_23 = vector.multi_reduction <maximumf>, %add3A_22, %reduce_max3A [1] : vector<1024x2000xf32> to vector<1024xf32>
    %broadcast_in_dim3A = vector.shape_cast %reduce_max3A_23 : vector<1024xf32> to vector<1024x1xf32>
    %sub3A_24 = vector.broadcast %broadcast_in_dim3A : vector<1024x1xf32> to vector<1024x2000xf32>
    %sub3A_25 = arith.subf %add3A_22, %sub3A_24 : vector<1024x2000xf32>
    %exp3A = math.exp %sub3A_25 : vector<1024x2000xf32>
    %reduce_sum3A = arith.constant dense<0.000000e+00> : vector<1024xf32>
    %reduce_sum3A_26 = vector.multi_reduction <add>, %exp3A, %reduce_sum3A [1] : vector<1024x2000xf32> to vector<1024xf32>
    %broadcast_in_dim3A_27 = vector.shape_cast %reduce_sum3A_26 : vector<1024xf32> to vector<1024x1xf32>
    %log3A = math.log %broadcast_in_dim3A_27 : vector<1024x1xf32>
    %add3A_28 = arith.addf %broadcast_in_dim3A, %log3A : vector<1024x1xf32>
    %get3A_29 = arith.constant 0 : index
    %get3A_30 = arith.constant 0 : index
    %get3A_31 = vector.load %arg2[%get3A_29, %get3A_30] : memref<1024x128xf32, #tpu.memory_space<vmem>>, vector<1024x128xf32>
    %iota3A = tpu.iota {dimensions = array<i32: 1>} : vector<1024x128xi32>
    %eq3A_32 = arith.constant 64 : i32
    %eq3A_33 = vector.broadcast %eq3A_32 : i32 to vector<1024x128xi32>
    %eq3A_34 = arith.cmpi eq, %iota3A, %eq3A_33 : vector<1024x128xi32>
    %convert_element_type3A_35 = arith.extui %eq3A_34 : vector<1024x128xi1> to vector<1024x128xi32>
    %convert_element_type3A_36 = arith.sitofp %convert_element_type3A_35 : vector<1024x128xi32> to vector<1024x128xf32>
    %mul3A_37 = arith.mulf %mul3A_13, %get3A_31 : vector<1024x128xf32>
    %mul3A_38 = arith.mulf %convert_element_type3A_36, %get3A_31 : vector<1024x128xf32>
    %add3A_39 = arith.addf %mul3A_37, %mul3A_38 : vector<1024x128xf32>
    %reduce_sum3A_40 = arith.constant dense<0.000000e+00> : vector<1024xf32>
    %reduce_sum3A_41 = vector.multi_reduction <add>, %add3A_39, %reduce_sum3A_40 [1] : vector<1024x128xf32> to vector<1024xf32>
    %broadcast_in_dim3A_42 = vector.shape_cast %reduce_sum3A_41 : vector<1024xf32> to vector<1024x1xf32>
    %sub3A_43 = arith.subf %broadcast_in_dim3A_42, %add3A_28 : vector<1024x1xf32>
    %jit3A = arith.constant 1 : i32
    %div3A = arith.divsi %arg0, %jit3A : i32
    %sign3A = arith.constant 0 : i32
    %sign3A_44 = arith.cmpi sgt, %arg0, %sign3A : i32
    %sign3A_45 = arith.extui %sign3A_44 : i1 to i32
    %sign3A_46 = arith.constant 0 : i32
    %sign3A_47 = arith.cmpi slt, %arg0, %sign3A_46 : i32
    %sign3A_48 = arith.extui %sign3A_47 : i1 to i32
    %sign3A_49 = arith.subi %sign3A_45, %sign3A_48 : i32
    %sign3A_50 = arith.constant 0 : i32
    %sign3A_51 = arith.cmpi sgt, %jit3A, %sign3A_50 : i32
    %sign3A_52 = arith.extui %sign3A_51 : i1 to i32
    %sign3A_53 = arith.constant 0 : i32
    %sign3A_54 = arith.cmpi slt, %jit3A, %sign3A_53 : i32
    %sign3A_55 = arith.extui %sign3A_54 : i1 to i32
    %sign3A_56 = arith.subi %sign3A_52, %sign3A_55 : i32
    %ne3A = arith.cmpi ne, %sign3A_49, %sign3A_56 : i32
    %rem3A = arith.remsi %arg0, %jit3A : i32
    %ne3A_57 = arith.constant 0 : i32
    %ne3A_58 = arith.cmpi ne, %rem3A, %ne3A_57 : i32
    %and3A = arith.andi %ne3A, %ne3A_58 : i1
    %sub3A_59 = arith.constant 1 : i32
    %sub3A_60 = arith.subi %div3A, %sub3A_59 : i32
    %select_n3A = arith.select %and3A, %sub3A_60, %div3A : i32
    %rem3A_61 = arith.constant 1 : i32
    %rem3A_62 = arith.remsi %arg0, %rem3A_61 : i32
    %mul3A_63 = arith.constant 1024 : i32
    %mul3A_64 = arith.muli %rem3A_62, %mul3A_63 : i32
    %get3A_65 = arith.index_cast %select_n3A : i32 to index
    %get3A_66 = arith.index_cast %mul3A_64 : i32 to index
    %get3A_67 = vector.load %arg9[%get3A_65, %get3A_66] : memref<8x1024xf32, #tpu.memory_space<vmem>>, vector<1x1024xf32>
    %dot_general3A_68 = arith.constant dense<0.000000e+00> : vector<1x1xf32>
    %dot_general3A_69 = tpu.matmul %get3A_67, %sub3A_43, %dot_general3A_68 {dimension_numbers = #tpu.dot_dimension_numbers<[1], [0], [0], [1], [0, 0, 1, 1], [], []>, transpose_lhs_hint = false} : vector<1x1024xf32>, vector<1024x1xf32>, vector<1x1xf32> -> vector<1x1xf32>
    %get3A_70 = arith.constant 0 : index
    %get3A_71 = arith.constant 0 : index
    %get3A_72 = vector.load %arg8[%get3A_70, %get3A_71] : memref<1x1xf32, #tpu.memory_space<vmem>>, vector<1x1xf32>
    %sub3A_73 = arith.subf %get3A_72, %dot_general3A_69 : vector<1x1xf32>
    %swap3A = arith.constant 0 : index
    %swap3A_74 = arith.constant 0 : index
    %swap3A_75 = vector.load %arg8[%swap3A, %swap3A_74] : memref<1x1xf32, #tpu.memory_space<vmem>>, vector<1x1xf32>
    tpu.vector_store %arg8[%swap3A, %swap3A_74], %sub3A_73 {strides = array<i32>} : memref<1x1xf32, #tpu.memory_space<vmem>>, vector<1x1xf32>,
    return
  }
  func.func @transform_0(%arg0: i32) -> (i32, i32) {
    %c0_i32 = arith.constant 0 : i32
    %c0_i32_0 = arith.constant 0 : i32
    return %arg0, %c0_i32 : i32, i32
  }
  func.func @transform_1(%arg0: i32) -> (i32, i32) {
    %c0_i32 = arith.constant 0 : i32
    %c0_i32_0 = arith.constant 0 : i32
    return %arg0, %c0_i32 : i32, i32
  }
  func.func @transform_2(%arg0: i32) -> (i32, i32) {
    %c0_i32 = arith.constant 0 : i32
    %c0_i32_0 = arith.constant 0 : i32
    %c0_i32_1 = arith.constant 0 : i32
    return %c0_i32, %c0_i32_0 : i32, i32
  }
  func.func @transform_3(%arg0: i32) -> (i32, i32) {
    %c0_i32 = arith.constant 0 : i32
    %c0_i32_0 = arith.constant 0 : i32
    %c0_i32_1 = arith.constant 0 : i32
    return %c0_i32, %c0_i32_0 : i32, i32
  }
  func.func @transform_4(%arg0: i32) -> (i32, i32) {
    %c0_i32 = arith.constant 0 : i32
    %c0_i32_0 = arith.constant 0 : i32
    %c0_i32_1 = arith.constant 0 : i32
    return %c0_i32, %c0_i32_0 : i32, i32
  }
  func.func @transform_5(%arg0: i32) -> (i32, i32) {
    %c0_i32 = arith.constant 0 : i32
    %c0_i32_0 = arith.constant 0 : i32
    %c0_i32_1 = arith.constant 0 : i32
    return %c0_i32, %c0_i32_0 : i32, i32
  }
  func.func @transform_6(%arg0: i32) -> (i32, i32, i32) {
    %c0_i32 = arith.constant 0 : i32
    %c0_i32_0 = arith.constant 0 : i32
    %c0_i32_1 = arith.constant 0 : i32
    %c0_i32_2 = arith.constant 0 : i32
    return %c0_i32, %c0_i32_0, %c0_i32_1 : i32, i32, i32
  }
  func.func @transform_7(%arg0: i32) -> (i32, i32) {
    %c0_i32 = arith.constant 0 : i32
    %c0_i32_0 = arith.constant 0 : i32
    %c0_i32_1 = arith.constant 0 : i32
    return %c0_i32, %c0_i32_0 : i32, i32
  }
}

</mosaic_0001>

<sc_bundles>
// kernel: kernel.4.cloned.1.call-start
scs
__scs_entry_jumppad:
0x0: {  	(pc) =	sbr.rel $0x88, $3  }
0x1: {  	(tag) =	ssettag $0x0;
	lr =	simm.s32 $0x1  }
0x2: {  	[smem:$0x3F9A] =	sst lr;
	_ =	strace $0xD0000000  }
0x3: {  	_ = 	snop  }
0x4: {  	_ = 	snop  }
0x5: {  	_ = 	snop  }
0x6: {  	_ = 	snop  }
0x7: {  	_ = 	snop  }
__scs_overlays_trampoline_lowered:
0x8: {  	[smem:$0x3FA9] =	sst s0  }
0x9: {  	[smem:$0x3FAA] =	sst s1  }
0xa: {  	[smem:$0x3FAB] =	sst s2  }
0xb: {  	[smem:$0x3FAC] =	sst s3  }
0xc: {  	[smem:$0x3FAD] =	sst s4  }
0xd: {  	[smem:$0x3FAE] =	sst s5  }
0xe: {  	[smem:$0x3FAF] =	sst s6  }
0xf: {  	[smem:$0x3FB0] =	sst s7  }
0x10: {  	[smem:$0x3FB1] =	sst s8  }
0x11: {  	[smem:$0x3FB2] =	sst s9;
	s0 =	simm.s32 @!p0 $0x0  }
0x12: {  	s1 =	sld [smem:$0x3F98];
	s0 =	simm.s32 @p0 $0x1  }
0x13: {  	[smem:$0x3FB3] =	sst s0;
	s0 =	simm.s32 @!p1 $0x0  }
0x14: {  	s2 =	sld [smem:$0x3F97];
	s0 =	simm.s32 @p1 $0x1  }
0x15: {  	[smem:$0x3FB4] =	sst s0;
	s0 =	simm.s32 @!p2 $0x0  }
0x16: {  	s3 =	sld [smem:$0x3FDB];
	s0 =	simm.s32 @p2 $0x1  }
0x17: {  	s4 =	simm.s32 $0x1BF5;
	[smem:$0x3FB6] =	sst s0  }
0x18: {  	s0 =	sld [smem:$0x3F99];
	_ =	swait.ge [sflag:s4], $0x0  }
0x19: {  	s7 =	sld [smem:$0x3F9A]  }
0x1a: {  	s8 =	sadd.s32 $0xFFFFE003, lr  }
0x1b: {  	s9 =	sadd.s32 $0xFFFFFEF7, lr;
	s5 =	simm.s32 $0xFFFFFFFF;
	p2 =	slt.u32 s8, $0xFFFFF086  }
0x1c: {  	p1 =	slt.u32 s9, $0xF7A;
	s5 =	simm.s32 @!p2 $0x0  }
0x1d: {  	s5 =	simm.s32 @p1 $0x1;
	p0 =	seq.s32 s7, s2  }
0x1e: {  	s7 =	smul.u32 @!p0 $0xF7A, s2;
	p2 =	seq.s32 @!p0 s5, $0x0  }
0x1f: {  	s9 =	smul.u32 $0xF7A, s1;
	s8 =	simm.s32 @!p0 $0x1BF5;
	p2 =	por !p2, p0  }
0x20: {  	[sflag:s8] =	ssyncset.s32 @!p0 $0xFFFFF086;
	s6 =	sadd.s32 @!p0 s3, s7;
	s7 =	simm.s32 @!p0 $0x108  }
0x21: {  	s3 =	sadd.s32 s3, s9;
	s6 =	sadd.s32 @!p0 $0x88, s6;
	s7 =	simm.s32 @p2 $0x1082  }
0x22: {  	[simem:s7], [sflag:s8] =	dma.local @!p0 [hbm:s6], $0xF7A  }
0x23: {  	s9 =	sor.u32 $0xD0000000, s2;
	s6 =	simm.s32 $0x108;
	_ =	swait.ge @!p0 [sflag:s8], $0x0  }
0x24: {  	s3 =	sadd.s32 $0x88, s3;
	s6 =	simm.s32 @!p1 $0x1082;
	[sflag:s4] =	ssyncset.s32 $0xFFFFF086  }
0x25: {  	[simem:s6], [sflag:s4] =	dma.local [hbm:s3], $0xF7A  }
0x26: {  	[smem:$0x3F9A] =	sst s1;
	(tag) =	ssettag s2;
	_ =	strace s9  }
0x27: {  	s1 =	sld [smem:$0x3FAA]  }
0x28: {  	s2 =	sld [smem:$0x3FAB]  }
0x29: {  	s4 =	sld [smem:$0x3FAD]  }
0x2a: {  	p0 =	seq.s32 s5, $0x0;
	s5 =	sld [smem:$0x3FAE]  }
0x2b: {  	s6 =	sld [smem:$0x3FAF]  }
0x2c: {  	s7 =	sld [smem:$0x3FB0]  }
0x2d: {  	s3 =	simm.s32 $0x108;
	s8 =	sld [smem:$0x3FB1]  }
0x2e: {  	s3 =	simm.s32 @!p0 $0x1082;
	s9 =	sld [smem:$0x3FB2]  }
0x2f: {  	lr =	sadd.s32 s0, s3;
	s0 =	sld [smem:$0x3FA9]  }
0x30: {  	s3 =	sld [smem:$0x3FAC]  }
0x31: {  	[smem:$0x3FB5] =	sst s10  }
0x32: {  	s10 =	sld [smem:$0x3FB3];
	_ =	sdelay $0x3  }
0x33: {  	p0 =	seq.s32 s10, $0x1;
	s10 =	sld [smem:$0x3FB5];
	_ =	sdelay $0x3  }
0x34: {  	[smem:$0x3FB5] =	sst s10  }
0x35: {  	s10 =	sld [smem:$0x3FB4];
	_ =	sdelay $0x3  }
0x36: {  	p1 =	seq.s32 s10, $0x1;
	s10 =	sld [smem:$0x3FB5];
	_ =	sdelay $0x3  }
0x37: {  	[smem:$0x3FB5] =	sst s10  }
0x38: {  	s10 =	sld [smem:$0x3FB6]  }
0x39: {  	_ = 	snop;
	(pc) =	sbr.ind lr, $3  }
0x3a: {  	_ = 	snop  }
0x3b: {  	_ = 	snop  }
0x3c: {  	p2 =	seq.s32 s10, $0x1;
	s10 =	sld [smem:$0x3FB5]  }
0x3d: {  	_ =	shalt  }
0x3e: {  	_ =	shalt  }
0x3f: {  	_ =	shalt  }
0x40: {  	_ =	shalt  }
0x41: {  	_ =	shalt  }
0x42: {  	_ =	shalt  }
0x43: {  	_ =	shalt  }
0x44: {  	_ =	shalt  }
0x45: {  	_ =	shalt  }
0x46: {  	_ =	shalt  }
0x47: {  	_ =	shalt  }
0x48: {  	_ =	shalt  }
0x49: {  	_ =	shalt  }
0x4a: {  	_ =	shalt  }
0x4b: {  	_ =	shalt  }
0x4c: {  	_ =	shalt  }
0x4d: {  	_ =	shalt  }
0x4e: {  	_ =	shalt  }
0x4f: {  	_ =	shalt  }
0x50: {  	_ =	shalt  }
0x51: {  	_ =	shalt  }
0x52: {  	_ =	shalt  }
0x53: {  	_ =	shalt  }
0x54: {  	_ =	shalt  }
0x55: {  	_ =	shalt  }
0x56: {  	_ =	shalt  }
0x57: {  	_ =	shalt  }
0x58: {  	_ =	shalt  }
0x59: {  	_ =	shalt  }
0x5a: {  	_ =	shalt  }
0x5b: {  	_ =	shalt  }
0x5c: {  	_ =	shalt  }
0x5d: {  	_ =	shalt  }
0x5e: {  	_ =	shalt  }
0x5f: {  	_ =	shalt  }
0x60: {  	_ =	shalt  }
0x61: {  	_ =	shalt  }
0x62: {  	_ =	shalt  }
0x63: {  	_ =	shalt  }
0x64: {  	_ =	shalt  }
0x65: {  	_ =	shalt  }
0x66: {  	_ =	shalt  }
0x67: {  	_ =	shalt  }
0x68: {  	_ =	shalt  }
0x69: {  	_ =	shalt  }
0x6a: {  	_ =	shalt  }
0x6b: {  	_ =	shalt  }
0x6c: {  	_ =	shalt  }
0x6d: {  	_ =	shalt  }
0x6e: {  	_ =	shalt  }
0x6f: {  	_ =	shalt  }
0x70: {  	_ =	shalt  }
0x71: {  	_ =	shalt  }
0x72: {  	_ =	shalt  }
0x73: {  	_ =	shalt  }
0x74: {  	_ =	shalt  }
0x75: {  	_ =	shalt  }
0x76: {  	_ =	shalt  }
0x77: {  	_ =	shalt  }
0x78: {  	_ =	shalt  }
0x79: {  	_ =	shalt  }
0x7a: {  	_ =	shalt  }
0x7b: {  	_ =	shalt  }
0x7c: {  	_ =	shalt  }
0x7d: {  	_ =	shalt  }
0x7e: {  	_ =	shalt  }
0x7f: {  	_ =	shalt  }
0x80: {  	_ =	shalt  }
0x81: {  	_ =	shalt  }
0x82: {  	_ =	shalt  }
0x83: {  	_ =	shalt  }
0x84: {  	_ =	shalt  }
0x85: {  	_ =	shalt  }
0x86: {  	_ =	shalt  }
0x87: {  	_ =	shalt  }
.Lfunc_end0:
.L_simem_size_0:
called_computation_lowered:
.L_overlay_start_0:
0x88: {  	s2 =	sld [smem:$0x3FD9]  }
0x89: {  	s3 =	sld [smem:$0x3FFE];
	_ =	sdelay $0x1  }
0x8a: {  	s1 =	srdreg.scid  }
0x8b: {  	s0 =	sand.u32 $0x1, s1  }
0x8c: {  	s16 =	sshll.u32 s0, $0xA;
	s2 =	sadd.s32 s3, s2  }
0x8d: {  	s2 =	sadd.s32 s2, s16  }
0x8e: {  	[smem:$0x3FC1] =	sst s2  }
0x8f: {  	_ = 	snop  }
0x90: {  	(tm) =	ssettm $0x1  }
0x91: {  	s17 =	sld [smem:$0x3FFB];
	_ =	sdelay $0x3  }
0x92: {  	_ =	strace s17  }
0x93: {  	s2 =	sld [smem:$0x3FFC];
	_ =	sdelay $0x3  }
0x94: {  	_ =	strace s2  }
0x95: {  	s2 =	sld [smem:$0x3FFD];
	_ =	sdelay $0x3  }
0x96: {  	_ =	strace s2  }
0x97: {  	_ =	strace $0x8FFFFFFF  }
0x98: {  	s18 =	sld [smem:$0x3FDB];
	_ =	sdelay $0x1  }
0x99: {  	s19 =	simm.s32 $_scs_section_size  }
0x9a: {  	s4 =	simm.s32 $_size__tile_overlayer_lowered;
	s5 =	simm.s32 $_tile_overlayer_lowered  }
0x9b: {  	s22 =	simm.s32 $0x1BFF;
	s21 =	sshll.u32 s5, $0x1;
	s2 =	sadd.s32 s19, s18  }
0x9c: {  	s6 =	simm.s32 $0x0;
	s20 =	sshll.u32 s4, $0x1;
	s4 =	sadd.s32 s21, s2  }
0x9d: {  	[timem:s6], [sflag:s22] =	dma.local [hbm:s4], s20  }
0x9e: {  	_ =	swait.ge [sflag:s22], s20  }
0x9f: {  	s3 =	ssub.s32 $0x0, s20;
	[sflag:s22] =	ssyncset.done $0x0  }
0xa0: {  	[sflag:s22] =	ssyncadd.s32 s3;
	_ =	sdelay $0x1  }
0xa1: {  	s23 =	simm.s32 $0x1B8B  }
0xa2: {  	_ =	swait.ge [sflag:s23], $0x1  }
0xa3: {  	[sflag:s23] =	ssyncset.done $0x0  }
0xa4: {  	s25 =	simm.s32 $0x1B8E;
	s24 =	sld [smem:$0x3FFE];
	[sflag:s23] =	ssyncadd.s32 $0xFFFFFFFF  }
0xa5: {  	s26 =	simm.s32 $execute0_lowered;
	[smem:$0x3FD2] =	sst s25  }
0xa6: {  	s4 =	sshll.u32 s26, $0x1;
	_ =	strace $0x80000046;
	[dreg:$0x1] =	wrdreg $0xFFFFFFFF  }
0xa7: {  	s28 =	simm.s32 $_size_execute0_lowered;
	s2 =	sadd.s32 s2, s4;
	[dreg:$0x0] =	wrdreg $0x0  }
0xa8: {  	s4 =	sshll.u32 s28, $0x1;
	[dreg:$0x2] =	wrdreg s2  }
0xa9: {  	[dreg:$0x3] =	wrdreg s4  }
0xaa: {  	[dreg:$0x4] =	wrdreg $0xC0  }
0xab: {  	_ =	task [dreg:s6], $0x5FFFF  }
0xac: {  	[dreg:$0x1] =	wrdreg $0xFFFFFFFF  }
0xad: {  	[dreg:$0x0] =	wrdreg $0x60  }
0xae: {  	[dreg:$0x2] =	wrdreg s24  }
0xaf: {  	[dreg:$0x3] =	wrdreg $0x9  }
0xb0: {  	_ =	task.clear_ibuf [dreg:s6], $0x4FFFF;
	_ =	strace $0x90000046  }
0xb1: {  	s29 =	simm.s32 $0x9;
	_ =	strace $0x80000048  }
0xb2: {  	_ =	swait.ge [sflag:s29], $0x1  }
0xb3: {  	[sflag:s29] =	ssyncadd.s32 $0xFFFFFFFF  }
0xb4: {  	_ =	strace $0x90000048  }
0xb5: {  	_ =	sfence  }
0xb6: {  	s30 =	sld [smem:$0x0];
	_ =	sdelay $0x2  }
0xb7: {  	s31 =	sshll.u32 s1, $0xD;
	s1 =	sshrl.u32 s1, $0x2  }
0xb8: {  	s3 =	sand.u32 $0x4000, s31;
	s1 =	sadd.s32 s1, s30  }
0xb9: {  	s0 =	sor.u32 s3, s0;
	s1 =	sshll.u32 s1, $0x11  }
0xba: {  	s0 =	sor.u32 s1, s0  }
0xbb: {  	s0 =	sadd.s32 $0x8F2B, s0  }
0xbc: {  	[sflag:s0] =	ssyncadd.remote.s32 $0x1  }
0xbd: {  	_ =	sfence.sel $0xFFFF  }
0xbe: {  	[dreg:$0x0] =	wrdreg $0xFFFFFFFF;
	(pc) =	sbr.abs _section_cstart, $3  }
0xbf: {  	[dreg:$0x1] =	wrdreg $0xFFFFFFFF  }
0xc0: {  	_ =	task.clear_ibuf [dreg:s6], $0x2FFFF;
	_ =	strace $0x9FFFFFFF  }
0xc1: {  	(tm) =	ssettm $0x7FFFFFFF  }
tec
execute0_lowered:
.L_overlay_start_1:
0x0: {  	(tag) =	ssettag $0x1  }
0x1: {  	s1 =	rddreg [dreg:$0x0]  }
0x2: {  	s0 =	simm.s32 $0x0;
	s2 =	srdreg.scid;
	s9 =	stileid.u32  }
0x3: {  	s28 =	simm.s32 $0x40;
	s29 =	simm.s32 $0x6200;
	s31 =	simm.s32 $0x8200  }
0x4: {  	s30 =	simm.s32 $0x1200;
	[smem:$0x7FF] =	sst s0;
	s2 =	sand.u32 $0x1, s2  }
0x5: {  	s3 =	sadd.s32 $0x101600, s1;
	s6 =	sshll.u32 s9, $0x1;
	s7 =	sadd.s32 $0x9C00, s1  }
0x6: {  	s9 =	sshll.u32 s9, $0x7;
	s4 =	sshll.u32 s2, $0x6;
	s5 =	ssub.s32 $0x2, s2  }
0x7: {  	s2 =	sor.u32 s2, s6;
	s6 =	sadd.s32 $0x49C00, s1;
	s4 =	sadd.s32 s4, s1  }
0x8: {  	s8 =	sshrl.u32 s5, $0x1;
	s25 =	sshll.u32 s2, $0x8;
	s10 =	sshll.u32 s2, $0xC  }
0x9: {  	s2 =	sshll.u32 s2, $0xD;
	s5 =	ssub.s32 s5, s8;
	s11 =	sor.u32 $0x20, s25  }
0xa: {  	s4 =	sadd.s32 s9, s4;
	s17 =	sadd.s32 s3, s10;
	s19 =	sor.u32 $0x40, s25  }
0xb: {  	s2 =	sadd.s32 s7, s2;
	s12 =	sor.u32 $0x60, s25;
	s10 =	sadd.s32 s6, s10  }
0xc: {  	s15 =	sor.u32 $0x80, s25;
	s22 =	sor.u32 $0xA0, s25;
	s23 =	sor.u32 $0xC0, s25  }
0xd: {  	s8 =	sor.u32 $0xE0, s25;
	[dreg:$0x2] =	wrdreg s17;
	s18 =	sshll.u32 s11, $0x4  }
0xe: {  	[dreg:$0x4] =	wrdreg s2;
	s20 =	sshll.u32 s19, $0x4;
	s11 =	sshll.u32 s11, $0x5  }
0xf: {  	s26 =	sshll.u32 s12, $0x4;
	[dreg:$0x8] =	wrdreg s10;
	s17 =	sshll.u32 s15, $0x4  }
0x10: {  	s21 =	sshll.u32 s12, $0x5;
	s16 =	sshll.u32 s22, $0x4;
	s12 =	sshll.u32 s22, $0x5  }
0x11: {  	s24 =	sshll.u32 s23, $0x5;
	s25 =	sshll.u32 s8, $0x4;
	s2 =	simm.s32 $0x2200  }
0x12: {  	s9 =	sadd.s32 s3, s18;
	s13 =	sadd.s32 s3, s20;
	s11 =	sadd.s32 s7, s11  }
0x13: {  	s14 =	sadd.s32 s3, s26;
	s12 =	sadd.s32 s7, s12;
	[dreg:$0x3] =	wrdreg s9  }
0x14: {  	s16 =	sadd.s32 s3, s16;
	s18 =	sadd.s32 s6, s20;
	[dreg:$0x5] =	wrdreg s13  }
0x15: {  	s26 =	sshll.u32 s23, $0x4;
	s23 =	sadd.s32 $0x1E00, s1;
	[dreg:$0x6] =	wrdreg s11  }
0x16: {  	s1 =	simm.s32 $0x2;
	[dreg:$0x7] =	wrdreg s14;
	s9 =	sshll.u32 s19, $0x5  }
0x17: {  	s11 =	sadd.s32 s7, s21;
	s14 =	sshll.u32 s8, $0x5;
	s13 =	sadd.s32 s7, s24  }
0x18: {  	s19 =	sadd.s32 s3, s25;
	s20 =	sadd.s32 s3, s26;
	s21 =	sadd.s32 s6, s17  }
0x19: {  	s22 =	sadd.s32 s6, s26;
	s24 =	sadd.s32 $0x1600, s4;
	s25 =	smax.u32 s5, $0x1  }
0x1a: {  	s26 =	simm.s32 $0x5;
	s4 =	simm.s32 $0x3;
	s5 =	simm.s32 $0x1  }
0x1b: {  	s6 =	simm.s32 $0x4;
	s9 =	sadd.s32 s7, s9;
	[dreg:$0xa] =	wrdreg s11  }
0x1c: {  	s14 =	sadd.s32 s7, s14;
	[dreg:$0x9] =	wrdreg s9;
	s9 =	sshll.u32 s15, $0x5  }
0x1d: {  	s15 =	sadd.s32 s3, s17;
	s17 =	simm.s32 $0x200;
	s3 =	simm.s32 $0x4200  }
0x1e: {  	v0 =	vimm.f32 $0.0e+00;
	v1 =	vimm.f32 $1.000000000e+00;
	s11 =	sadd.s32 s7, s9;
	_ =	strace $0x80000047;
	s7 =	simm.s32 $0x0  }
.LBB2_1:
0x1f: {  	[tilespmem:s0], [sflag:$0x5] =	stream.linear.gather [hbm4b:s24+s0], $0x200, $0x38;
	[tilespmem:$0xA200] =	vst v63  }
0x20: {  	_ =	swait.ge [sflag:s26], $0x200  }
0x21: {  	[sflag:s26] =	ssyncset.done $0x0  }
0x22: {  	[sflag:s26] =	ssyncadd.s32 $0xFFFFFE00  }
0x23: {  	[tilespmem:s29], [sflag:$0x1] =	stream.indirect.gather [hbm4b:s23+s28], $0x80, s0, s28, $0xb8;
	[tilespmem:$0xA200] =	vst v63  }
0x24: {  	s8 =	simm.s32 $0x80  }
0x25: {  	[tilespmem:s31], [sflag:$0x1] =	stream.indirect.gather [hbm4b:s23+s28], $0x80, s8, s28, $0xb8;
	[tilespmem:$0xA200] =	vst v63  }
0x26: {  	s9 =	rddreg [dreg:$0x2]  }
0x27: {  	[tilespmem:s17], [sflag:$0x2] =	stream.linear.gather [hbm4b:s9+s0], $0x1000, $0x38;
	[tilespmem:$0xA200] =	vst v63  }
0x28: {  	_ =	swait.ge [sflag:s1], $0x1000  }
0x29: {  	[sflag:s1] =	ssyncset.done $0x0  }
0x2a: {  	s10 =	rddreg [dreg:$0x3];
	[sflag:s1] =	ssyncadd.s32 $0xFFFFF000  }
0x2b: {  	[tilespmem:s30], [sflag:$0x2] =	stream.linear.gather [hbm4b:s10+s0], $0x1000, $0x38;
	[tilespmem:$0xA200] =	vst v63  }
0x2c: {  	s8 =	simm.s32 $0x2280;
	s9 =	simm.s32 $0x240;
	s10 =	simm.s32 $0x0  }
.LBB2_2:
0x2d: {  	[tilespmem:s8+$0xFFFFFF80] =	vst v0  }
0x2e: {  	[tilespmem:s8+$0xFFFFFF90] =	vst v0  }
0x2f: {  	[tilespmem:s8+$0xFFFFFFA0] =	vst v0  }
0x30: {  	[tilespmem:s8+$0xFFFFFFB0] =	vst v0  }
0x31: {  	[tilespmem:s8+$0xFFFFFFC0] =	vst v0  }
0x32: {  	[tilespmem:s8+$0xFFFFFFD0] =	vst v0  }
0x33: {  	[tilespmem:s8+$0xFFFFFFE0] =	vst v0  }
0x34: {  	[tilespmem:s8+$0xFFFFFFF0] =	vst v0  }
0x35: {  	[tilespmem:s8+$0x0] =	vst v0  }
0x36: {  	[tilespmem:s8+$0x10] =	vst v0  }
0x37: {  	[tilespmem:s8+$0x20] =	vst v0  }
0x38: {  	[tilespmem:s8+$0x30] =	vst v0  }
0x39: {  	[tilespmem:s8+$0x40] =	vst v0  }
0x3a: {  	[tilespmem:s8+$0x50] =	vst v0  }
0x3b: {  	[tilespmem:s8+$0x60] =	vst v0  }
0x3c: {  	[tilespmem:s8+$0x70] =	vst v0  }
0x3d: {  	v2 =	vld [tilespmem:s9+$0xFFFFFFC0];
	_ =	sdelay $0x4  }
0x3e: {  	v2 =	vadd.s32 s10, v2;
	_ =	sdelay $0x4  }
0x3f: {  	[tilespmem:v2+s2+$0x0] =	vst.idx.add.f32.msk $0xffff, v1  }
0x40: {  	v2 =	vld [tilespmem:s9+$0xFFFFFFD0];
	_ =	sdelay $0x4  }
0x41: {  	v2 =	vadd.s32 s10, v2;
	_ =	sdelay $0x4  }
0x42: {  	[tilespmem:v2+s2+$0x0] =	vst.idx.add.f32.msk $0xffff, v1  }
0x43: {  	v2 =	vld [tilespmem:s9+$0xFFFFFFE0];
	_ =	sdelay $0x4  }
0x44: {  	v2 =	vadd.s32 s10, v2;
	_ =	sdelay $0x4  }
0x45: {  	[tilespmem:v2+s2+$0x0] =	vst.idx.add.f32.msk $0xffff, v1  }
0x46: {  	v2 =	vld [tilespmem:s9+$0xFFFFFFF0];
	_ =	sdelay $0x4  }
0x47: {  	v2 =	vadd.s32 s10, v2;
	_ =	sdelay $0x4  }
0x48: {  	[tilespmem:v2+s2+$0x0] =	vst.idx.add.f32.msk $0xffff, v1  }
0x49: {  	v2 =	vld [tilespmem:s9+$0x0];
	_ =	sdelay $0x4  }
0x4a: {  	v2 =	vadd.s32 s10, v2;
	_ =	sdelay $0x4  }
0x4b: {  	[tilespmem:v2+s2+$0x0] =	vst.idx.add.f32.msk $0xffff, v1  }
0x4c: {  	v2 =	vld [tilespmem:s9+$0x10];
	_ =	sdelay $0x4  }
0x4d: {  	v2 =	vadd.s32 s10, v2;
	_ =	sdelay $0x4  }
0x4e: {  	[tilespmem:v2+s2+$0x0] =	vst.idx.add.f32.msk $0xffff, v1  }
0x4f: {  	v2 =	vld [tilespmem:s9+$0x20];
	_ =	sdelay $0x4  }
0x50: {  	v2 =	vadd.s32 s10, v2;
	_ =	sdelay $0x4  }
0x51: {  	[tilespmem:v2+s2+$0x0] =	vst.idx.add.f32.msk $0xffff, v1  }
0x52: {  	v2 =	vld [tilespmem:s9+$0x30];
	_ =	sdelay $0x4  }
0x53: {  	p0 =	sne.s32 s10, $0x1F00;
	v2 =	vadd.s32 s10, v2  }
.Ltmp0:
0x54: {  	_ = 	snop;
	(pc) =	sbr.rel @p0 .LBB2_2-.Ltmp0, $2  }
0x55: {  	_ =	sdelay $0x2  }
0x56: {  	s8 =	sadd.s32 $0x100, s8;
	s9 =	sadd.s32 $0x80, s9;
	s10 =	sadd.s32 $0x100, s10;
	[tilespmem:v2+s2+$0x0] =	vst.idx.add.f32.msk $0xffff, v1  }
0x57: {  	s8 =	rddreg [dreg:$0x4]  }
0x58: {  	[hbm4b:s8+s0] =	stream.linear.scatter [tilespmem:s2], [sflag:$0x3], $0x2000, $0x38;
	[tilespmem:$0xA200] =	vst v63  }
0x59: {  	_ =	swait.ge [sflag:s1], $0x1000  }
0x5a: {  	[sflag:s1] =	ssyncset.done $0x0  }
0x5b: {  	s10 =	rddreg [dreg:$0x5];
	[sflag:s1] =	ssyncadd.s32 $0xFFFFF000  }
0x5c: {  	[tilespmem:s17], [sflag:$0x2] =	stream.linear.gather [hbm4b:s10+s0], $0x1000, $0x38;
	[tilespmem:$0xA200] =	vst v63  }
0x5d: {  	s9 =	simm.s32 $0x1270;
	s8 =	simm.s32 $0x2000;
	s10 =	simm.s32 $0x42F0  }
.LBB2_4:
0x5e: {  	[tilespmem:s10+$0xFFFFFF10] =	vst v0  }
0x5f: {  	[tilespmem:s10+$0xFFFFFF20] =	vst v0  }
0x60: {  	[tilespmem:s10+$0xFFFFFF30] =	vst v0  }
0x61: {  	[tilespmem:s10+$0xFFFFFF40] =	vst v0  }
0x62: {  	[tilespmem:s10+$0xFFFFFF50] =	vst v0  }
0x63: {  	[tilespmem:s10+$0xFFFFFF60] =	vst v0  }
0x64: {  	[tilespmem:s10+$0xFFFFFF70] =	vst v0  }
0x65: {  	[tilespmem:s10+$0xFFFFFF80] =	vst v0  }
0x66: {  	[tilespmem:s10+$0xFFFFFF90] =	vst v0  }
0x67: {  	[tilespmem:s10+$0xFFFFFFA0] =	vst v0  }
0x68: {  	[tilespmem:s10+$0xFFFFFFB0] =	vst v0  }
0x69: {  	[tilespmem:s10+$0xFFFFFFC0] =	vst v0  }
0x6a: {  	[tilespmem:s10+$0xFFFFFFD0] =	vst v0  }
0x6b: {  	[tilespmem:s10+$0xFFFFFFE0] =	vst v0  }
0x6c: {  	[tilespmem:s10+$0xFFFFFFF0] =	vst v0  }
0x6d: {  	[tilespmem:s10+$0x0] =	vst v0  }
0x6e: {  	v2 =	vld [tilespmem:s9+$0xFFFFFF90];
	_ =	sdelay $0x4  }
0x6f: {  	v2 =	vadd.s32 s8, v2;
	_ =	sdelay $0x4  }
0x70: {  	[tilespmem:v2+s2+$0x0] =	vst.idx.add.f32.msk $0xffff, v1  }
0x71: {  	v2 =	vld [tilespmem:s9+$0xFFFFFFA0];
	_ =	sdelay $0x4  }
0x72: {  	v2 =	vadd.s32 s8, v2;
	_ =	sdelay $0x4  }
0x73: {  	[tilespmem:v2+s2+$0x0] =	vst.idx.add.f32.msk $0xffff, v1  }
0x74: {  	v2 =	vld [tilespmem:s9+$0xFFFFFFB0];
	_ =	sdelay $0x4  }
0x75: {  	v2 =	vadd.s32 s8, v2;
	_ =	sdelay $0x4  }
0x76: {  	[tilespmem:v2+s2+$0x0] =	vst.idx.add.f32.msk $0xffff, v1  }
0x77: {  	v2 =	vld [tilespmem:s9+$0xFFFFFFC0];
	_ =	sdelay $0x4  }
0x78: {  	v2 =	vadd.s32 s8, v2;
	_ =	sdelay $0x4  }
0x79: {  	[tilespmem:v2+s2+$0x0] =	vst.idx.add.f32.msk $0xffff, v1  }
0x7a: {  	v2 =	vld [tilespmem:s9+$0xFFFFFFD0];
	_ =	sdelay $0x4  }
0x7b: {  	v2 =	vadd.s32 s8, v2;
	_ =	sdelay $0x4  }
0x7c: {  	[tilespmem:v2+s2+$0x0] =	vst.idx.add.f32.msk $0xffff, v1  }
0x7d: {  	v2 =	vld [tilespmem:s9+$0xFFFFFFE0];
	_ =	sdelay $0x4  }
0x7e: {  	v2 =	vadd.s32 s8, v2;
	_ =	sdelay $0x4  }
0x7f: {  	[tilespmem:v2+s2+$0x0] =	vst.idx.add.f32.msk $0xffff, v1  }
0x80: {  	v2 =	vld [tilespmem:s9+$0xFFFFFFF0];
	_ =	sdelay $0x4  }
0x81: {  	v2 =	vadd.s32 s8, v2;
	_ =	sdelay $0x4  }
0x82: {  	[tilespmem:v2+s2+$0x0] =	vst.idx.add.f32.msk $0xffff, v1  }
0x83: {  	v2 =	vld [tilespmem:s9+$0x0];
	_ =	sdelay $0x4  }
0x84: {  	p0 =	sne.s32 s8, $0x3F00;
	v2 =	vadd.s32 s8, v2  }
.Ltmp1:
0x85: {  	_ = 	snop;
	(pc) =	sbr.rel @p0 .LBB2_4-.Ltmp1, $2  }
0x86: {  	_ =	sdelay $0x2  }
0x87: {  	s10 =	sadd.s32 $0x100, s10;
	s9 =	sadd.s32 $0x80, s9;
	s8 =	sadd.s32 $0x100, s8;
	[tilespmem:v2+s2+$0x0] =	vst.idx.add.f32.msk $0xffff, v1  }
0x88: {  	s8 =	simm.s32 $0x0;
	s9 =	rddreg [dreg:$0x6]  }
0x89: {  	[hbm4b:s9+s8] =	stream.linear.scatter [tilespmem:s3], [sflag:$0x3], $0x2000, $0x38;
	[tilespmem:$0xA200] =	vst v63  }
0x8a: {  	_ =	swait.ge [sflag:s1], $0x1000  }
0x8b: {  	[sflag:s1] =	ssyncset.done $0x0  }
0x8c: {  	s10 =	rddreg [dreg:$0x7];
	[sflag:s1] =	ssyncadd.s32 $0xFFFFF000  }
0x8d: {  	[tilespmem:s30], [sflag:$0x2] =	stream.linear.gather [hbm4b:s10+s8], $0x1000, $0x38;
	[tilespmem:$0xA200] =	vst v63  }
0x8e: {  	_ =	swait.ge [sflag:s4], $0x2000  }
0x8f: {  	[sflag:s4] =	ssyncset.done $0x0  }
0x90: {  	[sflag:s4] =	ssyncadd.s32 $0xFFFFE000  }
0x91: {  	_ =	swait.ge [sflag:s5], $0x2000  }
0x92: {  	[sflag:s5] =	ssyncset.done $0x0  }
0x93: {  	s10 =	rddreg [dreg:$0x8];
	[sflag:s5] =	ssyncadd.s32 $0xFFFFE000  }
0x94: {  	[hbm4b:s10+s8] =	stream.linear.scatter [tilespmem:s29], [sflag:$0x4], $0x2000, $0x38;
	[tilespmem:$0xA200] =	vst v63  }
0x95: {  	s9 =	simm.s32 $0x2280;
	s10 =	simm.s32 $0x240  }
.LBB2_6:
0x96: {  	[tilespmem:s9+$0xFFFFFF80] =	vst v0  }
0x97: {  	[tilespmem:s9+$0xFFFFFF90] =	vst v0  }
0x98: {  	[tilespmem:s9+$0xFFFFFFA0] =	vst v0  }
0x99: {  	[tilespmem:s9+$0xFFFFFFB0] =	vst v0  }
0x9a: {  	[tilespmem:s9+$0xFFFFFFC0] =	vst v0  }
0x9b: {  	[tilespmem:s9+$0xFFFFFFD0] =	vst v0  }
0x9c: {  	[tilespmem:s9+$0xFFFFFFE0] =	vst v0  }
0x9d: {  	[tilespmem:s9+$0xFFFFFFF0] =	vst v0  }
0x9e: {  	[tilespmem:s9+$0x0] =	vst v0  }
0x9f: {  	[tilespmem:s9+$0x10] =	vst v0  }
0xa0: {  	[tilespmem:s9+$0x20] =	vst v0  }
0xa1: {  	[tilespmem:s9+$0x30] =	vst v0  }
0xa2: {  	[tilespmem:s9+$0x40] =	vst v0  }
0xa3: {  	[tilespmem:s9+$0x50] =	vst v0  }
0xa4: {  	[tilespmem:s9+$0x60] =	vst v0  }
0xa5: {  	[tilespmem:s9+$0x70] =	vst v0  }
0xa6: {  	v2 =	vld [tilespmem:s10+$0xFFFFFFC0];
	_ =	sdelay $0x4  }
0xa7: {  	v2 =	vadd.s32 s8, v2;
	_ =	sdelay $0x4  }
0xa8: {  	[tilespmem:v2+s2+$0x0] =	vst.idx.add.f32.msk $0xffff, v1  }
0xa9: {  	v2 =	vld [tilespmem:s10+$0xFFFFFFD0];
	_ =	sdelay $0x4  }
0xaa: {  	v2 =	vadd.s32 s8, v2;
	_ =	sdelay $0x4  }
0xab: {  	[tilespmem:v2+s2+$0x0] =	vst.idx.add.f32.msk $0xffff, v1  }
0xac: {  	v2 =	vld [tilespmem:s10+$0xFFFFFFE0];
	_ =	sdelay $0x4  }
0xad: {  	v2 =	vadd.s32 s8, v2;
	_ =	sdelay $0x4  }
0xae: {  	[tilespmem:v2+s2+$0x0] =	vst.idx.add.f32.msk $0xffff, v1  }
0xaf: {  	v2 =	vld [tilespmem:s10+$0xFFFFFFF0];
	_ =	sdelay $0x4  }
0xb0: {  	v2 =	vadd.s32 s8, v2;
	_ =	sdelay $0x4  }
0xb1: {  	[tilespmem:v2+s2+$0x0] =	vst.idx.add.f32.msk $0xffff, v1  }
0xb2: {  	v2 =	vld [tilespmem:s10+$0x0];
	_ =	sdelay $0x4  }
0xb3: {  	v2 =	vadd.s32 s8, v2;
	_ =	sdelay $0x4  }
0xb4: {  	[tilespmem:v2+s2+$0x0] =	vst.idx.add.f32.msk $0xffff, v1  }
0xb5: {  	v2 =	vld [tilespmem:s10+$0x10];
	_ =	sdelay $0x4  }
0xb6: {  	v2 =	vadd.s32 s8, v2;
	_ =	sdelay $0x4  }
0xb7: {  	[tilespmem:v2+s2+$0x0] =	vst.idx.add.f32.msk $0xffff, v1  }
0xb8: {  	v2 =	vld [tilespmem:s10+$0x20];
	_ =	sdelay $0x4  }
0xb9: {  	v2 =	vadd.s32 s8, v2;
	_ =	sdelay $0x4  }
0xba: {  	[tilespmem:v2+s2+$0x0] =	vst.idx.add.f32.msk $0xffff, v1  }
0xbb: {  	v2 =	vld [tilespmem:s10+$0x30];
	_ =	sdelay $0x4  }
0xbc: {  	p0 =	sne.s32 s8, $0x1F00;
	v2 =	vadd.s32 s8, v2  }
.Ltmp2:
0xbd: {  	_ = 	snop;
	(pc) =	sbr.rel @p0 .LBB2_6-.Ltmp2, $2  }
0xbe: {  	_ =	sdelay $0x2  }
0xbf: {  	s9 =	sadd.s32 $0x100, s9;
	s10 =	sadd.s32 $0x80, s10;
	s8 =	sadd.s32 $0x100, s8;
	[tilespmem:v2+s2+$0x0] =	vst.idx.add.f32.msk $0xffff, v1  }
0xc0: {  	s8 =	rddreg [dreg:$0x9]  }
0xc1: {  	[hbm4b:s8+s0] =	stream.linear.scatter [tilespmem:s2], [sflag:$0x3], $0x2000, $0x38;
	[tilespmem:$0xA200] =	vst v63  }
0xc2: {  	_ =	swait.ge [sflag:s1], $0x1000  }
0xc3: {  	[sflag:s1] =	ssyncset.done $0x0  }
0xc4: {  	[sflag:s1] =	ssyncadd.s32 $0xFFFFF000  }
0xc5: {  	[tilespmem:s17], [sflag:$0x2] =	stream.linear.gather [hbm4b:s15+s0], $0x1000, $0x38;
	[tilespmem:$0xA200] =	vst v63  }
0xc6: {  	_ =	swait.ge [sflag:s4], $0x2000  }
0xc7: {  	[sflag:s4] =	ssyncset.done $0x0  }
0xc8: {  	[sflag:s4] =	ssyncadd.s32 $0xFFFFE000  }
0xc9: {  	_ =	swait.ge [sflag:s6], $0x2000  }
0xca: {  	[sflag:s6] =	ssyncset.done $0x0  }
0xcb: {  	s10 =	simm.s32 $0x100;
	[sflag:s6] =	ssyncadd.s32 $0xFFFFE000  }
0xcc: {  	[tilespmem:s29], [sflag:$0x1] =	stream.indirect.gather [hbm4b:s23+s28], $0x80, s10, s28, $0xb8;
	[tilespmem:$0xA200] =	vst v63  }
0xcd: {  	s9 =	simm.s32 $0x1270;
	s8 =	simm.s32 $0x2000;
	s10 =	simm.s32 $0x42F0  }
.LBB2_8:
0xce: {  	[tilespmem:s10+$0xFFFFFF10] =	vst v0  }
0xcf: {  	[tilespmem:s10+$0xFFFFFF20] =	vst v0  }
0xd0: {  	[tilespmem:s10+$0xFFFFFF30] =	vst v0  }
0xd1: {  	[tilespmem:s10+$0xFFFFFF40] =	vst v0  }
0xd2: {  	[tilespmem:s10+$0xFFFFFF50] =	vst v0  }
0xd3: {  	[tilespmem:s10+$0xFFFFFF60] =	vst v0  }
0xd4: {  	[tilespmem:s10+$0xFFFFFF70] =	vst v0  }
0xd5: {  	[tilespmem:s10+$0xFFFFFF80] =	vst v0  }
0xd6: {  	[tilespmem:s10+$0xFFFFFF90] =	vst v0  }
0xd7: {  	[tilespmem:s10+$0xFFFFFFA0] =	vst v0  }
0xd8: {  	[tilespmem:s10+$0xFFFFFFB0] =	vst v0  }
0xd9: {  	[tilespmem:s10+$0xFFFFFFC0] =	vst v0  }
0xda: {  	[tilespmem:s10+$0xFFFFFFD0] =	vst v0  }
0xdb: {  	[tilespmem:s10+$0xFFFFFFE0] =	vst v0  }
0xdc: {  	[tilespmem:s10+$0xFFFFFFF0] =	vst v0  }
0xdd: {  	[tilespmem:s10+$0x0] =	vst v0  }
0xde: {  	v2 =	vld [tilespmem:s9+$0xFFFFFF90];
	_ =	sdelay $0x4  }
0xdf: {  	v2 =	vadd.s32 s8, v2;
	_ =	sdelay $0x4  }
0xe0: {  	[tilespmem:v2+s2+$0x0] =	vst.idx.add.f32.msk $0xffff, v1  }
0xe1: {  	v2 =	vld [tilespmem:s9+$0xFFFFFFA0];
	_ =	sdelay $0x4  }
0xe2: {  	v2 =	vadd.s32 s8, v2;
	_ =	sdelay $0x4  }
0xe3: {  	[tilespmem:v2+s2+$0x0] =	vst.idx.add.f32.msk $0xffff, v1  }
0xe4: {  	v2 =	vld [tilespmem:s9+$0xFFFFFFB0];
	_ =	sdelay $0x4  }
0xe5: {  	v2 =	vadd.s32 s8, v2;
	_ =	sdelay $0x4  }
0xe6: {  	[tilespmem:v2+s2+$0x0] =	vst.idx.add.f32.msk $0xffff, v1  }
0xe7: {  	v2 =	vld [tilespmem:s9+$0xFFFFFFC0];
	_ =	sdelay $0x4  }
0xe8: {  	v2 =	vadd.s32 s8, v2;
	_ =	sdelay $0x4  }
0xe9: {  	[tilespmem:v2+s2+$0x0] =	vst.idx.add.f32.msk $0xffff, v1  }
0xea: {  	v2 =	vld [tilespmem:s9+$0xFFFFFFD0];
	_ =	sdelay $0x4  }
0xeb: {  	v2 =	vadd.s32 s8, v2;
	_ =	sdelay $0x4  }
0xec: {  	[tilespmem:v2+s2+$0x0] =	vst.idx.add.f32.msk $0xffff, v1  }
0xed: {  	v2 =	vld [tilespmem:s9+$0xFFFFFFE0];
	_ =	sdelay $0x4  }
0xee: {  	v2 =	vadd.s32 s8, v2;
	_ =	sdelay $0x4  }
0xef: {  	[tilespmem:v2+s2+$0x0] =	vst.idx.add.f32.msk $0xffff, v1  }
0xf0: {  	v2 =	vld [tilespmem:s9+$0xFFFFFFF0];
	_ =	sdelay $0x4  }
0xf1: {  	v2 =	vadd.s32 s8, v2;
	_ =	sdelay $0x4  }
0xf2: {  	[tilespmem:v2+s2+$0x0] =	vst.idx.add.f32.msk $0xffff, v1  }
0xf3: {  	v2 =	vld [tilespmem:s9+$0x0];
	_ =	sdelay $0x4  }
0xf4: {  	p0 =	sne.s32 s8, $0x3F00;
	v2 =	vadd.s32 s8, v2  }
.Ltmp3:
0xf5: {  	_ = 	snop;
	(pc) =	sbr.rel @p0 .LBB2_8-.Ltmp3, $2  }
0xf6: {  	_ =	sdelay $0x2  }
0xf7: {  	s10 =	sadd.s32 $0x100, s10;
	s9 =	sadd.s32 $0x80, s9;
	s8 =	sadd.s32 $0x100, s8;
	[tilespmem:v2+s2+$0x0] =	vst.idx.add.f32.msk $0xffff, v1  }
0xf8: {  	s8 =	simm.s32 $0x0;
	s9 =	rddreg [dreg:$0xa]  }
0xf9: {  	[hbm4b:s9+s8] =	stream.linear.scatter [tilespmem:s3], [sflag:$0x3], $0x2000, $0x38;
	[tilespmem:$0xA200] =	vst v63  }
0xfa: {  	_ =	swait.ge [sflag:s1], $0x1000  }
0xfb: {  	[sflag:s1] =	ssyncset.done $0x0  }
0xfc: {  	[sflag:s1] =	ssyncadd.s32 $0xFFFFF000  }
0xfd: {  	[tilespmem:s30], [sflag:$0x2] =	stream.linear.gather [hbm4b:s16+s8], $0x1000, $0x38;
	[tilespmem:$0xA200] =	vst v63  }
0xfe: {  	_ =	swait.ge [sflag:s4], $0x2000  }
0xff: {  	[sflag:s4] =	ssyncset.done $0x0  }
0x100: {  	[sflag:s4] =	ssyncadd.s32 $0xFFFFE000  }
0x101: {  	_ =	swait.ge [sflag:s5], $0x2000  }
0x102: {  	[sflag:s5] =	ssyncset.done $0x0  }
0x103: {  	s10 =	simm.s32 $0x240;
	s9 =	simm.s32 $0x2280;
	[sflag:s5] =	ssyncadd.s32 $0xFFFFE000  }
0x104: {  	[hbm4b:s18+s8] =	stream.linear.scatter [tilespmem:s31], [sflag:$0x4], $0x2000, $0x38;
	[tilespmem:$0xA200] =	vst v63  }
.LBB2_10:
0x105: {  	[tilespmem:s9+$0xFFFFFF80] =	vst v0  }
0x106: {  	[tilespmem:s9+$0xFFFFFF90] =	vst v0  }
0x107: {  	[tilespmem:s9+$0xFFFFFFA0] =	vst v0  }
0x108: {  	[tilespmem:s9+$0xFFFFFFB0] =	vst v0  }
0x109: {  	[tilespmem:s9+$0xFFFFFFC0] =	vst v0  }
0x10a: {  	[tilespmem:s9+$0xFFFFFFD0] =	vst v0  }
0x10b: {  	[tilespmem:s9+$0xFFFFFFE0] =	vst v0  }
0x10c: {  	[tilespmem:s9+$0xFFFFFFF0] =	vst v0  }
0x10d: {  	[tilespmem:s9+$0x0] =	vst v0  }
0x10e: {  	[tilespmem:s9+$0x10] =	vst v0  }
0x10f: {  	[tilespmem:s9+$0x20] =	vst v0  }
0x110: {  	[tilespmem:s9+$0x30] =	vst v0  }
0x111: {  	[tilespmem:s9+$0x40] =	vst v0  }
0x112: {  	[tilespmem:s9+$0x50] =	vst v0  }
0x113: {  	[tilespmem:s9+$0x60] =	vst v0  }
0x114: {  	[tilespmem:s9+$0x70] =	vst v0  }
0x115: {  	v2 =	vld [tilespmem:s10+$0xFFFFFFC0];
	_ =	sdelay $0x4  }
0x116: {  	v2 =	vadd.s32 s8, v2;
	_ =	sdelay $0x4  }
0x117: {  	[tilespmem:v2+s2+$0x0] =	vst.idx.add.f32.msk $0xffff, v1  }
0x118: {  	v2 =	vld [tilespmem:s10+$0xFFFFFFD0];
	_ =	sdelay $0x4  }
0x119: {  	v2 =	vadd.s32 s8, v2;
	_ =	sdelay $0x4  }
0x11a: {  	[tilespmem:v2+s2+$0x0] =	vst.idx.add.f32.msk $0xffff, v1  }
0x11b: {  	v2 =	vld [tilespmem:s10+$0xFFFFFFE0];
	_ =	sdelay $0x4  }
0x11c: {  	v2 =	vadd.s32 s8, v2;
	_ =	sdelay $0x4  }
0x11d: {  	[tilespmem:v2+s2+$0x0] =	vst.idx.add.f32.msk $0xffff, v1  }
0x11e: {  	v2 =	vld [tilespmem:s10+$0xFFFFFFF0];
	_ =	sdelay $0x4  }
0x11f: {  	v2 =	vadd.s32 s8, v2;
	_ =	sdelay $0x4  }
0x120: {  	[tilespmem:v2+s2+$0x0] =	vst.idx.add.f32.msk $0xffff, v1  }
0x121: {  	v2 =	vld [tilespmem:s10+$0x0];
	_ =	sdelay $0x4  }
0x122: {  	v2 =	vadd.s32 s8, v2;
	_ =	sdelay $0x4  }
0x123: {  	[tilespmem:v2+s2+$0x0] =	vst.idx.add.f32.msk $0xffff, v1  }
0x124: {  	v2 =	vld [tilespmem:s10+$0x10];
	_ =	sdelay $0x4  }
0x125: {  	v2 =	vadd.s32 s8, v2;
	_ =	sdelay $0x4  }
0x126: {  	[tilespmem:v2+s2+$0x0] =	vst.idx.add.f32.msk $0xffff, v1  }
0x127: {  	v2 =	vld [tilespmem:s10+$0x20];
	_ =	sdelay $0x4  }
0x128: {  	v2 =	vadd.s32 s8, v2;
	_ =	sdelay $0x4  }
0x129: {  	[tilespmem:v2+s2+$0x0] =	vst.idx.add.f32.msk $0xffff, v1  }
0x12a: {  	v2 =	vld [tilespmem:s10+$0x30];
	_ =	sdelay $0x4  }
0x12b: {  	p0 =	sne.s32 s8, $0x1F00;
	v2 =	vadd.s32 s8, v2  }
.Ltmp4:
0x12c: {  	_ = 	snop;
	(pc) =	sbr.rel @p0 .LBB2_10-.Ltmp4, $2  }
0x12d: {  	_ =	sdelay $0x2  }
0x12e: {  	s9 =	sadd.s32 $0x100, s9;
	s10 =	sadd.s32 $0x80, s10;
	s8 =	sadd.s32 $0x100, s8;
	[tilespmem:v2+s2+$0x0] =	vst.idx.add.f32.msk $0xffff, v1  }
0x12f: {  	[hbm4b:s11+s0] =	stream.linear.scatter [tilespmem:s2], [sflag:$0x3], $0x2000, $0x38;
	[tilespmem:$0xA200] =	vst v63  }
0x130: {  	_ =	swait.ge [sflag:s1], $0x1000  }
0x131: {  	[sflag:s1] =	ssyncset.done $0x0  }
0x132: {  	[sflag:s1] =	ssyncadd.s32 $0xFFFFF000  }
0x133: {  	[tilespmem:s17], [sflag:$0x2] =	stream.linear.gather [hbm4b:s20+s0], $0x1000, $0x38;
	[tilespmem:$0xA200] =	vst v63  }
0x134: {  	_ =	swait.ge [sflag:s4], $0x2000  }
0x135: {  	[sflag:s4] =	ssyncset.done $0x0  }
0x136: {  	[sflag:s4] =	ssyncadd.s32 $0xFFFFE000  }
0x137: {  	_ =	swait.ge [sflag:s6], $0x2000  }
0x138: {  	[sflag:s6] =	ssyncset.done $0x0  }
0x139: {  	s8 =	simm.s32 $0x180;
	[sflag:s6] =	ssyncadd.s32 $0xFFFFE000  }
0x13a: {  	[tilespmem:s31], [sflag:$0x1] =	stream.indirect.gather [hbm4b:s23+s28], $0x80, s8, s28, $0xb8;
	[tilespmem:$0xA200] =	vst v63  }
0x13b: {  	s9 =	simm.s32 $0x1270;
	s10 =	simm.s32 $0x42F0;
	s8 =	simm.s32 $0x2000  }
.LBB2_12:
0x13c: {  	[tilespmem:s10+$0xFFFFFF10] =	vst v0  }
0x13d: {  	[tilespmem:s10+$0xFFFFFF20] =	vst v0  }
0x13e: {  	[tilespmem:s10+$0xFFFFFF30] =	vst v0  }
0x13f: {  	[tilespmem:s10+$0xFFFFFF40] =	vst v0  }
0x140: {  	[tilespmem:s10+$0xFFFFFF50] =	vst v0  }
0x141: {  	[tilespmem:s10+$0xFFFFFF60] =	vst v0  }
0x142: {  	[tilespmem:s10+$0xFFFFFF70] =	vst v0  }
0x143: {  	[tilespmem:s10+$0xFFFFFF80] =	vst v0  }
0x144: {  	[tilespmem:s10+$0xFFFFFF90] =	vst v0  }
0x145: {  	[tilespmem:s10+$0xFFFFFFA0] =	vst v0  }
0x146: {  	[tilespmem:s10+$0xFFFFFFB0] =	vst v0  }
0x147: {  	[tilespmem:s10+$0xFFFFFFC0] =	vst v0  }
0x148: {  	[tilespmem:s10+$0xFFFFFFD0] =	vst v0  }
0x149: {  	[tilespmem:s10+$0xFFFFFFE0] =	vst v0  }
0x14a: {  	[tilespmem:s10+$0xFFFFFFF0] =	vst v0  }
0x14b: {  	[tilespmem:s10+$0x0] =	vst v0  }
0x14c: {  	v2 =	vld [tilespmem:s9+$0xFFFFFF90];
	_ =	sdelay $0x4  }
0x14d: {  	v2 =	vadd.s32 s8, v2;
	_ =	sdelay $0x4  }
0x14e: {  	[tilespmem:v2+s2+$0x0] =	vst.idx.add.f32.msk $0xffff, v1  }
0x14f: {  	v2 =	vld [tilespmem:s9+$0xFFFFFFA0];
	_ =	sdelay $0x4  }
0x150: {  	v2 =	vadd.s32 s8, v2;
	_ =	sdelay $0x4  }
0x151: {  	[tilespmem:v2+s2+$0x0] =	vst.idx.add.f32.msk $0xffff, v1  }
0x152: {  	v2 =	vld [tilespmem:s9+$0xFFFFFFB0];
	_ =	sdelay $0x4  }
0x153: {  	v2 =	vadd.s32 s8, v2;
	_ =	sdelay $0x4  }
0x154: {  	[tilespmem:v2+s2+$0x0] =	vst.idx.add.f32.msk $0xffff, v1  }
0x155: {  	v2 =	vld [tilespmem:s9+$0xFFFFFFC0];
	_ =	sdelay $0x4  }
0x156: {  	v2 =	vadd.s32 s8, v2;
	_ =	sdelay $0x4  }
0x157: {  	[tilespmem:v2+s2+$0x0] =	vst.idx.add.f32.msk $0xffff, v1  }
0x158: {  	v2 =	vld [tilespmem:s9+$0xFFFFFFD0];
	_ =	sdelay $0x4  }
0x159: {  	v2 =	vadd.s32 s8, v2;
	_ =	sdelay $0x4  }
0x15a: {  	[tilespmem:v2+s2+$0x0] =	vst.idx.add.f32.msk $0xffff, v1  }
0x15b: {  	v2 =	vld [tilespmem:s9+$0xFFFFFFE0];
	_ =	sdelay $0x4  }
0x15c: {  	v2 =	vadd.s32 s8, v2;
	_ =	sdelay $0x4  }
0x15d: {  	[tilespmem:v2+s2+$0x0] =	vst.idx.add.f32.msk $0xffff, v1  }
0x15e: {  	v2 =	vld [tilespmem:s9+$0xFFFFFFF0];
	_ =	sdelay $0x4  }
0x15f: {  	v2 =	vadd.s32 s8, v2;
	_ =	sdelay $0x4  }
0x160: {  	[tilespmem:v2+s2+$0x0] =	vst.idx.add.f32.msk $0xffff, v1  }
0x161: {  	v2 =	vld [tilespmem:s9+$0x0];
	_ =	sdelay $0x4  }
0x162: {  	p0 =	sne.s32 s8, $0x3F00;
	v2 =	vadd.s32 s8, v2  }
.Ltmp5:
0x163: {  	_ = 	snop;
	(pc) =	sbr.rel @p0 .LBB2_12-.Ltmp5, $2  }
0x164: {  	_ =	sdelay $0x2  }
0x165: {  	s10 =	sadd.s32 $0x100, s10;
	s9 =	sadd.s32 $0x80, s9;
	s8 =	sadd.s32 $0x100, s8;
	[tilespmem:v2+s2+$0x0] =	vst.idx.add.f32.msk $0xffff, v1  }
0x166: {  	s8 =	simm.s32 $0x0  }
0x167: {  	[hbm4b:s12+s8] =	stream.linear.scatter [tilespmem:s3], [sflag:$0x3], $0x2000, $0x38;
	[tilespmem:$0xA200] =	vst v63  }
0x168: {  	_ =	swait.ge [sflag:s1], $0x1000  }
0x169: {  	[sflag:s1] =	ssyncset.done $0x0  }
0x16a: {  	[sflag:s1] =	ssyncadd.s32 $0xFFFFF000  }
0x16b: {  	[tilespmem:s30], [sflag:$0x2] =	stream.linear.gather [hbm4b:s19+s8], $0x1000, $0x38;
	[tilespmem:$0xA200] =	vst v63  }
0x16c: {  	_ =	swait.ge [sflag:s4], $0x2000  }
0x16d: {  	[sflag:s4] =	ssyncset.done $0x0  }
0x16e: {  	[sflag:s4] =	ssyncadd.s32 $0xFFFFE000  }
0x16f: {  	_ =	swait.ge [sflag:s5], $0x2000  }
0x170: {  	[sflag:s5] =	ssyncset.done $0x0  }
0x171: {  	s9 =	simm.s32 $0x2280;
	s10 =	simm.s32 $0x240;
	[sflag:s5] =	ssyncadd.s32 $0xFFFFE000  }
0x172: {  	[hbm4b:s21+s8] =	stream.linear.scatter [tilespmem:s29], [sflag:$0x4], $0x2000, $0x38;
	[tilespmem:$0xA200] =	vst v63  }
.LBB2_14:
0x173: {  	[tilespmem:s9+$0xFFFFFF80] =	vst v0  }
0x174: {  	[tilespmem:s9+$0xFFFFFF90] =	vst v0  }
0x175: {  	[tilespmem:s9+$0xFFFFFFA0] =	vst v0  }
0x176: {  	[tilespmem:s9+$0xFFFFFFB0] =	vst v0  }
0x177: {  	[tilespmem:s9+$0xFFFFFFC0] =	vst v0  }
0x178: {  	[tilespmem:s9+$0xFFFFFFD0] =	vst v0  }
0x179: {  	[tilespmem:s9+$0xFFFFFFE0] =	vst v0  }
0x17a: {  	[tilespmem:s9+$0xFFFFFFF0] =	vst v0  }
0x17b: {  	[tilespmem:s9+$0x0] =	vst v0  }
0x17c: {  	[tilespmem:s9+$0x10] =	vst v0  }
0x17d: {  	[tilespmem:s9+$0x20] =	vst v0  }
0x17e: {  	[tilespmem:s9+$0x30] =	vst v0  }
0x17f: {  	[tilespmem:s9+$0x40] =	vst v0  }
0x180: {  	[tilespmem:s9+$0x50] =	vst v0  }
0x181: {  	[tilespmem:s9+$0x60] =	vst v0  }
0x182: {  	[tilespmem:s9+$0x70] =	vst v0  }
0x183: {  	v2 =	vld [tilespmem:s10+$0xFFFFFFC0];
	_ =	sdelay $0x4  }
0x184: {  	v2 =	vadd.s32 s8, v2;
	_ =	sdelay $0x4  }
0x185: {  	[tilespmem:v2+s2+$0x0] =	vst.idx.add.f32.msk $0xffff, v1  }
0x186: {  	v2 =	vld [tilespmem:s10+$0xFFFFFFD0];
	_ =	sdelay $0x4  }
0x187: {  	v2 =	vadd.s32 s8, v2;
	_ =	sdelay $0x4  }
0x188: {  	[tilespmem:v2+s2+$0x0] =	vst.idx.add.f32.msk $0xffff, v1  }
0x189: {  	v2 =	vld [tilespmem:s10+$0xFFFFFFE0];
	_ =	sdelay $0x4  }
0x18a: {  	v2 =	vadd.s32 s8, v2;
	_ =	sdelay $0x4  }
0x18b: {  	[tilespmem:v2+s2+$0x0] =	vst.idx.add.f32.msk $0xffff, v1  }
0x18c: {  	v2 =	vld [tilespmem:s10+$0xFFFFFFF0];
	_ =	sdelay $0x4  }
0x18d: {  	v2 =	vadd.s32 s8, v2;
	_ =	sdelay $0x4  }
0x18e: {  	[tilespmem:v2+s2+$0x0] =	vst.idx.add.f32.msk $0xffff, v1  }
0x18f: {  	v2 =	vld [tilespmem:s10+$0x0];
	_ =	sdelay $0x4  }
0x190: {  	v2 =	vadd.s32 s8, v2;
	_ =	sdelay $0x4  }
0x191: {  	[tilespmem:v2+s2+$0x0] =	vst.idx.add.f32.msk $0xffff, v1  }
0x192: {  	v2 =	vld [tilespmem:s10+$0x10];
	_ =	sdelay $0x4  }
0x193: {  	v2 =	vadd.s32 s8, v2;
	_ =	sdelay $0x4  }
0x194: {  	[tilespmem:v2+s2+$0x0] =	vst.idx.add.f32.msk $0xffff, v1  }
0x195: {  	v2 =	vld [tilespmem:s10+$0x20];
	_ =	sdelay $0x4  }
0x196: {  	v2 =	vadd.s32 s8, v2;
	_ =	sdelay $0x4  }
0x197: {  	[tilespmem:v2+s2+$0x0] =	vst.idx.add.f32.msk $0xffff, v1  }
0x198: {  	v2 =	vld [tilespmem:s10+$0x30];
	_ =	sdelay $0x4  }
0x199: {  	p0 =	sne.s32 s8, $0x1F00;
	v2 =	vadd.s32 s8, v2  }
.Ltmp6:
0x19a: {  	_ = 	snop;
	(pc) =	sbr.rel @p0 .LBB2_14-.Ltmp6, $2  }
0x19b: {  	_ =	sdelay $0x2  }
0x19c: {  	s9 =	sadd.s32 $0x100, s9;
	s10 =	sadd.s32 $0x80, s10;
	s8 =	sadd.s32 $0x100, s8;
	[tilespmem:v2+s2+$0x0] =	vst.idx.add.f32.msk $0xffff, v1  }
0x19d: {  	[hbm4b:s13+s0] =	stream.linear.scatter [tilespmem:s2], [sflag:$0x3], $0x2000, $0x38;
	[tilespmem:$0xA200] =	vst v63  }
0x19e: {  	_ =	swait.ge [sflag:s1], $0x1000  }
0x19f: {  	[sflag:s1] =	ssyncset.done $0x0  }
0x1a0: {  	[sflag:s1] =	ssyncadd.s32 $0xFFFFF000  }
0x1a1: {  	_ =	swait.ge [sflag:s4], $0x2000  }
0x1a2: {  	s8 =	simm.s32 $0x2000;
	[sflag:s4] =	ssyncset.done $0x0  }
0x1a3: {  	s9 =	simm.s32 $0x1270;
	s10 =	simm.s32 $0x42F0;
	[sflag:s4] =	ssyncadd.s32 $0xFFFFE000  }
.LBB2_16:
0x1a4: {  	[tilespmem:s10+$0xFFFFFF10] =	vst v0  }
0x1a5: {  	[tilespmem:s10+$0xFFFFFF20] =	vst v0  }
0x1a6: {  	[tilespmem:s10+$0xFFFFFF30] =	vst v0  }
0x1a7: {  	[tilespmem:s10+$0xFFFFFF40] =	vst v0  }
0x1a8: {  	[tilespmem:s10+$0xFFFFFF50] =	vst v0  }
0x1a9: {  	[tilespmem:s10+$0xFFFFFF60] =	vst v0  }
0x1aa: {  	[tilespmem:s10+$0xFFFFFF70] =	vst v0  }
0x1ab: {  	[tilespmem:s10+$0xFFFFFF80] =	vst v0  }
0x1ac: {  	[tilespmem:s10+$0xFFFFFF90] =	vst v0  }
0x1ad: {  	[tilespmem:s10+$0xFFFFFFA0] =	vst v0  }
0x1ae: {  	[tilespmem:s10+$0xFFFFFFB0] =	vst v0  }
0x1af: {  	[tilespmem:s10+$0xFFFFFFC0] =	vst v0  }
0x1b0: {  	[tilespmem:s10+$0xFFFFFFD0] =	vst v0  }
0x1b1: {  	[tilespmem:s10+$0xFFFFFFE0] =	vst v0  }
0x1b2: {  	[tilespmem:s10+$0xFFFFFFF0] =	vst v0  }
0x1b3: {  	[tilespmem:s10+$0x0] =	vst v0  }
0x1b4: {  	v2 =	vld [tilespmem:s9+$0xFFFFFF90];
	_ =	sdelay $0x4  }
0x1b5: {  	v2 =	vadd.s32 s8, v2;
	_ =	sdelay $0x4  }
0x1b6: {  	[tilespmem:v2+s2+$0x0] =	vst.idx.add.f32.msk $0xffff, v1  }
0x1b7: {  	v2 =	vld [tilespmem:s9+$0xFFFFFFA0];
	_ =	sdelay $0x4  }
0x1b8: {  	v2 =	vadd.s32 s8, v2;
	_ =	sdelay $0x4  }
0x1b9: {  	[tilespmem:v2+s2+$0x0] =	vst.idx.add.f32.msk $0xffff, v1  }
0x1ba: {  	v2 =	vld [tilespmem:s9+$0xFFFFFFB0];
	_ =	sdelay $0x4  }
0x1bb: {  	v2 =	vadd.s32 s8, v2;
	_ =	sdelay $0x4  }
0x1bc: {  	[tilespmem:v2+s2+$0x0] =	vst.idx.add.f32.msk $0xffff, v1  }
0x1bd: {  	v2 =	vld [tilespmem:s9+$0xFFFFFFC0];
	_ =	sdelay $0x4  }
0x1be: {  	v2 =	vadd.s32 s8, v2;
	_ =	sdelay $0x4  }
0x1bf: {  	[tilespmem:v2+s2+$0x0] =	vst.idx.add.f32.msk $0xffff, v1  }
0x1c0: {  	v2 =	vld [tilespmem:s9+$0xFFFFFFD0];
	_ =	sdelay $0x4  }
0x1c1: {  	v2 =	vadd.s32 s8, v2;
	_ =	sdelay $0x4  }
0x1c2: {  	[tilespmem:v2+s2+$0x0] =	vst.idx.add.f32.msk $0xffff, v1  }
0x1c3: {  	v2 =	vld [tilespmem:s9+$0xFFFFFFE0];
	_ =	sdelay $0x4  }
0x1c4: {  	v2 =	vadd.s32 s8, v2;
	_ =	sdelay $0x4  }
0x1c5: {  	[tilespmem:v2+s2+$0x0] =	vst.idx.add.f32.msk $0xffff, v1  }
0x1c6: {  	v2 =	vld [tilespmem:s9+$0xFFFFFFF0];
	_ =	sdelay $0x4  }
0x1c7: {  	v2 =	vadd.s32 s8, v2;
	_ =	sdelay $0x4  }
0x1c8: {  	[tilespmem:v2+s2+$0x0] =	vst.idx.add.f32.msk $0xffff, v1  }
0x1c9: {  	v2 =	vld [tilespmem:s9+$0x0];
	_ =	sdelay $0x4  }
0x1ca: {  	p0 =	sne.s32 s8, $0x3F00;
	v2 =	vadd.s32 s8, v2  }
.Ltmp7:
0x1cb: {  	_ = 	snop;
	(pc) =	sbr.rel @p0 .LBB2_16-.Ltmp7, $2  }
0x1cc: {  	_ =	sdelay $0x2  }
0x1cd: {  	s10 =	sadd.s32 $0x100, s10;
	s9 =	sadd.s32 $0x80, s9;
	s8 =	sadd.s32 $0x100, s8;
	[tilespmem:v2+s2+$0x0] =	vst.idx.add.f32.msk $0xffff, v1  }
0x1ce: {  	[hbm4b:s14+s0] =	stream.linear.scatter [tilespmem:s3], [sflag:$0x3], $0x2000, $0x38;
	[tilespmem:$0xA200] =	vst v63  }
0x1cf: {  	_ =	swait.ge [sflag:s4], $0x2000  }
0x1d0: {  	[sflag:s4] =	ssyncset.done $0x0  }
0x1d1: {  	[sflag:s4] =	ssyncadd.s32 $0xFFFFE000  }
0x1d2: {  	_ =	swait.ge [sflag:s4], $0x2000  }
0x1d3: {  	[sflag:s4] =	ssyncset.done $0x0  }
0x1d4: {  	[sflag:s4] =	ssyncadd.s32 $0xFFFFE000  }
0x1d5: {  	_ =	swait.ge [sflag:s5], $0x2000  }
0x1d6: {  	[sflag:s5] =	ssyncset.done $0x0  }
0x1d7: {  	s7 =	sadd.s32 $0x1, s7;
	[sflag:s5] =	ssyncadd.s32 $0xFFFFE000  }
0x1d8: {  	[hbm4b:s22+s0] =	stream.linear.scatter [tilespmem:s31], [sflag:$0x4], $0x2000, $0x38;
	[tilespmem:$0xA200] =	vst v63  }
0x1d9: {  	p0 =	sne.s32 s7, s25;
	_ =	swait.ge [sflag:s6], $0x2000  }
.Ltmp8:
0x1da: {  	[sflag:s6] =	ssyncset.done $0x0;
	(pc) =	sbr.rel @p0 .LBB2_1-.Ltmp8, $4  }
0x1db: {  	[sflag:s6] =	ssyncadd.s32 $0xFFFFE000  }
0x1dc: {  	_ =	swait.ge [sflag:s6], $0x2000  }
0x1dd: {  	[sflag:s6] =	ssyncset.done $0x0  }
0x1de: {  	[sflag:s6] =	ssyncadd.s32 $0xFFFFE000  }
0x1df: {  	_ =	sfence.sel $0x180000  }
0x1e0: {  	[bflag:$0x0] =	sbarrier.arrive $0xFFFF  }
0x1e1: {  	_ =	strace $0x90000047  }
0x1e2: {  	s0 =	stileid.u32;
	[bflag:$0x2] =	sbarrier.arrive $0xFFFF  }
0x1e3: {  	p0 =	sne.s32 s0, $0x0;
	s0 =	rddreg [dreg:$0x1]  }
0x1e4: {  	s0 =	sadd.s32 @!p0 $0x100000, s0  }
0x1e5: {  	[sflag:s0] =	ssyncadd.tile.s32 @!p0 $0x1;
	_ =	shalt  }
.Lfunc_end2:
_tile_overlayer_lowered:
.L_overlay_start_2:
0x1e6: {  	(tag) =	ssettag $0x2  }
0x1e7: {  	s0 =	rddreg [dreg:$0x0];
	s2 =	stileid.u32  }
0x1e8: {  	s1 =	rddreg [dreg:$0x1];
	p0 =	sne.s32 s2, $0x0  }
0x1e9: {  	s3 =	rddreg [dreg:$0x2];
	[bflag:$0x3] =	sbarrier.arrive $0xFFFF;
	s2 =	simm.s32 @!p0 $0x1C05  }
0x1ea: {  	[timem:s3], [sflag:s2] =	dma.local @!p0 [hbm:s0], s1  }
0x1eb: {  	s0 =	simm.s32 @!p0 $0x5  }
0x1ec: {  	_ =	swait.ge @!p0 [sflag:s0], s1  }
0x1ed: {  	s1 =	ssub.s32 @!p0 $0x0, s1;
	[sflag:s0] =	ssyncset.done @!p0 $0x0  }
0x1ee: {  	[sflag:s0] =	ssyncadd.s32 @!p0 s1  }
0x1ef: {  	[bflag:$0x3] =	sbarrier.arrive $0xFFFF  }
0x1f0: {  	_ =	shalt  }

</sc_bundles>
